<compile_context>
chip_gen: v7x
topology: tpu7x:2x2x1
jax: 0.10.2.dev20260603
libtpu: 0.0.44.dev20260713+nightly
codegen_flags: <defaults>
</compile_context>

<pallas_src>
import functools

import jax
import jax.numpy as jnp
from jax import lax
from jax.experimental import pallas as pl
from jax.experimental.pallas import tpu as pltpu
from jax.experimental.pallas import tpu_sc as plsc

B, S, D = 4, 4096, 4096
NC, NS = 2, 16
NW = NC * NS
ROWS = B * S
ROWS_PER_W = ROWS // NW
CHUNK = 8
N_CHUNKS = ROWS_PER_W // CHUNK


def _sc_body(x_hbm, emb_hbm, out_hbm, bufx, bufe):
    c = lax.axis_index("c")
    s = lax.axis_index("s")
    wid = s * NC + c
    row0 = wid * ROWS_PER_W
    erow0 = (wid % (S // ROWS_PER_W)) * ROWS_PER_W

    def chunk(i, carry):
        base = row0 + i * CHUNK
        ebase = erow0 + i * CHUNK
        pltpu.sync_copy(x_hbm.at[pl.ds(base, CHUNK)], bufx)
        pltpu.sync_copy(emb_hbm.at[pl.ds(ebase, CHUNK)], bufe)

        for r in range(CHUNK):
            def inner(j, cc):
                col = j * 256
                for k in range(16):
                    sl = pl.ds(col + k * 16, 16)
                    bufx[r, sl] = bufx[r, sl] + bufe[r, sl]
                return cc

            lax.fori_loop(0, D // 256, inner, 0)

        pltpu.sync_copy(bufx, out_hbm.at[pl.ds(base, CHUNK)])
        return carry

    lax.fori_loop(0, N_CHUNKS, chunk, 0)


@functools.partial(jax.jit, donate_argnums=())
def _sc_add(x2d, emb):
    mesh = plsc.VectorSubcoreMesh(core_axis_name="c", subcore_axis_name="s")
    f = pl.kernel(
        _sc_body,
        mesh=mesh,
        out_type=jax.ShapeDtypeStruct((ROWS, D), jnp.float32),
        scratch_types=[
            pltpu.VMEM((CHUNK, D), jnp.float32),
            pltpu.VMEM((CHUNK, D), jnp.float32),
        ],
    )
    return f(x2d, emb)


def kernel(x, emb_weight):
    batch, seq_len, d_model = x.shape
    out2d = _sc_add(x.reshape(batch * seq_len, d_model), emb_weight)
    return out2d.reshape(x.shape)

# --- scband reference (transcript-rebuilt; emitter-appended) ---
"""Pipeline reference for scband-learned-positional-embedding-50955492000073 (READ-ONLY COPY).

The authoritative reference and input builder live on the scoring server;
editing this copy changes nothing except your own understanding.
"""

import jax, jax.numpy as jnp
import numpy as np

D_MODEL = 4096
MAX_LEN = 4096
BATCH = 4
SEQ_LEN = 4096

def setup_inputs(seed: int = 0) -> dict:
    key = jax.random.key(seed)
    kx, kw = jax.random.split(key)
    x = jax.random.normal(kx, (BATCH, SEQ_LEN, D_MODEL), dtype=jnp.float32)
    # nn.Embedding weight initialized ~ N(0, 0.02)
    emb_weight = jax.random.normal(kw, (MAX_LEN, D_MODEL), dtype=jnp.float32) * 0.02
    return {"x": x, "emb_weight": emb_weight}

def reference(x, emb_weight):
    # Faithful translation of LearnedPositionalEmbedding.forward (eval mode: dropout is identity).
    seq_len = x.shape[1]
    positions = jnp.arange(seq_len)
    pos_emb = jnp.take(emb_weight, positions, axis=0)  # embedding gather
    out = x + pos_emb  # broadcast over batch
    return out

if __name__ == "__main__":
    import jax
    _d = setup_inputs()
    print(jax.jit(kernel)(*tuple(_d.values())))

</pallas_src>

<mosaic_0001>
#map = affine_map<(d0, d1) -> (0, 0)>
module attributes {stable_mosaic.version = 14 : i64} {
  func.func @_sc_body(%arg0: i32, %arg1: i32, %arg2: memref<16384x4096xf32, #tpu.memory_space<hbm>>, %arg3: memref<4096x4096xf32, #tpu.memory_space<hbm>>, %arg4: memref<16384x4096xf32, #tpu.memory_space<hbm>>, %arg5: memref<8x4096xf32, #tpu.memory_space<vmem>>, %arg6: memref<8x4096xf32, #tpu.memory_space<vmem>>) attributes {dimension_semantics = [#tpu.dimension_semantics<core_parallel>, #tpu.dimension_semantics<subcore_parallel>], iteration_bounds = array<i64: 2, 16>, scalar_prefetch = 0 : i64, scratch_operands = 2 : i64, tpu.core_type = #tpu.core_type<sc_vector_subcore>, window_params = [{transform_indices = #map}, {transform_indices = #map}, {transform_indices = #map}]} {
    %mul3A = arith.constant 2 : i32
    %mul3A_0 = arith.muli %arg1, %mul3A : i32
    %add3A = arith.addi %mul3A_0, %arg0 : i32
    %mul3A_1 = arith.constant 512 : i32
    %mul3A_2 = arith.muli %add3A, %mul3A_1 : i32
    %jit3A = arith.constant 8 : i32
    %eq3A = arith.constant 0 : i32
    %eq3A_3 = arith.cmpi eq, %jit3A, %eq3A : i32
    %jit3A_4 = arith.constant 1 : i32
    %select_n3A = arith.select %eq3A_3, %jit3A_4, %jit3A : i32
    %rem3A = arith.remsi %add3A, %select_n3A : i32
    %ne3A = arith.constant 0 : i32
    %ne3A_5 = arith.cmpi ne, %rem3A, %ne3A : i32
    %lt3A = arith.constant 0 : i32
    %lt3A_6 = arith.cmpi slt, %rem3A, %lt3A : i32
    %lt3A_7 = arith.constant 0 : i32
    %lt3A_8 = arith.cmpi slt, %select_n3A, %lt3A_7 : i32
    %ne3A_9 = arith.xori %lt3A_6, %lt3A_8 : i1
    %and3A = arith.andi %ne3A_9, %ne3A_5 : i1
    %add3A_10 = arith.addi %rem3A, %select_n3A : i32
    %select_n3A_11 = arith.select %and3A, %add3A_10, %rem3A : i32
    %mul3A_12 = arith.constant 512 : i32
    %mul3A_13 = arith.muli %select_n3A_11, %mul3A_12 : i32
    %scan3A = arith.constant 0 : i32
    %scan3A_14 = arith.constant 0 : i32
    %scan3A_15 = arith.constant 64 : i32
    %scan3A_16 = arith.addi %scan3A_14, %scan3A_15 : i32
    %scan3A_17 = arith.constant 1 : i32
    scf.for %scan3A_19 = %scan3A_14 to %scan3A_16 step %scan3A_17  : i32 {
      %mul3A_20 = arith.constant 8 : i32
      %mul3A_21 = arith.muli %scan3A_19, %mul3A_20 : i32
      %add3A_22 = arith.addi %mul3A_2, %mul3A_21 : i32
      %mul3A_23 = arith.constant 8 : i32
      %mul3A_24 = arith.muli %scan3A_19, %mul3A_23 : i32
      %add3A_25 = arith.addi %mul3A_13, %mul3A_24 : i32
      "tpu.region"() ({
        %run_scoped3A = tpu.sem_alloc : memref<!tpu.dma_semaphore, #tpu.memory_space<semaphore_mem>>
        %dma_start3A = arith.constant 0 : i32
        %dma_start3A_74 = tpu.memref_slice %arg2[%add3A_22, %dma_start3A] : memref<16384x4096xf32, #tpu.memory_space<hbm>> -> memref<8x4096xf32, #tpu.memory_space<hbm>>
        %dma_start3A_75 = arith.constant 0 : i32
        %dma_start3A_76 = tpu.memref_slice %arg2[%add3A_22, %dma_start3A_75] : memref<16384x4096xf32, #tpu.memory_space<hbm>> -> memref<8x4096xf32, #tpu.memory_space<hbm>>
        tpu.enqueue_dma source(%dma_start3A_76 : memref<8x4096xf32, #tpu.memory_space<hbm>>) target(%arg5 : memref<8x4096xf32, #tpu.memory_space<vmem>>) target_semaphore(%run_scoped3A : memref<!tpu.dma_semaphore, #tpu.memory_space<semaphore_mem>>)
        %dma_wait3A = arith.constant 0 : i32
        %dma_wait3A_77 = tpu.memref_slice %arg2[%add3A_22, %dma_wait3A] : memref<16384x4096xf32, #tpu.memory_space<hbm>> -> memref<8x4096xf32, #tpu.memory_space<hbm>>
        %dma_wait3A_78 = arith.constant 0 : i32
        %dma_wait3A_79 = tpu.memref_slice %arg2[%add3A_22, %dma_wait3A_78] : memref<16384x4096xf32, #tpu.memory_space<hbm>> -> memref<8x4096xf32, #tpu.memory_space<hbm>>
        tpu.wait_dma2 semaphore(%run_scoped3A : memref<!tpu.dma_semaphore, #tpu.memory_space<semaphore_mem>>) src(%dma_wait3A_79 : memref<8x4096xf32, #tpu.memory_space<hbm>>) dst(%arg5 : memref<8x4096xf32, #tpu.memory_space<vmem>>)
        tpu.yield
      }) : () -> ()
      "tpu.region"() ({
        %run_scoped3A = tpu.sem_alloc : memref<!tpu.dma_semaphore, #tpu.memory_space<semaphore_mem>>
        %dma_start3A = arith.constant 0 : i32
        %dma_start3A_74 = tpu.memref_slice %arg3[%add3A_25, %dma_start3A] : memref<4096x4096xf32, #tpu.memory_space<hbm>> -> memref<8x4096xf32, #tpu.memory_space<hbm>>
        %dma_start3A_75 = arith.constant 0 : i32
        %dma_start3A_76 = tpu.memref_slice %arg3[%add3A_25, %dma_start3A_75] : memref<4096x4096xf32, #tpu.memory_space<hbm>> -> memref<8x4096xf32, #tpu.memory_space<hbm>>
        tpu.enqueue_dma source(%dma_start3A_76 : memref<8x4096xf32, #tpu.memory_space<hbm>>) target(%arg6 : memref<8x4096xf32, #tpu.memory_space<vmem>>) target_semaphore(%run_scoped3A : memref<!tpu.dma_semaphore, #tpu.memory_space<semaphore_mem>>)
        %dma_wait3A = arith.constant 0 : i32
        %dma_wait3A_77 = tpu.memref_slice %arg3[%add3A_25, %dma_wait3A] : memref<4096x4096xf32, #tpu.memory_space<hbm>> -> memref<8x4096xf32, #tpu.memory_space<hbm>>
        %dma_wait3A_78 = arith.constant 0 : i32
        %dma_wait3A_79 = tpu.memref_slice %arg3[%add3A_25, %dma_wait3A_78] : memref<4096x4096xf32, #tpu.memory_space<hbm>> -> memref<8x4096xf32, #tpu.memory_space<hbm>>
        tpu.wait_dma2 semaphore(%run_scoped3A : memref<!tpu.dma_semaphore, #tpu.memory_space<semaphore_mem>>) src(%dma_wait3A_79 : memref<8x4096xf32, #tpu.memory_space<hbm>>) dst(%arg6 : memref<8x4096xf32, #tpu.memory_space<vmem>>)
        tpu.yield
      }) : () -> ()
      %scan3A_26 = arith.constant 0 : i32
      %scan3A_27 = arith.constant 0 : i32
      %scan3A_28 = arith.constant 16 : i32
      %scan3A_29 = arith.addi %scan3A_27, %scan3A_28 : i32
      %scan3A_30 = arith.constant 1 : i32
      scf.for %scan3A_74 = %scan3A_27 to %scan3A_29 step %scan3A_30  : i32 {
        %mul3A_75 = arith.constant 256 : i32
        %mul3A_76 = arith.muli %scan3A_74, %mul3A_75 : i32
        %add3A_77 = arith.constant 0 : i32
        %add3A_78 = arith.addi %mul3A_76, %add3A_77 : i32
        %get3A = arith.constant 0 : i32
        %get3A_79 = arith.index_cast %get3A : i32 to index
        %get3A_80 = arith.index_cast %add3A_78 : i32 to index
        %get3A_81 = tpu.vector_load %arg5[%get3A_79, %get3A_80] {strides = array<i32>} : memref<8x4096xf32, #tpu.memory_space<vmem>>, vector<1x16xf32>,
        %get3A_82 = vector.shape_cast %get3A_81 : vector<1x16xf32> to vector<16xf32>
        %get3A_83 = arith.constant 0 : i32
        %get3A_84 = arith.index_cast %get3A_83 : i32 to index
        %get3A_85 = arith.index_cast %add3A_78 : i32 to index
        %get3A_86 = tpu.vector_load %arg6[%get3A_84, %get3A_85] {strides = array<i32>} : memref<8x4096xf32, #tpu.memory_space<vmem>>, vector<1x16xf32>,
        %get3A_87 = vector.shape_cast %get3A_86 : vector<1x16xf32> to vector<16xf32>
        %add3A_88 = arith.addf %get3A_82, %get3A_87 : vector<16xf32>
        %swap3A = arith.constant 0 : i32
        %swap3A_89 = arith.index_cast %swap3A : i32 to index
        %swap3A_90 = arith.index_cast %add3A_78 : i32 to index
        %swap3A_91 = tpu.vector_load %arg5[%swap3A_89, %swap3A_90] {strides = array<i32>} : memref<8x4096xf32, #tpu.memory_space<vmem>>, vector<1x16xf32>,
        %swap3A_92 = vector.shape_cast %swap3A_91 : vector<1x16xf32> to vector<16xf32>
        %swap3A_93 = vector.shape_cast %add3A_88 : vector<16xf32> to vector<1x16xf32>
        tpu.vector_store %arg5[%swap3A_89, %swap3A_90], %swap3A_93 {strides = array<i32>} : memref<8x4096xf32, #tpu.memory_space<vmem>>, vector<1x16xf32>,
        %add3A_94 = arith.constant 16 : i32
        %add3A_95 = arith.addi %mul3A_76, %add3A_94 : i32
        %get3A_96 = arith.constant 0 : i32
        %get3A_97 = arith.index_cast %get3A_96 : i32 to index
        %get3A_98 = arith.index_cast %add3A_95 : i32 to index
        %get3A_99 = tpu.vector_load %arg5[%get3A_97, %get3A_98] {strides = array<i32>} : memref<8x4096xf32, #tpu.memory_space<vmem>>, vector<1x16xf32>,
        %get3A_100 = vector.shape_cast %get3A_99 : vector<1x16xf32> to vector<16xf32>
        %get3A_101 = arith.constant 0 : i32
        %get3A_102 = arith.index_cast %get3A_101 : i32 to index
        %get3A_103 = arith.index_cast %add3A_95 : i32 to index
        %get3A_104 = tpu.vector_load %arg6[%get3A_102, %get3A_103] {strides = array<i32>} : memref<8x4096xf32, #tpu.memory_space<vmem>>, vector<1x16xf32>,
        %get3A_105 = vector.shape_cast %get3A_104 : vector<1x16xf32> to vector<16xf32>
        %add3A_106 = arith.addf %get3A_100, %get3A_105 : vector<16xf32>
        %swap3A_107 = arith.constant 0 : i32
        %swap3A_108 = arith.index_cast %swap3A_107 : i32 to index
        %swap3A_109 = arith.index_cast %add3A_95 : i32 to index
        %swap3A_110 = tpu.vector_load %arg5[%swap3A_108, %swap3A_109] {strides = array<i32>} : memref<8x4096xf32, #tpu.memory_space<vmem>>, vector<1x16xf32>,
        %swap3A_111 = vector.shape_cast %swap3A_110 : vector<1x16xf32> to vector<16xf32>
        %swap3A_112 = vector.shape_cast %add3A_106 : vector<16xf32> to vector<1x16xf32>
        tpu.vector_store %arg5[%swap3A_108, %swap3A_109], %swap3A_112 {strides = array<i32>} : memref<8x4096xf32, #tpu.memory_space<vmem>>, vector<1x16xf32>,
        %add3A_113 = arith.constant 32 : i32
        %add3A_114 = arith.addi %mul3A_76, %add3A_113 : i32
        %get3A_115 = arith.constant 0 : i32
        %get3A_116 = arith.index_cast %get3A_115 : i32 to index
        %get3A_117 = arith.index_cast %add3A_114 : i32 to index
        %get3A_118 = tpu.vector_load %arg5[%get3A_116, %get3A_117] {strides = array<i32>} : memref<8x4096xf32, #tpu.memory_space<vmem>>, vector<1x16xf32>,
        %get3A_119 = vector.shape_cast %get3A_118 : vector<1x16xf32> to vector<16xf32>
        %get3A_120 = arith.constant 0 : i32
        %get3A_121 = arith.index_cast %get3A_120 : i32 to index
        %get3A_122 = arith.index_cast %add3A_114 : i32 to index
        %get3A_123 = tpu.vector_load %arg6[%get3A_121, %get3A_122] {strides = array<i32>} : memref<8x4096xf32, #tpu.memory_space<vmem>>, vector<1x16xf32>,
        %get3A_124 = vector.shape_cast %get3A_123 : vector<1x16xf32> to vector<16xf32>
        %add3A_125 = arith.addf %get3A_119, %get3A_124 : vector<16xf32>
        %swap3A_126 = arith.constant 0 : i32
        %swap3A_127 = arith.index_cast %swap3A_126 : i32 to index
        %swap3A_128 = arith.index_cast %add3A_114 : i32 to index
        %swap3A_129 = tpu.vector_load %arg5[%swap3A_127, %swap3A_128] {strides = array<i32>} : memref<8x4096xf32, #tpu.memory_space<vmem>>, vector<1x16xf32>,
        %swap3A_130 = vector.shape_cast %swap3A_129 : vector<1x16xf32> to vector<16xf32>
        %swap3A_131 = vector.shape_cast %add3A_125 : vector<16xf32> to vector<1x16xf32>
        tpu.vector_store %arg5[%swap3A_127, %swap3A_128], %swap3A_131 {strides = array<i32>} : memref<8x4096xf32, #tpu.memory_space<vmem>>, vector<1x16xf32>,
        %add3A_132 = arith.constant 48 : i32
        %add3A_133 = arith.addi %mul3A_76, %add3A_132 : i32
        %get3A_134 = arith.constant 0 : i32
        %get3A_135 = arith.index_cast %get3A_134 : i32 to index
        %get3A_136 = arith.index_cast %add3A_133 : i32 to index
        %get3A_137 = tpu.vector_load %arg5[%get3A_135, %get3A_136] {strides = array<i32>} : memref<8x4096xf32, #tpu.memory_space<vmem>>, vector<1x16xf32>,
        %get3A_138 = vector.shape_cast %get3A_137 : vector<1x16xf32> to vector<16xf32>
        %get3A_139 = arith.constant 0 : i32
        %get3A_140 = arith.index_cast %get3A_139 : i32 to index
        %get3A_141 = arith.index_cast %add3A_133 : i32 to index
        %get3A_142 = tpu.vector_load %arg6[%get3A_140, %get3A_141] {strides = array<i32>} : memref<8x4096xf32, #tpu.memory_space<vmem>>, vector<1x16xf32>,
        %get3A_143 = vector.shape_cast %get3A_142 : vector<1x16xf32> to vector<16xf32>
        %add3A_144 = arith.addf %get3A_138, %get3A_143 : vector<16xf32>
        %swap3A_145 = arith.constant 0 : i32
        %swap3A_146 = arith.index_cast %swap3A_145 : i32 to index
        %swap3A_147 = arith.index_cast %add3A_133 : i32 to index
        %swap3A_148 = tpu.vector_load %arg5[%swap3A_146, %swap3A_147] {strides = array<i32>} : memref<8x4096xf32, #tpu.memory_space<vmem>>, vector<1x16xf32>,
        %swap3A_149 = vector.shape_cast %swap3A_148 : vector<1x16xf32> to vector<16xf32>
        %swap3A_150 = vector.shape_cast %add3A_144 : vector<16xf32> to vector<1x16xf32>
        tpu.vector_store %arg5[%swap3A_146, %swap3A_147], %swap3A_150 {strides = array<i32>} : memref<8x4096xf32, #tpu.memory_space<vmem>>, vector<1x16xf32>,
        %add3A_151 = arith.constant 64 : i32
        %add3A_152 = arith.addi %mul3A_76, %add3A_151 : i32
        %get3A_153 = arith.constant 0 : i32
        %get3A_154 = arith.index_cast %get3A_153 : i32 to index
        %get3A_155 = arith.index_cast %add3A_152 : i32 to index
        %get3A_156 = tpu.vector_load %arg5[%get3A_154, %get3A_155] {strides = array<i32>} : memref<8x4096xf32, #tpu.memory_space<vmem>>, vector<1x16xf32>,
        %get3A_157 = vector.shape_cast %get3A_156 : vector<1x16xf32> to vector<16xf32>
        %get3A_158 = arith.constant 0 : i32
        %get3A_159 = arith.index_cast %get3A_158 : i32 to index
        %get3A_160 = arith.index_cast %add3A_152 : i32 to index
        %get3A_161 = tpu.vector_load %arg6[%get3A_159, %get3A_160] {strides = array<i32>} : memref<8x4096xf32, #tpu.memory_space<vmem>>, vector<1x16xf32>,
        %get3A_162 = vector.shape_cast %get3A_161 : vector<1x16xf32> to vector<16xf32>
        %add3A_163 = arith.addf %get3A_157, %get3A_162 : vector<16xf32>
        %swap3A_164 = arith.constant 0 : i32
        %swap3A_165 = arith.index_cast %swap3A_164 : i32 to index
        %swap3A_166 = arith.index_cast %add3A_152 : i32 to index
        %swap3A_167 = tpu.vector_load %arg5[%swap3A_165, %swap3A_166] {strides = array<i32>} : memref<8x4096xf32, #tpu.memory_space<vmem>>, vector<1x16xf32>,
        %swap3A_168 = vector.shape_cast %swap3A_167 : vector<1x16xf32> to vector<16xf32>
        %swap3A_169 = vector.shape_cast %add3A_163 : vector<16xf32> to vector<1x16xf32>
        tpu.vector_store %arg5[%swap3A_165, %swap3A_166], %swap3A_169 {strides = array<i32>} : memref<8x4096xf32, #tpu.memory_space<vmem>>, vector<1x16xf32>,
        %add3A_170 = arith.constant 80 : i32
        %add3A_171 = arith.addi %mul3A_76, %add3A_170 : i32
        %get3A_172 = arith.constant 0 : i32
        %get3A_173 = arith.index_cast %get3A_172 : i32 to index
        %get3A_174 = arith.index_cast %add3A_171 : i32 to index
        %get3A_175 = tpu.vector_load %arg5[%get3A_173, %get3A_174] {strides = array<i32>} : memref<8x4096xf32, #tpu.memory_space<vmem>>, vector<1x16xf32>,
        %get3A_176 = vector.shape_cast %get3A_175 : vector<1x16xf32> to vector<16xf32>
        %get3A_177 = arith.constant 0 : i32
        %get3A_178 = arith.index_cast %get3A_177 : i32 to index
        %get3A_179 = arith.index_cast %add3A_171 : i32 to index
        %get3A_180 = tpu.vector_load %arg6[%get3A_178, %get3A_179] {strides = array<i32>} : memref<8x4096xf32, #tpu.memory_space<vmem>>, vector<1x16xf32>,
        %get3A_181 = vector.shape_cast %get3A_180 : vector<1x16xf32> to vector<16xf32>
        %add3A_182 = arith.addf %get3A_176, %get3A_181 : vector<16xf32>
        %swap3A_183 = arith.constant 0 : i32
        %swap3A_184 = arith.index_cast %swap3A_183 : i32 to index
        %swap3A_185 = arith.index_cast %add3A_171 : i32 to index
        %swap3A_186 = tpu.vector_load %arg5[%swap3A_184, %swap3A_185] {strides = array<i32>} : memref<8x4096xf32, #tpu.memory_space<vmem>>, vector<1x16xf32>,
        %swap3A_187 = vector.shape_cast %swap3A_186 : vector<1x16xf32> to vector<16xf32>
        %swap3A_188 = vector.shape_cast %add3A_182 : vector<16xf32> to vector<1x16xf32>
        tpu.vector_store %arg5[%swap3A_184, %swap3A_185], %swap3A_188 {strides = array<i32>} : memref<8x4096xf32, #tpu.memory_space<vmem>>, vector<1x16xf32>,
        %add3A_189 = arith.constant 96 : i32
        %add3A_190 = arith.addi %mul3A_76, %add3A_189 : i32
        %get3A_191 = arith.constant 0 : i32
        %get3A_192 = arith.index_cast %get3A_191 : i32 to index
        %get3A_193 = arith.index_cast %add3A_190 : i32 to index
        %get3A_194 = tpu.vector_load %arg5[%get3A_192, %get3A_193] {strides = array<i32>} : memref<8x4096xf32, #tpu.memory_space<vmem>>, vector<1x16xf32>,
        %get3A_195 = vector.shape_cast %get3A_194 : vector<1x16xf32> to vector<16xf32>
        %get3A_196 = arith.constant 0 : i32
        %get3A_197 = arith.index_cast %get3A_196 : i32 to index
        %get3A_198 = arith.index_cast %add3A_190 : i32 to index
        %get3A_199 = tpu.vector_load %arg6[%get3A_197, %get3A_198] {strides = array<i32>} : memref<8x4096xf32, #tpu.memory_space<vmem>>, vector<1x16xf32>,
        %get3A_200 = vector.shape_cast %get3A_199 : vector<1x16xf32> to vector<16xf32>
        %add3A_201 = arith.addf %get3A_195, %get3A_200 : vector<16xf32>
        %swap3A_202 = arith.constant 0 : i32
        %swap3A_203 = arith.index_cast %swap3A_202 : i32 to index
        %swap3A_204 = arith.index_cast %add3A_190 : i32 to index
        %swap3A_205 = tpu.vector_load %arg5[%swap3A_203, %swap3A_204] {strides = array<i32>} : memref<8x4096xf32, #tpu.memory_space<vmem>>, vector<1x16xf32>,
        %swap3A_206 = vector.shape_cast %swap3A_205 : vector<1x16xf32> to vector<16xf32>
        %swap3A_207 = vector.shape_cast %add3A_201 : vector<16xf32> to vector<1x16xf32>
        tpu.vector_store %arg5[%swap3A_203, %swap3A_204], %swap3A_207 {strides = array<i32>} : memref<8x4096xf32, #tpu.memory_space<vmem>>, vector<1x16xf32>,
        %add3A_208 = arith.constant 112 : i32
        %add3A_209 = arith.addi %mul3A_76, %add3A_208 : i32
        %get3A_210 = arith.constant 0 : i32
        %get3A_211 = arith.index_cast %get3A_210 : i32 to index
        %get3A_212 = arith.index_cast %add3A_209 : i32 to index
        %get3A_213 = tpu.vector_load %arg5[%get3A_211, %get3A_212] {strides = array<i32>} : memref<8x4096xf32, #tpu.memory_space<vmem>>, vector<1x16xf32>,
        %get3A_214 = vector.shape_cast %get3A_213 : vector<1x16xf32> to vector<16xf32>
        %get3A_215 = arith.constant 0 : i32
        %get3A_216 = arith.index_cast %get3A_215 : i32 to index
        %get3A_217 = arith.index_cast %add3A_209 : i32 to index
        %get3A_218 = tpu.vector_load %arg6[%get3A_216, %get3A_217] {strides = array<i32>} : memref<8x4096xf32, #tpu.memory_space<vmem>>, vector<1x16xf32>,
        %get3A_219 = vector.shape_cast %get3A_218 : vector<1x16xf32> to vector<16xf32>
        %add3A_220 = arith.addf %get3A_214, %get3A_219 : vector<16xf32>
        %swap3A_221 = arith.constant 0 : i32
        %swap3A_222 = arith.index_cast %swap3A_221 : i32 to index
        %swap3A_223 = arith.index_cast %add3A_209 : i32 to index
        %swap3A_224 = tpu.vector_load %arg5[%swap3A_222, %swap3A_223] {strides = array<i32>} : memref<8x4096xf32, #tpu.memory_space<vmem>>, vector<1x16xf32>,
        %swap3A_225 = vector.shape_cast %swap3A_224 : vector<1x16xf32> to vector<16xf32>
        %swap3A_226 = vector.shape_cast %add3A_220 : vector<16xf32> to vector<1x16xf32>
        tpu.vector_store %arg5[%swap3A_222, %swap3A_223], %swap3A_226 {strides = array<i32>} : memref<8x4096xf32, #tpu.memory_space<vmem>>, vector<1x16xf32>,
        %add3A_227 = arith.constant 128 : i32
        %add3A_228 = arith.addi %mul3A_76, %add3A_227 : i32
        %get3A_229 = arith.constant 0 : i32
        %get3A_230 = arith.index_cast %get3A_229 : i32 to index
        %get3A_231 = arith.index_cast %add3A_228 : i32 to index
        %get3A_232 = tpu.vector_load %arg5[%get3A_230, %get3A_231] {strides = array<i32>} : memref<8x4096xf32, #tpu.memory_space<vmem>>, vector<1x16xf32>,
        %get3A_233 = vector.shape_cast %get3A_232 : vector<1x16xf32> to vector<16xf32>
        %get3A_234 = arith.constant 0 : i32
        %get3A_235 = arith.index_cast %get3A_234 : i32 to index
        %get3A_236 = arith.index_cast %add3A_228 : i32 to index
        %get3A_237 = tpu.vector_load %arg6[%get3A_235, %get3A_236] {strides = array<i32>} : memref<8x4096xf32, #tpu.memory_space<vmem>>, vector<1x16xf32>,
        %get3A_238 = vector.shape_cast %get3A_237 : vector<1x16xf32> to vector<16xf32>
        %add3A_239 = arith.addf %get3A_233, %get3A_238 : vector<16xf32>
        %swap3A_240 = arith.constant 0 : i32
        %swap3A_241 = arith.index_cast %swap3A_240 : i32 to index
        %swap3A_242 = arith.index_cast %add3A_228 : i32 to index
        %swap3A_243 = tpu.vector_load %arg5[%swap3A_241, %swap3A_242] {strides = array<i32>} : memref<8x4096xf32, #tpu.memory_space<vmem>>, vector<1x16xf32>,
        %swap3A_244 = vector.shape_cast %swap3A_243 : vector<1x16xf32> to vector<16xf32>
        %swap3A_245 = vector.shape_cast %add3A_239 : vector<16xf32> to vector<1x16xf32>
        tpu.vector_store %arg5[%swap3A_241, %swap3A_242], %swap3A_245 {strides = array<i32>} : memref<8x4096xf32, #tpu.memory_space<vmem>>, vector<1x16xf32>,
        %add3A_246 = arith.constant 144 : i32
        %add3A_247 = arith.addi %mul3A_76, %add3A_246 : i32
        %get3A_248 = arith.constant 0 : i32
        %get3A_249 = arith.index_cast %get3A_248 : i32 to index
        %get3A_250 = arith.index_cast %add3A_247 : i32 to index
        %get3A_251 = tpu.vector_load %arg5[%get3A_249, %get3A_250] {strides = array<i32>} : memref<8x4096xf32, #tpu.memory_space<vmem>>, vector<1x16xf32>,
        %get3A_252 = vector.shape_cast %get3A_251 : vector<1x16xf32> to vector<16xf32>
        %get3A_253 = arith.constant 0 : i32
        %get3A_254 = arith.index_cast %get3A_253 : i32 to index
        %get3A_255 = arith.index_cast %add3A_247 : i32 to index
        %get3A_256 = tpu.vector_load %arg6[%get3A_254, %get3A_255] {strides = array<i32>} : memref<8x4096xf32, #tpu.memory_space<vmem>>, vector<1x16xf32>,
        %get3A_257 = vector.shape_cast %get3A_256 : vector<1x16xf32> to vector<16xf32>
        %add3A_258 = arith.addf %get3A_252, %get3A_257 : vector<16xf32>
        %swap3A_259 = arith.constant 0 : i32
        %swap3A_260 = arith.index_cast %swap3A_259 : i32 to index
        %swap3A_261 = arith.index_cast %add3A_247 : i32 to index
        %swap3A_262 = tpu.vector_load %arg5[%swap3A_260, %swap3A_261] {strides = array<i32>} : memref<8x4096xf32, #tpu.memory_space<vmem>>, vector<1x16xf32>,
        %swap3A_263 = vector.shape_cast %swap3A_262 : vector<1x16xf32> to vector<16xf32>
        %swap3A_264 = vector.shape_cast %add3A_258 : vector<16xf32> to vector<1x16xf32>
        tpu.vector_store %arg5[%swap3A_260, %swap3A_261], %swap3A_264 {strides = array<i32>} : memref<8x4096xf32, #tpu.memory_space<vmem>>, vector<1x16xf32>,
        %add3A_265 = arith.constant 160 : i32
        %add3A_266 = arith.addi %mul3A_76, %add3A_265 : i32
        %get3A_267 = arith.constant 0 : i32
        %get3A_268 = arith.index_cast %get3A_267 : i32 to index
        %get3A_269 = arith.index_cast %add3A_266 : i32 to index
        %get3A_270 = tpu.vector_load %arg5[%get3A_268, %get3A_269] {strides = array<i32>} : memref<8x4096xf32, #tpu.memory_space<vmem>>, vector<1x16xf32>,
        %get3A_271 = vector.shape_cast %get3A_270 : vector<1x16xf32> to vector<16xf32>
        %get3A_272 = arith.constant 0 : i32
        %get3A_273 = arith.index_cast %get3A_272 : i32 to index
        %get3A_274 = arith.index_cast %add3A_266 : i32 to index
        %get3A_275 = tpu.vector_load %arg6[%get3A_273, %get3A_274] {strides = array<i32>} : memref<8x4096xf32, #tpu.memory_space<vmem>>, vector<1x16xf32>,
        %get3A_276 = vector.shape_cast %get3A_275 : vector<1x16xf32> to vector<16xf32>
        %add3A_277 = arith.addf %get3A_271, %get3A_276 : vector<16xf32>
        %swap3A_278 = arith.constant 0 : i32
        %swap3A_279 = arith.index_cast %swap3A_278 : i32 to index
        %swap3A_280 = arith.index_cast %add3A_266 : i32 to index
        %swap3A_281 = tpu.vector_load %arg5[%swap3A_279, %swap3A_280] {strides = array<i32>} : memref<8x4096xf32, #tpu.memory_space<vmem>>, vector<1x16xf32>,
        %swap3A_282 = vector.shape_cast %swap3A_281 : vector<1x16xf32> to vector<16xf32>
        %swap3A_283 = vector.shape_cast %add3A_277 : vector<16xf32> to vector<1x16xf32>
        tpu.vector_store %arg5[%swap3A_279, %swap3A_280], %swap3A_283 {strides = array<i32>} : memref<8x4096xf32, #tpu.memory_space<vmem>>, vector<1x16xf32>,
        %add3A_284 = arith.constant 176 : i32
        %add3A_285 = arith.addi %mul3A_76, %add3A_284 : i32
        %get3A_286 = arith.constant 0 : i32
        %get3A_287 = arith.index_cast %get3A_286 : i32 to index
        %get3A_288 = arith.index_cast %add3A_285 : i32 to index
        %get3A_289 = tpu.vector_load %arg5[%get3A_287, %get3A_288] {strides = array<i32>} : memref<8x4096xf32, #tpu.memory_space<vmem>>, vector<1x16xf32>,
        %get3A_290 = vector.shape_cast %get3A_289 : vector<1x16xf32> to vector<16xf32>
        %get3A_291 = arith.constant 0 : i32
        %get3A_292 = arith.index_cast %get3A_291 : i32 to index
        %get3A_293 = arith.index_cast %add3A_285 : i32 to index
        %get3A_294 = tpu.vector_load %arg6[%get3A_292, %get3A_293] {strides = array<i32>} : memref<8x4096xf32, #tpu.memory_space<vmem>>, vector<1x16xf32>,
        %get3A_295 = vector.shape_cast %get3A_294 : vector<1x16xf32> to vector<16xf32>
        %add3A_296 = arith.addf %get3A_290, %get3A_295 : vector<16xf32>
        %swap3A_297 = arith.constant 0 : i32
        %swap3A_298 = arith.index_cast %swap3A_297 : i32 to index
        %swap3A_299 = arith.index_cast %add3A_285 : i32 to index
        %swap3A_300 = tpu.vector_load %arg5[%swap3A_298, %swap3A_299] {strides = array<i32>} : memref<8x4096xf32, #tpu.memory_space<vmem>>, vector<1x16xf32>,
        %swap3A_301 = vector.shape_cast %swap3A_300 : vector<1x16xf32> to vector<16xf32>
        %swap3A_302 = vector.shape_cast %add3A_296 : vector<16xf32> to vector<1x16xf32>
        tpu.vector_store %arg5[%swap3A_298, %swap3A_299], %swap3A_302 {strides = array<i32>} : memref<8x4096xf32, #tpu.memory_space<vmem>>, vector<1x16xf32>,
        %add3A_303 = arith.constant 192 : i32
        %add3A_304 = arith.addi %mul3A_76, %add3A_303 : i32
        %get3A_305 = arith.constant 0 : i32
        %get3A_306 = arith.index_cast %get3A_305 : i32 to index
        %get3A_307 = arith.index_cast %add3A_304 : i32 to index
        %get3A_308 = tpu.vector_load %arg5[%get3A_306, %get3A_307] {strides = array<i32>} : memref<8x4096xf32, #tpu.memory_space<vmem>>, vector<1x16xf32>,
        %get3A_309 = vector.shape_cast %get3A_308 : vector<1x16xf32> to vector<16xf32>
        %get3A_310 = arith.constant 0 : i32
        %get3A_311 = arith.index_cast %get3A_310 : i32 to index
        %get3A_312 = arith.index_cast %add3A_304 : i32 to index
        %get3A_313 = tpu.vector_load %arg6[%get3A_311, %get3A_312] {strides = array<i32>} : memref<8x4096xf32, #tpu.memory_space<vmem>>, vector<1x16xf32>,
        %get3A_314 = vector.shape_cast %get3A_313 : vector<1x16xf32> to vector<16xf32>
        %add3A_315 = arith.addf %get3A_309, %get3A_314 : vector<16xf32>
        %swap3A_316 = arith.constant 0 : i32
        %swap3A_317 = arith.index_cast %swap3A_316 : i32 to index
        %swap3A_318 = arith.index_cast %add3A_304 : i32 to index
        %swap3A_319 = tpu.vector_load %arg5[%swap3A_317, %swap3A_318] {strides = array<i32>} : memref<8x4096xf32, #tpu.memory_space<vmem>>, vector<1x16xf32>,
        %swap3A_320 = vector.shape_cast %swap3A_319 : vector<1x16xf32> to vector<16xf32>
        %swap3A_321 = vector.shape_cast %add3A_315 : vector<16xf32> to vector<1x16xf32>
        tpu.vector_store %arg5[%swap3A_317, %swap3A_318], %swap3A_321 {strides = array<i32>} : memref<8x4096xf32, #tpu.memory_space<vmem>>, vector<1x16xf32>,
        %add3A_322 = arith.constant 208 : i32
        %add3A_323 = arith.addi %mul3A_76, %add3A_322 : i32
        %get3A_324 = arith.constant 0 : i32
        %get3A_325 = arith.index_cast %get3A_324 : i32 to index
        %get3A_326 = arith.index_cast %add3A_323 : i32 to index
        %get3A_327 = tpu.vector_load %arg5[%get3A_325, %get3A_326] {strides = array<i32>} : memref<8x4096xf32, #tpu.memory_space<vmem>>, vector<1x16xf32>,
        %get3A_328 = vector.shape_cast %get3A_327 : vector<1x16xf32> to vector<16xf32>
        %get3A_329 = arith.constant 0 : i32
        %get3A_330 = arith.index_cast %get3A_329 : i32 to index
        %get3A_331 = arith.index_cast %add3A_323 : i32 to index
        %get3A_332 = tpu.vector_load %arg6[%get3A_330, %get3A_331] {strides = array<i32>} : memref<8x4096xf32, #tpu.memory_space<vmem>>, vector<1x16xf32>,
        %get3A_333 = vector.shape_cast %get3A_332 : vector<1x16xf32> to vector<16xf32>
        %add3A_334 = arith.addf %get3A_328, %get3A_333 : vector<16xf32>
        %swap3A_335 = arith.constant 0 : i32
        %swap3A_336 = arith.index_cast %swap3A_335 : i32 to index
        %swap3A_337 = arith.index_cast %add3A_323 : i32 to index
        %swap3A_338 = tpu.vector_load %arg5[%swap3A_336, %swap3A_337] {strides = array<i32>} : memref<8x4096xf32, #tpu.memory_space<vmem>>, vector<1x16xf32>,
        %swap3A_339 = vector.shape_cast %swap3A_338 : vector<1x16xf32> to vector<16xf32>
        %swap3A_340 = vector.shape_cast %add3A_334 : vector<16xf32> to vector<1x16xf32>
        tpu.vector_store %arg5[%swap3A_336, %swap3A_337], %swap3A_340 {strides = array<i32>} : memref<8x4096xf32, #tpu.memory_space<vmem>>, vector<1x16xf32>,
        %add3A_341 = arith.constant 224 : i32
        %add3A_342 = arith.addi %mul3A_76, %add3A_341 : i32
        %get3A_343 = arith.constant 0 : i32
        %get3A_344 = arith.index_cast %get3A_343 : i32 to index
        %get3A_345 = arith.index_cast %add3A_342 : i32 to index
        %get3A_346 = tpu.vector_load %arg5[%get3A_344, %get3A_345] {strides = array<i32>} : memref<8x4096xf32, #tpu.memory_space<vmem>>, vector<1x16xf32>,
        %get3A_347 = vector.shape_cast %get3A_346 : vector<1x16xf32> to vector<16xf32>
        %get3A_348 = arith.constant 0 : i32
        %get3A_349 = arith.index_cast %get3A_348 : i32 to index
        %get3A_350 = arith.index_cast %add3A_342 : i32 to index
        %get3A_351 = tpu.vector_load %arg6[%get3A_349, %get3A_350] {strides = array<i32>} : memref<8x4096xf32, #tpu.memory_space<vmem>>, vector<1x16xf32>,
        %get3A_352 = vector.shape_cast %get3A_351 : vector<1x16xf32> to vector<16xf32>
        %add3A_353 = arith.addf %get3A_347, %get3A_352 : vector<16xf32>
        %swap3A_354 = arith.constant 0 : i32
        %swap3A_355 = arith.index_cast %swap3A_354 : i32 to index
        %swap3A_356 = arith.index_cast %add3A_342 : i32 to index
        %swap3A_357 = tpu.vector_load %arg5[%swap3A_355, %swap3A_356] {strides = array<i32>} : memref<8x4096xf32, #tpu.memory_space<vmem>>, vector<1x16xf32>,
        %swap3A_358 = vector.shape_cast %swap3A_357 : vector<1x16xf32> to vector<16xf32>
        %swap3A_359 = vector.shape_cast %add3A_353 : vector<16xf32> to vector<1x16xf32>
        tpu.vector_store %arg5[%swap3A_355, %swap3A_356], %swap3A_359 {strides = array<i32>} : memref<8x4096xf32, #tpu.memory_space<vmem>>, vector<1x16xf32>,
        %add3A_360 = arith.constant 240 : i32
        %add3A_361 = arith.addi %mul3A_76, %add3A_360 : i32
        %get3A_362 = arith.constant 0 : i32
        %get3A_363 = arith.index_cast %get3A_362 : i32 to index
        %get3A_364 = arith.index_cast %add3A_361 : i32 to index
        %get3A_365 = tpu.vector_load %arg5[%get3A_363, %get3A_364] {strides = array<i32>} : memref<8x4096xf32, #tpu.memory_space<vmem>>, vector<1x16xf32>,
        %get3A_366 = vector.shape_cast %get3A_365 : vector<1x16xf32> to vector<16xf32>
        %get3A_367 = arith.constant 0 : i32
        %get3A_368 = arith.index_cast %get3A_367 : i32 to index
        %get3A_369 = arith.index_cast %add3A_361 : i32 to index
        %get3A_370 = tpu.vector_load %arg6[%get3A_368, %get3A_369] {strides = array<i32>} : memref<8x4096xf32, #tpu.memory_space<vmem>>, vector<1x16xf32>,
        %get3A_371 = vector.shape_cast %get3A_370 : vector<1x16xf32> to vector<16xf32>
        %add3A_372 = arith.addf %get3A_366, %get3A_371 : vector<16xf32>
        %swap3A_373 = arith.constant 0 : i32
        %swap3A_374 = arith.index_cast %swap3A_373 : i32 to index
        %swap3A_375 = arith.index_cast %add3A_361 : i32 to index
        %swap3A_376 = tpu.vector_load %arg5[%swap3A_374, %swap3A_375] {strides = array<i32>} : memref<8x4096xf32, #tpu.memory_space<vmem>>, vector<1x16xf32>,
        %swap3A_377 = vector.shape_cast %swap3A_376 : vector<1x16xf32> to vector<16xf32>
        %swap3A_378 = vector.shape_cast %add3A_372 : vector<16xf32> to vector<1x16xf32>
        tpu.vector_store %arg5[%swap3A_374, %swap3A_375], %swap3A_378 {strides = array<i32>} : memref<8x4096xf32, #tpu.memory_space<vmem>>, vector<1x16xf32>,
      }
      %scan3A_31 = arith.constant 16 : i32
      %scan3A_32 = arith.constant 0 : i32
      %scan3A_33 = arith.constant 0 : i32
      %scan3A_34 = arith.constant 16 : i32
      %scan3A_35 = arith.addi %scan3A_33, %scan3A_34 : i32
      %scan3A_36 = arith.constant 1 : i32
      scf.for %scan3A_74 = %scan3A_33 to %scan3A_35 step %scan3A_36  : i32 {
        %mul3A_75 = arith.constant 256 : i32
        %mul3A_76 = arith.muli %scan3A_74, %mul3A_75 : i32
        %add3A_77 = arith.constant 0 : i32
        %add3A_78 = arith.addi %mul3A_76, %add3A_77 : i32
        %get3A = arith.constant 1 : i32
        %get3A_79 = arith.index_cast %get3A : i32 to index
        %get3A_80 = arith.index_cast %add3A_78 : i32 to index
        %get3A_81 = tpu.vector_load %arg5[%get3A_79, %get3A_80] {strides = array<i32>} : memref<8x4096xf32, #tpu.memory_space<vmem>>, vector<1x16xf32>,
        %get3A_82 = vector.shape_cast %get3A_81 : vector<1x16xf32> to vector<16xf32>
        %get3A_83 = arith.constant 1 : i32
        %get3A_84 = arith.index_cast %get3A_83 : i32 to index
        %get3A_85 = arith.index_cast %add3A_78 : i32 to index
        %get3A_86 = tpu.vector_load %arg6[%get3A_84, %get3A_85] {strides = array<i32>} : memref<8x4096xf32, #tpu.memory_space<vmem>>, vector<1x16xf32>,
        %get3A_87 = vector.shape_cast %get3A_86 : vector<1x16xf32> to vector<16xf32>
        %add3A_88 = arith.addf %get3A_82, %get3A_87 : vector<16xf32>
        %swap3A = arith.constant 1 : i32
        %swap3A_89 = arith.index_cast %swap3A : i32 to index
        %swap3A_90 = arith.index_cast %add3A_78 : i32 to index
        %swap3A_91 = tpu.vector_load %arg5[%swap3A_89, %swap3A_90] {strides = array<i32>} : memref<8x4096xf32, #tpu.memory_space<vmem>>, vector<1x16xf32>,
        %swap3A_92 = vector.shape_cast %swap3A_91 : vector<1x16xf32> to vector<16xf32>
        %swap3A_93 = vector.shape_cast %add3A_88 : vector<16xf32> to vector<1x16xf32>
        tpu.vector_store %arg5[%swap3A_89, %swap3A_90], %swap3A_93 {strides = array<i32>} : memref<8x4096xf32, #tpu.memory_space<vmem>>, vector<1x16xf32>,
        %add3A_94 = arith.constant 16 : i32
        %add3A_95 = arith.addi %mul3A_76, %add3A_94 : i32
        %get3A_96 = arith.constant 1 : i32
        %get3A_97 = arith.index_cast %get3A_96 : i32 to index
        %get3A_98 = arith.index_cast %add3A_95 : i32 to index
        %get3A_99 = tpu.vector_load %arg5[%get3A_97, %get3A_98] {strides = array<i32>} : memref<8x4096xf32, #tpu.memory_space<vmem>>, vector<1x16xf32>,
        %get3A_100 = vector.shape_cast %get3A_99 : vector<1x16xf32> to vector<16xf32>
        %get3A_101 = arith.constant 1 : i32
        %get3A_102 = arith.index_cast %get3A_101 : i32 to index
        %get3A_103 = arith.index_cast %add3A_95 : i32 to index
        %get3A_104 = tpu.vector_load %arg6[%get3A_102, %get3A_103] {strides = array<i32>} : memref<8x4096xf32, #tpu.memory_space<vmem>>, vector<1x16xf32>,
        %get3A_105 = vector.shape_cast %get3A_104 : vector<1x16xf32> to vector<16xf32>
        %add3A_106 = arith.addf %get3A_100, %get3A_105 : vector<16xf32>
        %swap3A_107 = arith.constant 1 : i32
        %swap3A_108 = arith.index_cast %swap3A_107 : i32 to index
        %swap3A_109 = arith.index_cast %add3A_95 : i32 to index
        %swap3A_110 = tpu.vector_load %arg5[%swap3A_108, %swap3A_109] {strides = array<i32>} : memref<8x4096xf32, #tpu.memory_space<vmem>>, vector<1x16xf32>,
        %swap3A_111 = vector.shape_cast %swap3A_110 : vector<1x16xf32> to vector<16xf32>
        %swap3A_112 = vector.shape_cast %add3A_106 : vector<16xf32> to vector<1x16xf32>
        tpu.vector_store %arg5[%swap3A_108, %swap3A_109], %swap3A_112 {strides = array<i32>} : memref<8x4096xf32, #tpu.memory_space<vmem>>, vector<1x16xf32>,
        %add3A_113 = arith.constant 32 : i32
        %add3A_114 = arith.addi %mul3A_76, %add3A_113 : i32
        %get3A_115 = arith.constant 1 : i32
        %get3A_116 = arith.index_cast %get3A_115 : i32 to index
        %get3A_117 = arith.index_cast %add3A_114 : i32 to index
        %get3A_118 = tpu.vector_load %arg5[%get3A_116, %get3A_117] {strides = array<i32>} : memref<8x4096xf32, #tpu.memory_space<vmem>>, vector<1x16xf32>,
        %get3A_119 = vector.shape_cast %get3A_118 : vector<1x16xf32> to vector<16xf32>
        %get3A_120 = arith.constant 1 : i32
        %get3A_121 = arith.index_cast %get3A_120 : i32 to index
        %get3A_122 = arith.index_cast %add3A_114 : i32 to index
        %get3A_123 = tpu.vector_load %arg6[%get3A_121, %get3A_122] {strides = array<i32>} : memref<8x4096xf32, #tpu.memory_space<vmem>>, vector<1x16xf32>,
        %get3A_124 = vector.shape_cast %get3A_123 : vector<1x16xf32> to vector<16xf32>
        %add3A_125 = arith.addf %get3A_119, %get3A_124 : vector<16xf32>
        %swap3A_126 = arith.constant 1 : i32
        %swap3A_127 = arith.index_cast %swap3A_126 : i32 to index
        %swap3A_128 = arith.index_cast %add3A_114 : i32 to index
        %swap3A_129 = tpu.vector_load %arg5[%swap3A_127, %swap3A_128] {strides = array<i32>} : memref<8x4096xf32, #tpu.memory_space<vmem>>, vector<1x16xf32>,
        %swap3A_130 = vector.shape_cast %swap3A_129 : vector<1x16xf32> to vector<16xf32>
        %swap3A_131 = vector.shape_cast %add3A_125 : vector<16xf32> to vector<1x16xf32>
        tpu.vector_store %arg5[%swap3A_127, %swap3A_128], %swap3A_131 {strides = array<i32>} : memref<8x4096xf32, #tpu.memory_space<vmem>>, vector<1x16xf32>,
        %add3A_132 = arith.constant 48 : i32
        %add3A_133 = arith.addi %mul3A_76, %add3A_132 : i32
        %get3A_134 = arith.constant 1 : i32
        %get3A_135 = arith.index_cast %get3A_134 : i32 to index
        %get3A_136 = arith.index_cast %add3A_133 : i32 to index
        %get3A_137 = tpu.vector_load %arg5[%get3A_135, %get3A_136] {strides = array<i32>} : memref<8x4096xf32, #tpu.memory_space<vmem>>, vector<1x16xf32>,
        %get3A_138 = vector.shape_cast %get3A_137 : vector<1x16xf32> to vector<16xf32>
        %get3A_139 = arith.constant 1 : i32
        %get3A_140 = arith.index_cast %get3A_139 : i32 to index
        %get3A_141 = arith.index_cast %add3A_133 : i32 to index
        %get3A_142 = tpu.vector_load %arg6[%get3A_140, %get3A_141] {strides = array<i32>} : memref<8x4096xf32, #tpu.memory_space<vmem>>, vector<1x16xf32>,
        %get3A_143 = vector.shape_cast %get3A_142 : vector<1x16xf32> to vector<16xf32>
        %add3A_144 = arith.addf %get3A_138, %get3A_143 : vector<16xf32>
        %swap3A_145 = arith.constant 1 : i32
        %swap3A_146 = arith.index_cast %swap3A_145 : i32 to index
        %swap3A_147 = arith.index_cast %add3A_133 : i32 to index
        %swap3A_148 = tpu.vector_load %arg5[%swap3A_146, %swap3A_147] {strides = array<i32>} : memref<8x4096xf32, #tpu.memory_space<vmem>>, vector<1x16xf32>,
        %swap3A_149 = vector.shape_cast %swap3A_148 : vector<1x16xf32> to vector<16xf32>
        %swap3A_150 = vector.shape_cast %add3A_144 : vector<16xf32> to vector<1x16xf32>
        tpu.vector_store %arg5[%swap3A_146, %swap3A_147], %swap3A_150 {strides = array<i32>} : memref<8x4096xf32, #tpu.memory_space<vmem>>, vector<1x16xf32>,
        %add3A_151 = arith.constant 64 : i32
        %add3A_152 = arith.addi %mul3A_76, %add3A_151 : i32
        %get3A_153 = arith.constant 1 : i32
        %get3A_154 = arith.index_cast %get3A_153 : i32 to index
        %get3A_155 = arith.index_cast %add3A_152 : i32 to index
        %get3A_156 = tpu.vector_load %arg5[%get3A_154, %get3A_155] {strides = array<i32>} : memref<8x4096xf32, #tpu.memory_space<vmem>>, vector<1x16xf32>,
        %get3A_157 = vector.shape_cast %get3A_156 : vector<1x16xf32> to vector<16xf32>
        %get3A_158 = arith.constant 1 : i32
        %get3A_159 = arith.index_cast %get3A_158 : i32 to index
        %get3A_160 = arith.index_cast %add3A_152 : i32 to index
        %get3A_161 = tpu.vector_load %arg6[%get3A_159, %get3A_160] {strides = array<i32>} : memref<8x4096xf32, #tpu.memory_space<vmem>>, vector<1x16xf32>,
        %get3A_162 = vector.shape_cast %get3A_161 : vector<1x16xf32> to vector<16xf32>
        %add3A_163 = arith.addf %get3A_157, %get3A_162 : vector<16xf32>
        %swap3A_164 = arith.constant 1 : i32
        %swap3A_165 = arith.index_cast %swap3A_164 : i32 to index
        %swap3A_166 = arith.index_cast %add3A_152 : i32 to index
        %swap3A_167 = tpu.vector_load %arg5[%swap3A_165, %swap3A_166] {strides = array<i32>} : memref<8x4096xf32, #tpu.memory_space<vmem>>, vector<1x16xf32>,
        %swap3A_168 = vector.shape_cast %swap3A_167 : vector<1x16xf32> to vector<16xf32>
        %swap3A_169 = vector.shape_cast %add3A_163 : vector<16xf32> to vector<1x16xf32>
        tpu.vector_store %arg5[%swap3A_165, %swap3A_166], %swap3A_169 {strides = array<i32>} : memref<8x4096xf32, #tpu.memory_space<vmem>>, vector<1x16xf32>,
        %add3A_170 = arith.constant 80 : i32
        %add3A_171 = arith.addi %mul3A_76, %add3A_170 : i32
        %get3A_172 = arith.constant 1 : i32
        %get3A_173 = arith.index_cast %get3A_172 : i32 to index
        %get3A_174 = arith.index_cast %add3A_171 : i32 to index
        %get3A_175 = tpu.vector_load %arg5[%get3A_173, %get3A_174] {strides = array<i32>} : memref<8x4096xf32, #tpu.memory_space<vmem>>, vector<1x16xf32>,
        %get3A_176 = vector.shape_cast %get3A_175 : vector<1x16xf32> to vector<16xf32>
        %get3A_177 = arith.constant 1 : i32
        %get3A_178 = arith.index_cast %get3A_177 : i32 to index
        %get3A_179 = arith.index_cast %add3A_171 : i32 to index
        %get3A_180 = tpu.vector_load %arg6[%get3A_178, %get3A_179] {strides = array<i32>} : memref<8x4096xf32, #tpu.memory_space<vmem>>, vector<1x16xf32>,
        %get3A_181 = vector.shape_cast %get3A_180 : vector<1x16xf32> to vector<16xf32>
        %add3A_182 = arith.addf %get3A_176, %get3A_181 : vector<16xf32>
        %swap3A_183 = arith.constant 1 : i32
        %swap3A_184 = arith.index_cast %swap3A_183 : i32 to index
        %swap3A_185 = arith.index_cast %add3A_171 : i32 to index
        %swap3A_186 = tpu.vector_load %arg5[%swap3A_184, %swap3A_185] {strides = array<i32>} : memref<8x4096xf32, #tpu.memory_space<vmem>>, vector<1x16xf32>,
        %swap3A_187 = vector.shape_cast %swap3A_186 : vector<1x16xf32> to vector<16xf32>
        %swap3A_188 = vector.shape_cast %add3A_182 : vector<16xf32> to vector<1x16xf32>
        tpu.vector_store %arg5[%swap3A_184, %swap3A_185], %swap3A_188 {strides = array<i32>} : memref<8x4096xf32, #tpu.memory_space<vmem>>, vector<1x16xf32>,
        %add3A_189 = arith.constant 96 : i32
        %add3A_190 = arith.addi %mul3A_76, %add3A_189 : i32
        %get3A_191 = arith.constant 1 : i32
        %get3A_192 = arith.index_cast %get3A_191 : i32 to index
        %get3A_193 = arith.index_cast %add3A_190 : i32 to index
        %get3A_194 = tpu.vector_load %arg5[%get3A_192, %get3A_193] {strides = array<i32>} : memref<8x4096xf32, #tpu.memory_space<vmem>>, vector<1x16xf32>,
        %get3A_195 = vector.shape_cast %get3A_194 : vector<1x16xf32> to vector<16xf32>
        %get3A_196 = arith.constant 1 : i32
        %get3A_197 = arith.index_cast %get3A_196 : i32 to index
        %get3A_198 = arith.index_cast %add3A_190 : i32 to index
        %get3A_199 = tpu.vector_load %arg6[%get3A_197, %get3A_198] {strides = array<i32>} : memref<8x4096xf32, #tpu.memory_space<vmem>>, vector<1x16xf32>,
        %get3A_200 = vector.shape_cast %get3A_199 : vector<1x16xf32> to vector<16xf32>
        %add3A_201 = arith.addf %get3A_195, %get3A_200 : vector<16xf32>
        %swap3A_202 = arith.constant 1 : i32
        %swap3A_203 = arith.index_cast %swap3A_202 : i32 to index
        %swap3A_204 = arith.index_cast %add3A_190 : i32 to index
        %swap3A_205 = tpu.vector_load %arg5[%swap3A_203, %swap3A_204] {strides = array<i32>} : memref<8x4096xf32, #tpu.memory_space<vmem>>, vector<1x16xf32>,
        %swap3A_206 = vector.shape_cast %swap3A_205 : vector<1x16xf32> to vector<16xf32>
        %swap3A_207 = vector.shape_cast %add3A_201 : vector<16xf32> to vector<1x16xf32>
        tpu.vector_store %arg5[%swap3A_203, %swap3A_204], %swap3A_207 {strides = array<i32>} : memref<8x4096xf32, #tpu.memory_space<vmem>>, vector<1x16xf32>,
        %add3A_208 = arith.constant 112 : i32
        %add3A_209 = arith.addi %mul3A_76, %add3A_208 : i32
        %get3A_210 = arith.constant 1 : i32
        %get3A_211 = arith.index_cast %get3A_210 : i32 to index
        %get3A_212 = arith.index_cast %add3A_209 : i32 to index
        %get3A_213 = tpu.vector_load %arg5[%get3A_211, %get3A_212] {strides = array<i32>} : memref<8x4096xf32, #tpu.memory_space<vmem>>, vector<1x16xf32>,
        %get3A_214 = vector.shape_cast %get3A_213 : vector<1x16xf32> to vector<16xf32>
        %get3A_215 = arith.constant 1 : i32
        %get3A_216 = arith.index_cast %get3A_215 : i32 to index
        %get3A_217 = arith.index_cast %add3A_209 : i32 to index
        %get3A_218 = tpu.vector_load %arg6[%get3A_216, %get3A_217] {strides = array<i32>} : memref<8x4096xf32, #tpu.memory_space<vmem>>, vector<1x16xf32>,
        %get3A_219 = vector.shape_cast %get3A_218 : vector<1x16xf32> to vector<16xf32>
        %add3A_220 = arith.addf %get3A_214, %get3A_219 : vector<16xf32>
        %swap3A_221 = arith.constant 1 : i32
        %swap3A_222 = arith.index_cast %swap3A_221 : i32 to index
        %swap3A_223 = arith.index_cast %add3A_209 : i32 to index
        %swap3A_224 = tpu.vector_load %arg5[%swap3A_222, %swap3A_223] {strides = array<i32>} : memref<8x4096xf32, #tpu.memory_space<vmem>>, vector<1x16xf32>,
        %swap3A_225 = vector.shape_cast %swap3A_224 : vector<1x16xf32> to vector<16xf32>
        %swap3A_226 = vector.shape_cast %add3A_220 : vector<16xf32> to vector<1x16xf32>
        tpu.vector_store %arg5[%swap3A_222, %swap3A_223], %swap3A_226 {strides = array<i32>} : memref<8x4096xf32, #tpu.memory_space<vmem>>, vector<1x16xf32>,
        %add3A_227 = arith.constant 128 : i32
        %add3A_228 = arith.addi %mul3A_76, %add3A_227 : i32
        %get3A_229 = arith.constant 1 : i32
        %get3A_230 = arith.index_cast %get3A_229 : i32 to index
        %get3A_231 = arith.index_cast %add3A_228 : i32 to index
        %get3A_232 = tpu.vector_load %arg5[%get3A_230, %get3A_231] {strides = array<i32>} : memref<8x4096xf32, #tpu.memory_space<vmem>>, vector<1x16xf32>,
        %get3A_233 = vector.shape_cast %get3A_232 : vector<1x16xf32> to vector<16xf32>
        %get3A_234 = arith.constant 1 : i32
        %get3A_235 = arith.index_cast %get3A_234 : i32 to index
        %get3A_236 = arith.index_cast %add3A_228 : i32 to index
        %get3A_237 = tpu.vector_load %arg6[%get3A_235, %get3A_236] {strides = array<i32>} : memref<8x4096xf32, #tpu.memory_space<vmem>>, vector<1x16xf32>,
        %get3A_238 = vector.shape_cast %get3A_237 : vector<1x16xf32> to vector<16xf32>
        %add3A_239 = arith.addf %get3A_233, %get3A_238 : vector<16xf32>
        %swap3A_240 = arith.constant 1 : i32
        %swap3A_241 = arith.index_cast %swap3A_240 : i32 to index
        %swap3A_242 = arith.index_cast %add3A_228 : i32 to index
        %swap3A_243 = tpu.vector_load %arg5[%swap3A_241, %swap3A_242] {strides = array<i32>} : memref<8x4096xf32, #tpu.memory_space<vmem>>, vector<1x16xf32>,
        %swap3A_244 = vector.shape_cast %swap3A_243 : vector<1x16xf32> to vector<16xf32>
        %swap3A_245 = vector.shape_cast %add3A_239 : vector<16xf32> to vector<1x16xf32>
        tpu.vector_store %arg5[%swap3A_241, %swap3A_242], %swap3A_245 {strides = array<i32>} : memref<8x4096xf32, #tpu.memory_space<vmem>>, vector<1x16xf32>,
        %add3A_246 = arith.constant 144 : i32
        %add3A_247 = arith.addi %mul3A_76, %add3A_246 : i32
        %get3A_248 = arith.constant 1 : i32
        %get3A_249 = arith.index_cast %get3A_248 : i32 to index
        %get3A_250 = arith.index_cast %add3A_247 : i32 to index
        %get3A_251 = tpu.vector_load %arg5[%get3A_249, %get3A_250] {strides = array<i32>} : memref<8x4096xf32, #tpu.memory_space<vmem>>, vector<1x16xf32>,
        %get3A_252 = vector.shape_cast %get3A_251 : vector<1x16xf32> to vector<16xf32>
        %get3A_253 = arith.constant 1 : i32
        %get3A_254 = arith.index_cast %get3A_253 : i32 to index
        %get3A_255 = arith.index_cast %add3A_247 : i32 to index
        %get3A_256 = tpu.vector_load %arg6[%get3A_254, %get3A_255] {strides = array<i32>} : memref<8x4096xf32, #tpu.memory_space<vmem>>, vector<1x16xf32>,
        %get3A_257 = vector.shape_cast %get3A_256 : vector<1x16xf32> to vector<16xf32>
        %add3A_258 = arith.addf %get3A_252, %get3A_257 : vector<16xf32>
        %swap3A_259 = arith.constant 1 : i32
        %swap3A_260 = arith.index_cast %swap3A_259 : i32 to index
        %swap3A_261 = arith.index_cast %add3A_247 : i32 to index
        %swap3A_262 = tpu.vector_load %arg5[%swap3A_260, %swap3A_261] {strides = array<i32>} : memref<8x4096xf32, #tpu.memory_space<vmem>>, vector<1x16xf32>,
        %swap3A_263 = vector.shape_cast %swap3A_262 : vector<1x16xf32> to vector<16xf32>
        %swap3A_264 = vector.shape_cast %add3A_258 : vector<16xf32> to vector<1x16xf32>
        tpu.vector_store %arg5[%swap3A_260, %swap3A_261], %swap3A_264 {strides = array<i32>} : memref<8x4096xf32, #tpu.memory_space<vmem>>, vector<1x16xf32>,
        %add3A_265 = arith.constant 160 : i32
        %add3A_266 = arith.addi %mul3A_76, %add3A_265 : i32
        %get3A_267 = arith.constant 1 : i32
        %get3A_268 = arith.index_cast %get3A_267 : i32 to index
        %get3A_269 = arith.index_cast %add3A_266 : i32 to index
        %get3A_270 = tpu.vector_load %arg5[%get3A_268, %get3A_269] {strides = array<i32>} : memref<8x4096xf32, #tpu.memory_space<vmem>>, vector<1x16xf32>,
        %get3A_271 = vector.shape_cast %get3A_270 : vector<1x16xf32> to vector<16xf32>
        %get3A_272 = arith.constant 1 : i32
        %get3A_273 = arith.index_cast %get3A_272 : i32 to index
        %get3A_274 = arith.index_cast %add3A_266 : i32 to index
        %get3A_275 = tpu.vector_load %arg6[%get3A_273, %get3A_274] {strides = array<i32>} : memref<8x4096xf32, #tpu.memory_space<vmem>>, vector<1x16xf32>,
        %get3A_276 = vector.shape_cast %get3A_275 : vector<1x16xf32> to vector<16xf32>
        %add3A_277 = arith.addf %get3A_271, %get3A_276 : vector<16xf32>
        %swap3A_278 = arith.constant 1 : i32
        %swap3A_279 = arith.index_cast %swap3A_278 : i32 to index
        %swap3A_280 = arith.index_cast %add3A_266 : i32 to index
        %swap3A_281 = tpu.vector_load %arg5[%swap3A_279, %swap3A_280] {strides = array<i32>} : memref<8x4096xf32, #tpu.memory_space<vmem>>, vector<1x16xf32>,
        %swap3A_282 = vector.shape_cast %swap3A_281 : vector<1x16xf32> to vector<16xf32>
        %swap3A_283 = vector.shape_cast %add3A_277 : vector<16xf32> to vector<1x16xf32>
        tpu.vector_store %arg5[%swap3A_279, %swap3A_280], %swap3A_283 {strides = array<i32>} : memref<8x4096xf32, #tpu.memory_space<vmem>>, vector<1x16xf32>,
        %add3A_284 = arith.constant 176 : i32
        %add3A_285 = arith.addi %mul3A_76, %add3A_284 : i32
        %get3A_286 = arith.constant 1 : i32
        %get3A_287 = arith.index_cast %get3A_286 : i32 to index
        %get3A_288 = arith.index_cast %add3A_285 : i32 to index
        %get3A_289 = tpu.vector_load %arg5[%get3A_287, %get3A_288] {strides = array<i32>} : memref<8x4096xf32, #tpu.memory_space<vmem>>, vector<1x16xf32>,
        %get3A_290 = vector.shape_cast %get3A_289 : vector<1x16xf32> to vector<16xf32>
        %get3A_291 = arith.constant 1 : i32
        %get3A_292 = arith.index_cast %get3A_291 : i32 to index
        %get3A_293 = arith.index_cast %add3A_285 : i32 to index
        %get3A_294 = tpu.vector_load %arg6[%get3A_292, %get3A_293] {strides = array<i32>} : memref<8x4096xf32, #tpu.memory_space<vmem>>, vector<1x16xf32>,
        %get3A_295 = vector.shape_cast %get3A_294 : vector<1x16xf32> to vector<16xf32>
        %add3A_296 = arith.addf %get3A_290, %get3A_295 : vector<16xf32>
        %swap3A_297 = arith.constant 1 : i32
        %swap3A_298 = arith.index_cast %swap3A_297 : i32 to index
        %swap3A_299 = arith.index_cast %add3A_285 : i32 to index
        %swap3A_300 = tpu.vector_load %arg5[%swap3A_298, %swap3A_299] {strides = array<i32>} : memref<8x4096xf32, #tpu.memory_space<vmem>>, vector<1x16xf32>,
        %swap3A_301 = vector.shape_cast %swap3A_300 : vector<1x16xf32> to vector<16xf32>
        %swap3A_302 = vector.shape_cast %add3A_296 : vector<16xf32> to vector<1x16xf32>
        tpu.vector_store %arg5[%swap3A_298, %swap3A_299], %swap3A_302 {strides = array<i32>} : memref<8x4096xf32, #tpu.memory_space<vmem>>, vector<1x16xf32>,
        %add3A_303 = arith.constant 192 : i32
        %add3A_304 = arith.addi %mul3A_76, %add3A_303 : i32
        %get3A_305 = arith.constant 1 : i32
        %get3A_306 = arith.index_cast %get3A_305 : i32 to index
        %get3A_307 = arith.index_cast %add3A_304 : i32 to index
        %get3A_308 = tpu.vector_load %arg5[%get3A_306, %get3A_307] {strides = array<i32>} : memref<8x4096xf32, #tpu.memory_space<vmem>>, vector<1x16xf32>,
        %get3A_309 = vector.shape_cast %get3A_308 : vector<1x16xf32> to vector<16xf32>
        %get3A_310 = arith.constant 1 : i32
        %get3A_311 = arith.index_cast %get3A_310 : i32 to index
        %get3A_312 = arith.index_cast %add3A_304 : i32 to index
        %get3A_313 = tpu.vector_load %arg6[%get3A_311, %get3A_312] {strides = array<i32>} : memref<8x4096xf32, #tpu.memory_space<vmem>>, vector<1x16xf32>,
        %get3A_314 = vector.shape_cast %get3A_313 : vector<1x16xf32> to vector<16xf32>
        %add3A_315 = arith.addf %get3A_309, %get3A_314 : vector<16xf32>
        %swap3A_316 = arith.constant 1 : i32
        %swap3A_317 = arith.index_cast %swap3A_316 : i32 to index
        %swap3A_318 = arith.index_cast %add3A_304 : i32 to index
        %swap3A_319 = tpu.vector_load %arg5[%swap3A_317, %swap3A_318] {strides = array<i32>} : memref<8x4096xf32, #tpu.memory_space<vmem>>, vector<1x16xf32>,
        %swap3A_320 = vector.shape_cast %swap3A_319 : vector<1x16xf32> to vector<16xf32>
        %swap3A_321 = vector.shape_cast %add3A_315 : vector<16xf32> to vector<1x16xf32>
        tpu.vector_store %arg5[%swap3A_317, %swap3A_318], %swap3A_321 {strides = array<i32>} : memref<8x4096xf32, #tpu.memory_space<vmem>>, vector<1x16xf32>,
        %add3A_322 = arith.constant 208 : i32
        %add3A_323 = arith.addi %mul3A_76, %add3A_322 : i32
        %get3A_324 = arith.constant 1 : i32
        %get3A_325 = arith.index_cast %get3A_324 : i32 to index
        %get3A_326 = arith.index_cast %add3A_323 : i32 to index
        %get3A_327 = tpu.vector_load %arg5[%get3A_325, %get3A_326] {strides = array<i32>} : memref<8x4096xf32, #tpu.memory_space<vmem>>, vector<1x16xf32>,
        %get3A_328 = vector.shape_cast %get3A_327 : vector<1x16xf32> to vector<16xf32>
        %get3A_329 = arith.constant 1 : i32
        %get3A_330 = arith.index_cast %get3A_329 : i32 to index
        %get3A_331 = arith.index_cast %add3A_323 : i32 to index
        %get3A_332 = tpu.vector_load %arg6[%get3A_330, %get3A_331] {strides = array<i32>} : memref<8x4096xf32, #tpu.memory_space<vmem>>, vector<1x16xf32>,
        %get3A_333 = vector.shape_cast %get3A_332 : vector<1x16xf32> to vector<16xf32>
        %add3A_334 = arith.addf %get3A_328, %get3A_333 : vector<16xf32>
        %swap3A_335 = arith.constant 1 : i32
        %swap3A_336 = arith.index_cast %swap3A_335 : i32 to index
        %swap3A_337 = arith.index_cast %add3A_323 : i32 to index
        %swap3A_338 = tpu.vector_load %arg5[%swap3A_336, %swap3A_337] {strides = array<i32>} : memref<8x4096xf32, #tpu.memory_space<vmem>>, vector<1x16xf32>,
        %swap3A_339 = vector.shape_cast %swap3A_338 : vector<1x16xf32> to vector<16xf32>
        %swap3A_340 = vector.shape_cast %add3A_334 : vector<16xf32> to vector<1x16xf32>
        tpu.vector_store %arg5[%swap3A_336, %swap3A_337], %swap3A_340 {strides = array<i32>} : memref<8x4096xf32, #tpu.memory_space<vmem>>, vector<1x16xf32>,
        %add3A_341 = arith.constant 224 : i32
        %add3A_342 = arith.addi %mul3A_76, %add3A_341 : i32
        %get3A_343 = arith.constant 1 : i32
        %get3A_344 = arith.index_cast %get3A_343 : i32 to index
        %get3A_345 = arith.index_cast %add3A_342 : i32 to index
        %get3A_346 = tpu.vector_load %arg5[%get3A_344, %get3A_345] {strides = array<i32>} : memref<8x4096xf32, #tpu.memory_space<vmem>>, vector<1x16xf32>,
        %get3A_347 = vector.shape_cast %get3A_346 : vector<1x16xf32> to vector<16xf32>
        %get3A_348 = arith.constant 1 : i32
        %get3A_349 = arith.index_cast %get3A_348 : i32 to index
        %get3A_350 = arith.index_cast %add3A_342 : i32 to index
        %get3A_351 = tpu.vector_load %arg6[%get3A_349, %get3A_350] {strides = array<i32>} : memref<8x4096xf32, #tpu.memory_space<vmem>>, vector<1x16xf32>,
        %get3A_352 = vector.shape_cast %get3A_351 : vector<1x16xf32> to vector<16xf32>
        %add3A_353 = arith.addf %get3A_347, %get3A_352 : vector<16xf32>
        %swap3A_354 = arith.constant 1 : i32
        %swap3A_355 = arith.index_cast %swap3A_354 : i32 to index
        %swap3A_356 = arith.index_cast %add3A_342 : i32 to index
        %swap3A_357 = tpu.vector_load %arg5[%swap3A_355, %swap3A_356] {strides = array<i32>} : memref<8x4096xf32, #tpu.memory_space<vmem>>, vector<1x16xf32>,
        %swap3A_358 = vector.shape_cast %swap3A_357 : vector<1x16xf32> to vector<16xf32>
        %swap3A_359 = vector.shape_cast %add3A_353 : vector<16xf32> to vector<1x16xf32>
        tpu.vector_store %arg5[%swap3A_355, %swap3A_356], %swap3A_359 {strides = array<i32>} : memref<8x4096xf32, #tpu.memory_space<vmem>>, vector<1x16xf32>,
        %add3A_360 = arith.constant 240 : i32
        %add3A_361 = arith.addi %mul3A_76, %add3A_360 : i32
        %get3A_362 = arith.constant 1 : i32
        %get3A_363 = arith.index_cast %get3A_362 : i32 to index
        %get3A_364 = arith.index_cast %add3A_361 : i32 to index
        %get3A_365 = tpu.vector_load %arg5[%get3A_363, %get3A_364] {strides = array<i32>} : memref<8x4096xf32, #tpu.memory_space<vmem>>, vector<1x16xf32>,
        %get3A_366 = vector.shape_cast %get3A_365 : vector<1x16xf32> to vector<16xf32>
        %get3A_367 = arith.constant 1 : i32
        %get3A_368 = arith.index_cast %get3A_367 : i32 to index
        %get3A_369 = arith.index_cast %add3A_361 : i32 to index
        %get3A_370 = tpu.vector_load %arg6[%get3A_368, %get3A_369] {strides = array<i32>} : memref<8x4096xf32, #tpu.memory_space<vmem>>, vector<1x16xf32>,
        %get3A_371 = vector.shape_cast %get3A_370 : vector<1x16xf32> to vector<16xf32>
        %add3A_372 = arith.addf %get3A_366, %get3A_371 : vector<16xf32>
        %swap3A_373 = arith.constant 1 : i32
        %swap3A_374 = arith.index_cast %swap3A_373 : i32 to index
        %swap3A_375 = arith.index_cast %add3A_361 : i32 to index
        %swap3A_376 = tpu.vector_load %arg5[%swap3A_374, %swap3A_375] {strides = array<i32>} : memref<8x4096xf32, #tpu.memory_space<vmem>>, vector<1x16xf32>,
        %swap3A_377 = vector.shape_cast %swap3A_376 : vector<1x16xf32> to vector<16xf32>
        %swap3A_378 = vector.shape_cast %add3A_372 : vector<16xf32> to vector<1x16xf32>
        tpu.vector_store %arg5[%swap3A_374, %swap3A_375], %swap3A_378 {strides = array<i32>} : memref<8x4096xf32, #tpu.memory_space<vmem>>, vector<1x16xf32>,
      }
      %scan3A_37 = arith.constant 16 : i32
      %scan3A_38 = arith.constant 0 : i32
      %scan3A_39 = arith.constant 0 : i32
      %scan3A_40 = arith.constant 16 : i32
      %scan3A_41 = arith.addi %scan3A_39, %scan3A_40 : i32
      %scan3A_42 = arith.constant 1 : i32
      scf.for %scan3A_74 = %scan3A_39 to %scan3A_41 step %scan3A_42  : i32 {
        %mul3A_75 = arith.constant 256 : i32
        %mul3A_76 = arith.muli %scan3A_74, %mul3A_75 : i32
        %add3A_77 = arith.constant 0 : i32
        %add3A_78 = arith.addi %mul3A_76, %add3A_77 : i32
        %get3A = arith.constant 2 : i32
        %get3A_79 = arith.index_cast %get3A : i32 to index
        %get3A_80 = arith.index_cast %add3A_78 : i32 to index
        %get3A_81 = tpu.vector_load %arg5[%get3A_79, %get3A_80] {strides = array<i32>} : memref<8x4096xf32, #tpu.memory_space<vmem>>, vector<1x16xf32>,
        %get3A_82 = vector.shape_cast %get3A_81 : vector<1x16xf32> to vector<16xf32>
        %get3A_83 = arith.constant 2 : i32
        %get3A_84 = arith.index_cast %get3A_83 : i32 to index
        %get3A_85 = arith.index_cast %add3A_78 : i32 to index
        %get3A_86 = tpu.vector_load %arg6[%get3A_84, %get3A_85] {strides = array<i32>} : memref<8x4096xf32, #tpu.memory_space<vmem>>, vector<1x16xf32>,
        %get3A_87 = vector.shape_cast %get3A_86 : vector<1x16xf32> to vector<16xf32>
        %add3A_88 = arith.addf %get3A_82, %get3A_87 : vector<16xf32>
        %swap3A = arith.constant 2 : i32
        %swap3A_89 = arith.index_cast %swap3A : i32 to index
        %swap3A_90 = arith.index_cast %add3A_78 : i32 to index
        %swap3A_91 = tpu.vector_load %arg5[%swap3A_89, %swap3A_90] {strides = array<i32>} : memref<8x4096xf32, #tpu.memory_space<vmem>>, vector<1x16xf32>,
        %swap3A_92 = vector.shape_cast %swap3A_91 : vector<1x16xf32> to vector<16xf32>
        %swap3A_93 = vector.shape_cast %add3A_88 : vector<16xf32> to vector<1x16xf32>
        tpu.vector_store %arg5[%swap3A_89, %swap3A_90], %swap3A_93 {strides = array<i32>} : memref<8x4096xf32, #tpu.memory_space<vmem>>, vector<1x16xf32>,
        %add3A_94 = arith.constant 16 : i32
        %add3A_95 = arith.addi %mul3A_76, %add3A_94 : i32
        %get3A_96 = arith.constant 2 : i32
        %get3A_97 = arith.index_cast %get3A_96 : i32 to index
        %get3A_98 = arith.index_cast %add3A_95 : i32 to index
        %get3A_99 = tpu.vector_load %arg5[%get3A_97, %get3A_98] {strides = array<i32>} : memref<8x4096xf32, #tpu.memory_space<vmem>>, vector<1x16xf32>,
        %get3A_100 = vector.shape_cast %get3A_99 : vector<1x16xf32> to vector<16xf32>
        %get3A_101 = arith.constant 2 : i32
        %get3A_102 = arith.index_cast %get3A_101 : i32 to index
        %get3A_103 = arith.index_cast %add3A_95 : i32 to index
        %get3A_104 = tpu.vector_load %arg6[%get3A_102, %get3A_103] {strides = array<i32>} : memref<8x4096xf32, #tpu.memory_space<vmem>>, vector<1x16xf32>,
        %get3A_105 = vector.shape_cast %get3A_104 : vector<1x16xf32> to vector<16xf32>
        %add3A_106 = arith.addf %get3A_100, %get3A_105 : vector<16xf32>
        %swap3A_107 = arith.constant 2 : i32
        %swap3A_108 = arith.index_cast %swap3A_107 : i32 to index
        %swap3A_109 = arith.index_cast %add3A_95 : i32 to index
        %swap3A_110 = tpu.vector_load %arg5[%swap3A_108, %swap3A_109] {strides = array<i32>} : memref<8x4096xf32, #tpu.memory_space<vmem>>, vector<1x16xf32>,
        %swap3A_111 = vector.shape_cast %swap3A_110 : vector<1x16xf32> to vector<16xf32>
        %swap3A_112 = vector.shape_cast %add3A_106 : vector<16xf32> to vector<1x16xf32>
        tpu.vector_store %arg5[%swap3A_108, %swap3A_109], %swap3A_112 {strides = array<i32>} : memref<8x4096xf32, #tpu.memory_space<vmem>>, vector<1x16xf32>,
        %add3A_113 = arith.constant 32 : i32
        %add3A_114 = arith.addi %mul3A_76, %add3A_113 : i32
        %get3A_115 = arith.constant 2 : i32
        %get3A_116 = arith.index_cast %get3A_115 : i32 to index
        %get3A_117 = arith.index_cast %add3A_114 : i32 to index
        %get3A_118 = tpu.vector_load %arg5[%get3A_116, %get3A_117] {strides = array<i32>} : memref<8x4096xf32, #tpu.memory_space<vmem>>, vector<1x16xf32>,
        %get3A_119 = vector.shape_cast %get3A_118 : vector<1x16xf32> to vector<16xf32>
        %get3A_120 = arith.constant 2 : i32
        %get3A_121 = arith.index_cast %get3A_120 : i32 to index
        %get3A_122 = arith.index_cast %add3A_114 : i32 to index
        %get3A_123 = tpu.vector_load %arg6[%get3A_121, %get3A_122] {strides = array<i32>} : memref<8x4096xf32, #tpu.memory_space<vmem>>, vector<1x16xf32>,
        %get3A_124 = vector.shape_cast %get3A_123 : vector<1x16xf32> to vector<16xf32>
        %add3A_125 = arith.addf %get3A_119, %get3A_124 : vector<16xf32>
        %swap3A_126 = arith.constant 2 : i32
        %swap3A_127 = arith.index_cast %swap3A_126 : i32 to index
        %swap3A_128 = arith.index_cast %add3A_114 : i32 to index
        %swap3A_129 = tpu.vector_load %arg5[%swap3A_127, %swap3A_128] {strides = array<i32>} : memref<8x4096xf32, #tpu.memory_space<vmem>>, vector<1x16xf32>,
        %swap3A_130 = vector.shape_cast %swap3A_129 : vector<1x16xf32> to vector<16xf32>
        %swap3A_131 = vector.shape_cast %add3A_125 : vector<16xf32> to vector<1x16xf32>
        tpu.vector_store %arg5[%swap3A_127, %swap3A_128], %swap3A_131 {strides = array<i32>} : memref<8x4096xf32, #tpu.memory_space<vmem>>, vector<1x16xf32>,
        %add3A_132 = arith.constant 48 : i32
        %add3A_133 = arith.addi %mul3A_76, %add3A_132 : i32
        %get3A_134 = arith.constant 2 : i32
        %get3A_135 = arith.index_cast %get3A_134 : i32 to index
        %get3A_136 = arith.index_cast %add3A_133 : i32 to index
        %get3A_137 = tpu.vector_load %arg5[%get3A_135, %get3A_136] {strides = array<i32>} : memref<8x4096xf32, #tpu.memory_space<vmem>>, vector<1x16xf32>,
        %get3A_138 = vector.shape_cast %get3A_137 : vector<1x16xf32> to vector<16xf32>
        %get3A_139 = arith.constant 2 : i32
        %get3A_140 = arith.index_cast %get3A_139 : i32 to index
        %get3A_141 = arith.index_cast %add3A_133 : i32 to index
        %get3A_142 = tpu.vector_load %arg6[%get3A_140, %get3A_141] {strides = array<i32>} : memref<8x4096xf32, #tpu.memory_space<vmem>>, vector<1x16xf32>,
        %get3A_143 = vector.shape_cast %get3A_142 : vector<1x16xf32> to vector<16xf32>
        %add3A_144 = arith.addf %get3A_138, %get3A_143 : vector<16xf32>
        %swap3A_145 = arith.constant 2 : i32
        %swap3A_146 = arith.index_cast %swap3A_145 : i32 to index
        %swap3A_147 = arith.index_cast %add3A_133 : i32 to index
        %swap3A_148 = tpu.vector_load %arg5[%swap3A_146, %swap3A_147] {strides = array<i32>} : memref<8x4096xf32, #tpu.memory_space<vmem>>, vector<1x16xf32>,
        %swap3A_149 = vector.shape_cast %swap3A_148 : vector<1x16xf32> to vector<16xf32>
        %swap3A_150 = vector.shape_cast %add3A_144 : vector<16xf32> to vector<1x16xf32>
        tpu.vector_store %arg5[%swap3A_146, %swap3A_147], %swap3A_150 {strides = array<i32>} : memref<8x4096xf32, #tpu.memory_space<vmem>>, vector<1x16xf32>,
        %add3A_151 = arith.constant 64 : i32
        %add3A_152 = arith.addi %mul3A_76, %add3A_151 : i32
        %get3A_153 = arith.constant 2 : i32
        %get3A_154 = arith.index_cast %get3A_153 : i32 to index
        %get3A_155 = arith.index_cast %add3A_152 : i32 to index
        %get3A_156 = tpu.vector_load %arg5[%get3A_154, %get3A_155] {strides = array<i32>} : memref<8x4096xf32, #tpu.memory_space<vmem>>, vector<1x16xf32>,
        %get3A_157 = vector.shape_cast %get3A_156 : vector<1x16xf32> to vector<16xf32>
        %get3A_158 = arith.constant 2 : i32
        %get3A_159 = arith.index_cast %get3A_158 : i32 to index
        %get3A_160 = arith.index_cast %add3A_152 : i32 to index
        %get3A_161 = tpu.vector_load %arg6[%get3A_159, %get3A_160] {strides = array<i32>} : memref<8x4096xf32, #tpu.memory_space<vmem>>, vector<1x16xf32>,
        %get3A_162 = vector.shape_cast %get3A_161 : vector<1x16xf32> to vector<16xf32>
        %add3A_163 = arith.addf %get3A_157, %get3A_162 : vector<16xf32>
        %swap3A_164 = arith.constant 2 : i32
        %swap3A_165 = arith.index_cast %swap3A_164 : i32 to index
        %swap3A_166 = arith.index_cast %add3A_152 : i32 to index
        %swap3A_167 = tpu.vector_load %arg5[%swap3A_165, %swap3A_166] {strides = array<i32>} : memref<8x4096xf32, #tpu.memory_space<vmem>>, vector<1x16xf32>,
        %swap3A_168 = vector.shape_cast %swap3A_167 : vector<1x16xf32> to vector<16xf32>
        %swap3A_169 = vector.shape_cast %add3A_163 : vector<16xf32> to vector<1x16xf32>
        tpu.vector_store %arg5[%swap3A_165, %swap3A_166], %swap3A_169 {strides = array<i32>} : memref<8x4096xf32, #tpu.memory_space<vmem>>, vector<1x16xf32>,
        %add3A_170 = arith.constant 80 : i32
        %add3A_171 = arith.addi %mul3A_76, %add3A_170 : i32
        %get3A_172 = arith.constant 2 : i32
        %get3A_173 = arith.index_cast %get3A_172 : i32 to index
        %get3A_174 = arith.index_cast %add3A_171 : i32 to index
        %get3A_175 = tpu.vector_load %arg5[%get3A_173, %get3A_174] {strides = array<i32>} : memref<8x4096xf32, #tpu.memory_space<vmem>>, vector<1x16xf32>,
        %get3A_176 = vector.shape_cast %get3A_175 : vector<1x16xf32> to vector<16xf32>
        %get3A_177 = arith.constant 2 : i32
        %get3A_178 = arith.index_cast %get3A_177 : i32 to index
        %get3A_179 = arith.index_cast %add3A_171 : i32 to index
        %get3A_180 = tpu.vector_load %arg6[%get3A_178, %get3A_179] {strides = array<i32>} : memref<8x4096xf32, #tpu.memory_space<vmem>>, vector<1x16xf32>,
        %get3A_181 = vector.shape_cast %get3A_180 : vector<1x16xf32> to vector<16xf32>
        %add3A_182 = arith.addf %get3A_176, %get3A_181 : vector<16xf32>
        %swap3A_183 = arith.constant 2 : i32
        %swap3A_184 = arith.index_cast %swap3A_183 : i32 to index
        %swap3A_185 = arith.index_cast %add3A_171 : i32 to index
        %swap3A_186 = tpu.vector_load %arg5[%swap3A_184, %swap3A_185] {strides = array<i32>} : memref<8x4096xf32, #tpu.memory_space<vmem>>, vector<1x16xf32>,
        %swap3A_187 = vector.shape_cast %swap3A_186 : vector<1x16xf32> to vector<16xf32>
        %swap3A_188 = vector.shape_cast %add3A_182 : vector<16xf32> to vector<1x16xf32>
        tpu.vector_store %arg5[%swap3A_184, %swap3A_185], %swap3A_188 {strides = array<i32>} : memref<8x4096xf32, #tpu.memory_space<vmem>>, vector<1x16xf32>,
        %add3A_189 = arith.constant 96 : i32
        %add3A_190 = arith.addi %mul3A_76, %add3A_189 : i32
        %get3A_191 = arith.constant 2 : i32
        %get3A_192 = arith.index_cast %get3A_191 : i32 to index
        %get3A_193 = arith.index_cast %add3A_190 : i32 to index
        %get3A_194 = tpu.vector_load %arg5[%get3A_192, %get3A_193] {strides = array<i32>} : memref<8x4096xf32, #tpu.memory_space<vmem>>, vector<1x16xf32>,
        %get3A_195 = vector.shape_cast %get3A_194 : vector<1x16xf32> to vector<16xf32>
        %get3A_196 = arith.constant 2 : i32
        %get3A_197 = arith.index_cast %get3A_196 : i32 to index
        %get3A_198 = arith.index_cast %add3A_190 : i32 to index
        %get3A_199 = tpu.vector_load %arg6[%get3A_197, %get3A_198] {strides = array<i32>} : memref<8x4096xf32, #tpu.memory_space<vmem>>, vector<1x16xf32>,
        %get3A_200 = vector.shape_cast %get3A_199 : vector<1x16xf32> to vector<16xf32>
        %add3A_201 = arith.addf %get3A_195, %get3A_200 : vector<16xf32>
        %swap3A_202 = arith.constant 2 : i32
        %swap3A_203 = arith.index_cast %swap3A_202 : i32 to index
        %swap3A_204 = arith.index_cast %add3A_190 : i32 to index
        %swap3A_205 = tpu.vector_load %arg5[%swap3A_203, %swap3A_204] {strides = array<i32>} : memref<8x4096xf32, #tpu.memory_space<vmem>>, vector<1x16xf32>,
        %swap3A_206 = vector.shape_cast %swap3A_205 : vector<1x16xf32> to vector<16xf32>
        %swap3A_207 = vector.shape_cast %add3A_201 : vector<16xf32> to vector<1x16xf32>
        tpu.vector_store %arg5[%swap3A_203, %swap3A_204], %swap3A_207 {strides = array<i32>} : memref<8x4096xf32, #tpu.memory_space<vmem>>, vector<1x16xf32>,
        %add3A_208 = arith.constant 112 : i32
        %add3A_209 = arith.addi %mul3A_76, %add3A_208 : i32
        %get3A_210 = arith.constant 2 : i32
        %get3A_211 = arith.index_cast %get3A_210 : i32 to index
        %get3A_212 = arith.index_cast %add3A_209 : i32 to index
        %get3A_213 = tpu.vector_load %arg5[%get3A_211, %get3A_212] {strides = array<i32>} : memref<8x4096xf32, #tpu.memory_space<vmem>>, vector<1x16xf32>,
        %get3A_214 = vector.shape_cast %get3A_213 : vector<1x16xf32> to vector<16xf32>
        %get3A_215 = arith.constant 2 : i32
        %get3A_216 = arith.index_cast %get3A_215 : i32 to index
        %get3A_217 = arith.index_cast %add3A_209 : i32 to index
        %get3A_218 = tpu.vector_load %arg6[%get3A_216, %get3A_217] {strides = array<i32>} : memref<8x4096xf32, #tpu.memory_space<vmem>>, vector<1x16xf32>,
        %get3A_219 = vector.shape_cast %get3A_218 : vector<1x16xf32> to vector<16xf32>
        %add3A_220 = arith.addf %get3A_214, %get3A_219 : vector<16xf32>
        %swap3A_221 = arith.constant 2 : i32
        %swap3A_222 = arith.index_cast %swap3A_221 : i32 to index
        %swap3A_223 = arith.index_cast %add3A_209 : i32 to index
        %swap3A_224 = tpu.vector_load %arg5[%swap3A_222, %swap3A_223] {strides = array<i32>} : memref<8x4096xf32, #tpu.memory_space<vmem>>, vector<1x16xf32>,
        %swap3A_225 = vector.shape_cast %swap3A_224 : vector<1x16xf32> to vector<16xf32>
        %swap3A_226 = vector.shape_cast %add3A_220 : vector<16xf32> to vector<1x16xf32>
        tpu.vector_store %arg5[%swap3A_222, %swap3A_223], %swap3A_226 {strides = array<i32>} : memref<8x4096xf32, #tpu.memory_space<vmem>>, vector<1x16xf32>,
        %add3A_227 = arith.constant 128 : i32
        %add3A_228 = arith.addi %mul3A_76, %add3A_227 : i32
        %get3A_229 = arith.constant 2 : i32
        %get3A_230 = arith.index_cast %get3A_229 : i32 to index
        %get3A_231 = arith.index_cast %add3A_228 : i32 to index
        %get3A_232 = tpu.vector_load %arg5[%get3A_230, %get3A_231] {strides = array<i32>} : memref<8x4096xf32, #tpu.memory_space<vmem>>, vector<1x16xf32>,
        %get3A_233 = vector.shape_cast %get3A_232 : vector<1x16xf32> to vector<16xf32>
        %get3A_234 = arith.constant 2 : i32
        %get3A_235 = arith.index_cast %get3A_234 : i32 to index
        %get3A_236 = arith.index_cast %add3A_228 : i32 to index
        %get3A_237 = tpu.vector_load %arg6[%get3A_235, %get3A_236] {strides = array<i32>} : memref<8x4096xf32, #tpu.memory_space<vmem>>, vector<1x16xf32>,
        %get3A_238 = vector.shape_cast %get3A_237 : vector<1x16xf32> to vector<16xf32>
        %add3A_239 = arith.addf %get3A_233, %get3A_238 : vector<16xf32>
        %swap3A_240 = arith.constant 2 : i32
        %swap3A_241 = arith.index_cast %swap3A_240 : i32 to index
        %swap3A_242 = arith.index_cast %add3A_228 : i32 to index
        %swap3A_243 = tpu.vector_load %arg5[%swap3A_241, %swap3A_242] {strides = array<i32>} : memref<8x4096xf32, #tpu.memory_space<vmem>>, vector<1x16xf32>,
        %swap3A_244 = vector.shape_cast %swap3A_243 : vector<1x16xf32> to vector<16xf32>
        %swap3A_245 = vector.shape_cast %add3A_239 : vector<16xf32> to vector<1x16xf32>
        tpu.vector_store %arg5[%swap3A_241, %swap3A_242], %swap3A_245 {strides = array<i32>} : memref<8x4096xf32, #tpu.memory_space<vmem>>, vector<1x16xf32>,
        %add3A_246 = arith.constant 144 : i32
        %add3A_247 = arith.addi %mul3A_76, %add3A_246 : i32
        %get3A_248 = arith.constant 2 : i32
        %get3A_249 = arith.index_cast %get3A_248 : i32 to index
        %get3A_250 = arith.index_cast %add3A_247 : i32 to index
        %get3A_251 = tpu.vector_load %arg5[%get3A_249, %get3A_250] {strides = array<i32>} : memref<8x4096xf32, #tpu.memory_space<vmem>>, vector<1x16xf32>,
        %get3A_252 = vector.shape_cast %get3A_251 : vector<1x16xf32> to vector<16xf32>
        %get3A_253 = arith.constant 2 : i32
        %get3A_254 = arith.index_cast %get3A_253 : i32 to index
        %get3A_255 = arith.index_cast %add3A_247 : i32 to index
        %get3A_256 = tpu.vector_load %arg6[%get3A_254, %get3A_255] {strides = array<i32>} : memref<8x4096xf32, #tpu.memory_space<vmem>>, vector<1x16xf32>,
        %get3A_257 = vector.shape_cast %get3A_256 : vector<1x16xf32> to vector<16xf32>
        %add3A_258 = arith.addf %get3A_252, %get3A_257 : vector<16xf32>
        %swap3A_259 = arith.constant 2 : i32
        %swap3A_260 = arith.index_cast %swap3A_259 : i32 to index
        %swap3A_261 = arith.index_cast %add3A_247 : i32 to index
        %swap3A_262 = tpu.vector_load %arg5[%swap3A_260, %swap3A_261] {strides = array<i32>} : memref<8x4096xf32, #tpu.memory_space<vmem>>, vector<1x16xf32>,
        %swap3A_263 = vector.shape_cast %swap3A_262 : vector<1x16xf32> to vector<16xf32>
        %swap3A_264 = vector.shape_cast %add3A_258 : vector<16xf32> to vector<1x16xf32>
        tpu.vector_store %arg5[%swap3A_260, %swap3A_261], %swap3A_264 {strides = array<i32>} : memref<8x4096xf32, #tpu.memory_space<vmem>>, vector<1x16xf32>,
        %add3A_265 = arith.constant 160 : i32
        %add3A_266 = arith.addi %mul3A_76, %add3A_265 : i32
        %get3A_267 = arith.constant 2 : i32
        %get3A_268 = arith.index_cast %get3A_267 : i32 to index
        %get3A_269 = arith.index_cast %add3A_266 : i32 to index
        %get3A_270 = tpu.vector_load %arg5[%get3A_268, %get3A_269] {strides = array<i32>} : memref<8x4096xf32, #tpu.memory_space<vmem>>, vector<1x16xf32>,
        %get3A_271 = vector.shape_cast %get3A_270 : vector<1x16xf32> to vector<16xf32>
        %get3A_272 = arith.constant 2 : i32
        %get3A_273 = arith.index_cast %get3A_272 : i32 to index
        %get3A_274 = arith.index_cast %add3A_266 : i32 to index
        %get3A_275 = tpu.vector_load %arg6[%get3A_273, %get3A_274] {strides = array<i32>} : memref<8x4096xf32, #tpu.memory_space<vmem>>, vector<1x16xf32>,
        %get3A_276 = vector.shape_cast %get3A_275 : vector<1x16xf32> to vector<16xf32>
        %add3A_277 = arith.addf %get3A_271, %get3A_276 : vector<16xf32>
        %swap3A_278 = arith.constant 2 : i32
        %swap3A_279 = arith.index_cast %swap3A_278 : i32 to index
        %swap3A_280 = arith.index_cast %add3A_266 : i32 to index
        %swap3A_281 = tpu.vector_load %arg5[%swap3A_279, %swap3A_280] {strides = array<i32>} : memref<8x4096xf32, #tpu.memory_space<vmem>>, vector<1x16xf32>,
        %swap3A_282 = vector.shape_cast %swap3A_281 : vector<1x16xf32> to vector<16xf32>
        %swap3A_283 = vector.shape_cast %add3A_277 : vector<16xf32> to vector<1x16xf32>
        tpu.vector_store %arg5[%swap3A_279, %swap3A_280], %swap3A_283 {strides = array<i32>} : memref<8x4096xf32, #tpu.memory_space<vmem>>, vector<1x16xf32>,
        %add3A_284 = arith.constant 176 : i32
        %add3A_285 = arith.addi %mul3A_76, %add3A_284 : i32
        %get3A_286 = arith.constant 2 : i32
        %get3A_287 = arith.index_cast %get3A_286 : i32 to index
        %get3A_288 = arith.index_cast %add3A_285 : i32 to index
        %get3A_289 = tpu.vector_load %arg5[%get3A_287, %get3A_288] {strides = array<i32>} : memref<8x4096xf32, #tpu.memory_space<vmem>>, vector<1x16xf32>,
        %get3A_290 = vector.shape_cast %get3A_289 : vector<1x16xf32> to vector<16xf32>
        %get3A_291 = arith.constant 2 : i32
        %get3A_292 = arith.index_cast %get3A_291 : i32 to index
        %get3A_293 = arith.index_cast %add3A_285 : i32 to index
        %get3A_294 = tpu.vector_load %arg6[%get3A_292, %get3A_293] {strides = array<i32>} : memref<8x4096xf32, #tpu.memory_space<vmem>>, vector<1x16xf32>,
        %get3A_295 = vector.shape_cast %get3A_294 : vector<1x16xf32> to vector<16xf32>
        %add3A_296 = arith.addf %get3A_290, %get3A_295 : vector<16xf32>
        %swap3A_297 = arith.constant 2 : i32
        %swap3A_298 = arith.index_cast %swap3A_297 : i32 to index
        %swap3A_299 = arith.index_cast %add3A_285 : i32 to index
        %swap3A_300 = tpu.vector_load %arg5[%swap3A_298, %swap3A_299] {strides = array<i32>} : memref<8x4096xf32, #tpu.memory_space<vmem>>, vector<1x16xf32>,
        %swap3A_301 = vector.shape_cast %swap3A_300 : vector<1x16xf32> to vector<16xf32>
        %swap3A_302 = vector.shape_cast %add3A_296 : vector<16xf32> to vector<1x16xf32>
        tpu.vector_store %arg5[%swap3A_298, %swap3A_299], %swap3A_302 {strides = array<i32>} : memref<8x4096xf32, #tpu.memory_space<vmem>>, vector<1x16xf32>,
        %add3A_303 = arith.constant 192 : i32
        %add3A_304 = arith.addi %mul3A_76, %add3A_303 : i32
        %get3A_305 = arith.constant 2 : i32
        %get3A_306 = arith.index_cast %get3A_305 : i32 to index
        %get3A_307 = arith.index_cast %add3A_304 : i32 to index
        %get3A_308 = tpu.vector_load %arg5[%get3A_306, %get3A_307] {strides = array<i32>} : memref<8x4096xf32, #tpu.memory_space<vmem>>, vector<1x16xf32>,
        %get3A_309 = vector.shape_cast %get3A_308 : vector<1x16xf32> to vector<16xf32>
        %get3A_310 = arith.constant 2 : i32
        %get3A_311 = arith.index_cast %get3A_310 : i32 to index
        %get3A_312 = arith.index_cast %add3A_304 : i32 to index
        %get3A_313 = tpu.vector_load %arg6[%get3A_311, %get3A_312] {strides = array<i32>} : memref<8x4096xf32, #tpu.memory_space<vmem>>, vector<1x16xf32>,
        %get3A_314 = vector.shape_cast %get3A_313 : vector<1x16xf32> to vector<16xf32>
        %add3A_315 = arith.addf %get3A_309, %get3A_314 : vector<16xf32>
        %swap3A_316 = arith.constant 2 : i32
        %swap3A_317 = arith.index_cast %swap3A_316 : i32 to index
        %swap3A_318 = arith.index_cast %add3A_304 : i32 to index
        %swap3A_319 = tpu.vector_load %arg5[%swap3A_317, %swap3A_318] {strides = array<i32>} : memref<8x4096xf32, #tpu.memory_space<vmem>>, vector<1x16xf32>,
        %swap3A_320 = vector.shape_cast %swap3A_319 : vector<1x16xf32> to vector<16xf32>
        %swap3A_321 = vector.shape_cast %add3A_315 : vector<16xf32> to vector<1x16xf32>
        tpu.vector_store %arg5[%swap3A_317, %swap3A_318], %swap3A_321 {strides = array<i32>} : memref<8x4096xf32, #tpu.memory_space<vmem>>, vector<1x16xf32>,
        %add3A_322 = arith.constant 208 : i32
        %add3A_323 = arith.addi %mul3A_76, %add3A_322 : i32
        %get3A_324 = arith.constant 2 : i32
        %get3A_325 = arith.index_cast %get3A_324 : i32 to index
        %get3A_326 = arith.index_cast %add3A_323 : i32 to index
        %get3A_327 = tpu.vector_load %arg5[%get3A_325, %get3A_326] {strides = array<i32>} : memref<8x4096xf32, #tpu.memory_space<vmem>>, vector<1x16xf32>,
        %get3A_328 = vector.shape_cast %get3A_327 : vector<1x16xf32> to vector<16xf32>
        %get3A_329 = arith.constant 2 : i32
        %get3A_330 = arith.index_cast %get3A_329 : i32 to index
        %get3A_331 = arith.index_cast %add3A_323 : i32 to index
        %get3A_332 = tpu.vector_load %arg6[%get3A_330, %get3A_331] {strides = array<i32>} : memref<8x4096xf32, #tpu.memory_space<vmem>>, vector<1x16xf32>,
        %get3A_333 = vector.shape_cast %get3A_332 : vector<1x16xf32> to vector<16xf32>
        %add3A_334 = arith.addf %get3A_328, %get3A_333 : vector<16xf32>
        %swap3A_335 = arith.constant 2 : i32
        %swap3A_336 = arith.index_cast %swap3A_335 : i32 to index
        %swap3A_337 = arith.index_cast %add3A_323 : i32 to index
        %swap3A_338 = tpu.vector_load %arg5[%swap3A_336, %swap3A_337] {strides = array<i32>} : memref<8x4096xf32, #tpu.memory_space<vmem>>, vector<1x16xf32>,
        %swap3A_339 = vector.shape_cast %swap3A_338 : vector<1x16xf32> to vector<16xf32>
        %swap3A_340 = vector.shape_cast %add3A_334 : vector<16xf32> to vector<1x16xf32>
        tpu.vector_store %arg5[%swap3A_336, %swap3A_337], %swap3A_340 {strides = array<i32>} : memref<8x4096xf32, #tpu.memory_space<vmem>>, vector<1x16xf32>,
        %add3A_341 = arith.constant 224 : i32
        %add3A_342 = arith.addi %mul3A_76, %add3A_341 : i32
        %get3A_343 = arith.constant 2 : i32
        %get3A_344 = arith.index_cast %get3A_343 : i32 to index
        %get3A_345 = arith.index_cast %add3A_342 : i32 to index
        %get3A_346 = tpu.vector_load %arg5[%get3A_344, %get3A_345] {strides = array<i32>} : memref<8x4096xf32, #tpu.memory_space<vmem>>, vector<1x16xf32>,
        %get3A_347 = vector.shape_cast %get3A_346 : vector<1x16xf32> to vector<16xf32>
        %get3A_348 = arith.constant 2 : i32
        %get3A_349 = arith.index_cast %get3A_348 : i32 to index
        %get3A_350 = arith.index_cast %add3A_342 : i32 to index
        %get3A_351 = tpu.vector_load %arg6[%get3A_349, %get3A_350] {strides = array<i32>} : memref<8x4096xf32, #tpu.memory_space<vmem>>, vector<1x16xf32>,
        %get3A_352 = vector.shape_cast %get3A_351 : vector<1x16xf32> to vector<16xf32>
        %add3A_353 = arith.addf %get3A_347, %get3A_352 : vector<16xf32>
        %swap3A_354 = arith.constant 2 : i32
        %swap3A_355 = arith.index_cast %swap3A_354 : i32 to index
        %swap3A_356 = arith.index_cast %add3A_342 : i32 to index
        %swap3A_357 = tpu.vector_load %arg5[%swap3A_355, %swap3A_356] {strides = array<i32>} : memref<8x4096xf32, #tpu.memory_space<vmem>>, vector<1x16xf32>,
        %swap3A_358 = vector.shape_cast %swap3A_357 : vector<1x16xf32> to vector<16xf32>
        %swap3A_359 = vector.shape_cast %add3A_353 : vector<16xf32> to vector<1x16xf32>
        tpu.vector_store %arg5[%swap3A_355, %swap3A_356], %swap3A_359 {strides = array<i32>} : memref<8x4096xf32, #tpu.memory_space<vmem>>, vector<1x16xf32>,
        %add3A_360 = arith.constant 240 : i32
        %add3A_361 = arith.addi %mul3A_76, %add3A_360 : i32
        %get3A_362 = arith.constant 2 : i32
        %get3A_363 = arith.index_cast %get3A_362 : i32 to index
        %get3A_364 = arith.index_cast %add3A_361 : i32 to index
        %get3A_365 = tpu.vector_load %arg5[%get3A_363, %get3A_364] {strides = array<i32>} : memref<8x4096xf32, #tpu.memory_space<vmem>>, vector<1x16xf32>,
        %get3A_366 = vector.shape_cast %get3A_365 : vector<1x16xf32> to vector<16xf32>
        %get3A_367 = arith.constant 2 : i32
        %get3A_368 = arith.index_cast %get3A_367 : i32 to index
        %get3A_369 = arith.index_cast %add3A_361 : i32 to index
        %get3A_370 = tpu.vector_load %arg6[%get3A_368, %get3A_369] {strides = array<i32>} : memref<8x4096xf32, #tpu.memory_space<vmem>>, vector<1x16xf32>,
        %get3A_371 = vector.shape_cast %get3A_370 : vector<1x16xf32> to vector<16xf32>
        %add3A_372 = arith.addf %get3A_366, %get3A_371 : vector<16xf32>
        %swap3A_373 = arith.constant 2 : i32
        %swap3A_374 = arith.index_cast %swap3A_373 : i32 to index
        %swap3A_375 = arith.index_cast %add3A_361 : i32 to index
        %swap3A_376 = tpu.vector_load %arg5[%swap3A_374, %swap3A_375] {strides = array<i32>} : memref<8x4096xf32, #tpu.memory_space<vmem>>, vector<1x16xf32>,
        %swap3A_377 = vector.shape_cast %swap3A_376 : vector<1x16xf32> to vector<16xf32>
        %swap3A_378 = vector.shape_cast %add3A_372 : vector<16xf32> to vector<1x16xf32>
        tpu.vector_store %arg5[%swap3A_374, %swap3A_375], %swap3A_378 {strides = array<i32>} : memref<8x4096xf32, #tpu.memory_space<vmem>>, vector<1x16xf32>,
      }
      %scan3A_43 = arith.constant 16 : i32
      %scan3A_44 = arith.constant 0 : i32
      %scan3A_45 = arith.constant 0 : i32
      %scan3A_46 = arith.constant 16 : i32
      %scan3A_47 = arith.addi %scan3A_45, %scan3A_46 : i32
      %scan3A_48 = arith.constant 1 : i32
      scf.for %scan3A_74 = %scan3A_45 to %scan3A_47 step %scan3A_48  : i32 {
        %mul3A_75 = arith.constant 256 : i32
        %mul3A_76 = arith.muli %scan3A_74, %mul3A_75 : i32
        %add3A_77 = arith.constant 0 : i32
        %add3A_78 = arith.addi %mul3A_76, %add3A_77 : i32
        %get3A = arith.constant 3 : i32
        %get3A_79 = arith.index_cast %get3A : i32 to index
        %get3A_80 = arith.index_cast %add3A_78 : i32 to index
        %get3A_81 = tpu.vector_load %arg5[%get3A_79, %get3A_80] {strides = array<i32>} : memref<8x4096xf32, #tpu.memory_space<vmem>>, vector<1x16xf32>,
        %get3A_82 = vector.shape_cast %get3A_81 : vector<1x16xf32> to vector<16xf32>
        %get3A_83 = arith.constant 3 : i32
        %get3A_84 = arith.index_cast %get3A_83 : i32 to index
        %get3A_85 = arith.index_cast %add3A_78 : i32 to index
        %get3A_86 = tpu.vector_load %arg6[%get3A_84, %get3A_85] {strides = array<i32>} : memref<8x4096xf32, #tpu.memory_space<vmem>>, vector<1x16xf32>,
        %get3A_87 = vector.shape_cast %get3A_86 : vector<1x16xf32> to vector<16xf32>
        %add3A_88 = arith.addf %get3A_82, %get3A_87 : vector<16xf32>
        %swap3A = arith.constant 3 : i32
        %swap3A_89 = arith.index_cast %swap3A : i32 to index
        %swap3A_90 = arith.index_cast %add3A_78 : i32 to index
        %swap3A_91 = tpu.vector_load %arg5[%swap3A_89, %swap3A_90] {strides = array<i32>} : memref<8x4096xf32, #tpu.memory_space<vmem>>, vector<1x16xf32>,
        %swap3A_92 = vector.shape_cast %swap3A_91 : vector<1x16xf32> to vector<16xf32>
        %swap3A_93 = vector.shape_cast %add3A_88 : vector<16xf32> to vector<1x16xf32>
        tpu.vector_store %arg5[%swap3A_89, %swap3A_90], %swap3A_93 {strides = array<i32>} : memref<8x4096xf32, #tpu.memory_space<vmem>>, vector<1x16xf32>,
        %add3A_94 = arith.constant 16 : i32
        %add3A_95 = arith.addi %mul3A_76, %add3A_94 : i32
        %get3A_96 = arith.constant 3 : i32
        %get3A_97 = arith.index_cast %get3A_96 : i32 to index
        %get3A_98 = arith.index_cast %add3A_95 : i32 to index
        %get3A_99 = tpu.vector_load %arg5[%get3A_97, %get3A_98] {strides = array<i32>} : memref<8x4096xf32, #tpu.memory_space<vmem>>, vector<1x16xf32>,
        %get3A_100 = vector.shape_cast %get3A_99 : vector<1x16xf32> to vector<16xf32>
        %get3A_101 = arith.constant 3 : i32
        %get3A_102 = arith.index_cast %get3A_101 : i32 to index
        %get3A_103 = arith.index_cast %add3A_95 : i32 to index
        %get3A_104 = tpu.vector_load %arg6[%get3A_102, %get3A_103] {strides = array<i32>} : memref<8x4096xf32, #tpu.memory_space<vmem>>, vector<1x16xf32>,
        %get3A_105 = vector.shape_cast %get3A_104 : vector<1x16xf32> to vector<16xf32>
        %add3A_106 = arith.addf %get3A_100, %get3A_105 : vector<16xf32>
        %swap3A_107 = arith.constant 3 : i32
        %swap3A_108 = arith.index_cast %swap3A_107 : i32 to index
        %swap3A_109 = arith.index_cast %add3A_95 : i32 to index
        %swap3A_110 = tpu.vector_load %arg5[%swap3A_108, %swap3A_109] {strides = array<i32>} : memref<8x4096xf32, #tpu.memory_space<vmem>>, vector<1x16xf32>,
        %swap3A_111 = vector.shape_cast %swap3A_110 : vector<1x16xf32> to vector<16xf32>
        %swap3A_112 = vector.shape_cast %add3A_106 : vector<16xf32> to vector<1x16xf32>
        tpu.vector_store %arg5[%swap3A_108, %swap3A_109], %swap3A_112 {strides = array<i32>} : memref<8x4096xf32, #tpu.memory_space<vmem>>, vector<1x16xf32>,
        %add3A_113 = arith.constant 32 : i32
        %add3A_114 = arith.addi %mul3A_76, %add3A_113 : i32
        %get3A_115 = arith.constant 3 : i32
        %get3A_116 = arith.index_cast %get3A_115 : i32 to index
        %get3A_117 = arith.index_cast %add3A_114 : i32 to index
        %get3A_118 = tpu.vector_load %arg5[%get3A_116, %get3A_117] {strides = array<i32>} : memref<8x4096xf32, #tpu.memory_space<vmem>>, vector<1x16xf32>,
        %get3A_119 = vector.shape_cast %get3A_118 : vector<1x16xf32> to vector<16xf32>
        %get3A_120 = arith.constant 3 : i32
        %get3A_121 = arith.index_cast %get3A_120 : i32 to index
        %get3A_122 = arith.index_cast %add3A_114 : i32 to index
        %get3A_123 = tpu.vector_load %arg6[%get3A_121, %get3A_122] {strides = array<i32>} : memref<8x4096xf32, #tpu.memory_space<vmem>>, vector<1x16xf32>,
        %get3A_124 = vector.shape_cast %get3A_123 : vector<1x16xf32> to vector<16xf32>
        %add3A_125 = arith.addf %get3A_119, %get3A_124 : vector<16xf32>
        %swap3A_126 = arith.constant 3 : i32
        %swap3A_127 = arith.index_cast %swap3A_126 : i32 to index
        %swap3A_128 = arith.index_cast %add3A_114 : i32 to index
        %swap3A_129 = tpu.vector_load %arg5[%swap3A_127, %swap3A_128] {strides = array<i32>} : memref<8x4096xf32, #tpu.memory_space<vmem>>, vector<1x16xf32>,
        %swap3A_130 = vector.shape_cast %swap3A_129 : vector<1x16xf32> to vector<16xf32>
        %swap3A_131 = vector.shape_cast %add3A_125 : vector<16xf32> to vector<1x16xf32>
        tpu.vector_store %arg5[%swap3A_127, %swap3A_128], %swap3A_131 {strides = array<i32>} : memref<8x4096xf32, #tpu.memory_space<vmem>>, vector<1x16xf32>,
        %add3A_132 = arith.constant 48 : i32
        %add3A_133 = arith.addi %mul3A_76, %add3A_132 : i32
        %get3A_134 = arith.constant 3 : i32
        %get3A_135 = arith.index_cast %get3A_134 : i32 to index
        %get3A_136 = arith.index_cast %add3A_133 : i32 to index
        %get3A_137 = tpu.vector_load %arg5[%get3A_135, %get3A_136] {strides = array<i32>} : memref<8x4096xf32, #tpu.memory_space<vmem>>, vector<1x16xf32>,
        %get3A_138 = vector.shape_cast %get3A_137 : vector<1x16xf32> to vector<16xf32>
        %get3A_139 = arith.constant 3 : i32
        %get3A_140 = arith.index_cast %get3A_139 : i32 to index
        %get3A_141 = arith.index_cast %add3A_133 : i32 to index
        %get3A_142 = tpu.vector_load %arg6[%get3A_140, %get3A_141] {strides = array<i32>} : memref<8x4096xf32, #tpu.memory_space<vmem>>, vector<1x16xf32>,
        %get3A_143 = vector.shape_cast %get3A_142 : vector<1x16xf32> to vector<16xf32>
        %add3A_144 = arith.addf %get3A_138, %get3A_143 : vector<16xf32>
        %swap3A_145 = arith.constant 3 : i32
        %swap3A_146 = arith.index_cast %swap3A_145 : i32 to index
        %swap3A_147 = arith.index_cast %add3A_133 : i32 to index
        %swap3A_148 = tpu.vector_load %arg5[%swap3A_146, %swap3A_147] {strides = array<i32>} : memref<8x4096xf32, #tpu.memory_space<vmem>>, vector<1x16xf32>,
        %swap3A_149 = vector.shape_cast %swap3A_148 : vector<1x16xf32> to vector<16xf32>
        %swap3A_150 = vector.shape_cast %add3A_144 : vector<16xf32> to vector<1x16xf32>
        tpu.vector_store %arg5[%swap3A_146, %swap3A_147], %swap3A_150 {strides = array<i32>} : memref<8x4096xf32, #tpu.memory_space<vmem>>, vector<1x16xf32>,
        %add3A_151 = arith.constant 64 : i32
        %add3A_152 = arith.addi %mul3A_76, %add3A_151 : i32
        %get3A_153 = arith.constant 3 : i32
        %get3A_154 = arith.index_cast %get3A_153 : i32 to index
        %get3A_155 = arith.index_cast %add3A_152 : i32 to index
        %get3A_156 = tpu.vector_load %arg5[%get3A_154, %get3A_155] {strides = array<i32>} : memref<8x4096xf32, #tpu.memory_space<vmem>>, vector<1x16xf32>,
        %get3A_157 = vector.shape_cast %get3A_156 : vector<1x16xf32> to vector<16xf32>
        %get3A_158 = arith.constant 3 : i32
        %get3A_159 = arith.index_cast %get3A_158 : i32 to index
        %get3A_160 = arith.index_cast %add3A_152 : i32 to index
        %get3A_161 = tpu.vector_load %arg6[%get3A_159, %get3A_160] {strides = array<i32>} : memref<8x4096xf32, #tpu.memory_space<vmem>>, vector<1x16xf32>,
        %get3A_162 = vector.shape_cast %get3A_161 : vector<1x16xf32> to vector<16xf32>
        %add3A_163 = arith.addf %get3A_157, %get3A_162 : vector<16xf32>
        %swap3A_164 = arith.constant 3 : i32
        %swap3A_165 = arith.index_cast %swap3A_164 : i32 to index
        %swap3A_166 = arith.index_cast %add3A_152 : i32 to index
        %swap3A_167 = tpu.vector_load %arg5[%swap3A_165, %swap3A_166] {strides = array<i32>} : memref<8x4096xf32, #tpu.memory_space<vmem>>, vector<1x16xf32>,
        %swap3A_168 = vector.shape_cast %swap3A_167 : vector<1x16xf32> to vector<16xf32>
        %swap3A_169 = vector.shape_cast %add3A_163 : vector<16xf32> to vector<1x16xf32>
        tpu.vector_store %arg5[%swap3A_165, %swap3A_166], %swap3A_169 {strides = array<i32>} : memref<8x4096xf32, #tpu.memory_space<vmem>>, vector<1x16xf32>,
        %add3A_170 = arith.constant 80 : i32
        %add3A_171 = arith.addi %mul3A_76, %add3A_170 : i32
        %get3A_172 = arith.constant 3 : i32
        %get3A_173 = arith.index_cast %get3A_172 : i32 to index
        %get3A_174 = arith.index_cast %add3A_171 : i32 to index
        %get3A_175 = tpu.vector_load %arg5[%get3A_173, %get3A_174] {strides = array<i32>} : memref<8x4096xf32, #tpu.memory_space<vmem>>, vector<1x16xf32>,
        %get3A_176 = vector.shape_cast %get3A_175 : vector<1x16xf32> to vector<16xf32>
        %get3A_177 = arith.constant 3 : i32
        %get3A_178 = arith.index_cast %get3A_177 : i32 to index
        %get3A_179 = arith.index_cast %add3A_171 : i32 to index
        %get3A_180 = tpu.vector_load %arg6[%get3A_178, %get3A_179] {strides = array<i32>} : memref<8x4096xf32, #tpu.memory_space<vmem>>, vector<1x16xf32>,
        %get3A_181 = vector.shape_cast %get3A_180 : vector<1x16xf32> to vector<16xf32>
        %add3A_182 = arith.addf %get3A_176, %get3A_181 : vector<16xf32>
        %swap3A_183 = arith.constant 3 : i32
        %swap3A_184 = arith.index_cast %swap3A_183 : i32 to index
        %swap3A_185 = arith.index_cast %add3A_171 : i32 to index
        %swap3A_186 = tpu.vector_load %arg5[%swap3A_184, %swap3A_185] {strides = array<i32>} : memref<8x4096xf32, #tpu.memory_space<vmem>>, vector<1x16xf32>,
        %swap3A_187 = vector.shape_cast %swap3A_186 : vector<1x16xf32> to vector<16xf32>
        %swap3A_188 = vector.shape_cast %add3A_182 : vector<16xf32> to vector<1x16xf32>
        tpu.vector_store %arg5[%swap3A_184, %swap3A_185], %swap3A_188 {strides = array<i32>} : memref<8x4096xf32, #tpu.memory_space<vmem>>, vector<1x16xf32>,
        %add3A_189 = arith.constant 96 : i32
        %add3A_190 = arith.addi %mul3A_76, %add3A_189 : i32
        %get3A_191 = arith.constant 3 : i32
        %get3A_192 = arith.index_cast %get3A_191 : i32 to index
        %get3A_193 = arith.index_cast %add3A_190 : i32 to index
        %get3A_194 = tpu.vector_load %arg5[%get3A_192, %get3A_193] {strides = array<i32>} : memref<8x4096xf32, #tpu.memory_space<vmem>>, vector<1x16xf32>,
        %get3A_195 = vector.shape_cast %get3A_194 : vector<1x16xf32> to vector<16xf32>
        %get3A_196 = arith.constant 3 : i32
        %get3A_197 = arith.index_cast %get3A_196 : i32 to index
        %get3A_198 = arith.index_cast %add3A_190 : i32 to index
        %get3A_199 = tpu.vector_load %arg6[%get3A_197, %get3A_198] {strides = array<i32>} : memref<8x4096xf32, #tpu.memory_space<vmem>>, vector<1x16xf32>,
        %get3A_200 = vector.shape_cast %get3A_199 : vector<1x16xf32> to vector<16xf32>
        %add3A_201 = arith.addf %get3A_195, %get3A_200 : vector<16xf32>
        %swap3A_202 = arith.constant 3 : i32
        %swap3A_203 = arith.index_cast %swap3A_202 : i32 to index
        %swap3A_204 = arith.index_cast %add3A_190 : i32 to index
        %swap3A_205 = tpu.vector_load %arg5[%swap3A_203, %swap3A_204] {strides = array<i32>} : memref<8x4096xf32, #tpu.memory_space<vmem>>, vector<1x16xf32>,
        %swap3A_206 = vector.shape_cast %swap3A_205 : vector<1x16xf32> to vector<16xf32>
        %swap3A_207 = vector.shape_cast %add3A_201 : vector<16xf32> to vector<1x16xf32>
        tpu.vector_store %arg5[%swap3A_203, %swap3A_204], %swap3A_207 {strides = array<i32>} : memref<8x4096xf32, #tpu.memory_space<vmem>>, vector<1x16xf32>,
        %add3A_208 = arith.constant 112 : i32
        %add3A_209 = arith.addi %mul3A_76, %add3A_208 : i32
        %get3A_210 = arith.constant 3 : i32
        %get3A_211 = arith.index_cast %get3A_210 : i32 to index
        %get3A_212 = arith.index_cast %add3A_209 : i32 to index
        %get3A_213 = tpu.vector_load %arg5[%get3A_211, %get3A_212] {strides = array<i32>} : memref<8x4096xf32, #tpu.memory_space<vmem>>, vector<1x16xf32>,
        %get3A_214 = vector.shape_cast %get3A_213 : vector<1x16xf32> to vector<16xf32>
        %get3A_215 = arith.constant 3 : i32
        %get3A_216 = arith.index_cast %get3A_215 : i32 to index
        %get3A_217 = arith.index_cast %add3A_209 : i32 to index
        %get3A_218 = tpu.vector_load %arg6[%get3A_216, %get3A_217] {strides = array<i32>} : memref<8x4096xf32, #tpu.memory_space<vmem>>, vector<1x16xf32>,
        %get3A_219 = vector.shape_cast %get3A_218 : vector<1x16xf32> to vector<16xf32>
        %add3A_220 = arith.addf %get3A_214, %get3A_219 : vector<16xf32>
        %swap3A_221 = arith.constant 3 : i32
        %swap3A_222 = arith.index_cast %swap3A_221 : i32 to index
        %swap3A_223 = arith.index_cast %add3A_209 : i32 to index
        %swap3A_224 = tpu.vector_load %arg5[%swap3A_222, %swap3A_223] {strides = array<i32>} : memref<8x4096xf32, #tpu.memory_space<vmem>>, vector<1x16xf32>,
        %swap3A_225 = vector.shape_cast %swap3A_224 : vector<1x16xf32> to vector<16xf32>
        %swap3A_226 = vector.shape_cast %add3A_220 : vector<16xf32> to vector<1x16xf32>
        tpu.vector_store %arg5[%swap3A_222, %swap3A_223], %swap3A_226 {strides = array<i32>} : memref<8x4096xf32, #tpu.memory_space<vmem>>, vector<1x16xf32>,
        %add3A_227 = arith.constant 128 : i32
        %add3A_228 = arith.addi %mul3A_76, %add3A_227 : i32
        %get3A_229 = arith.constant 3 : i32
        %get3A_230 = arith.index_cast %get3A_229 : i32 to index
        %get3A_231 = arith.index_cast %add3A_228 : i32 to index
        %get3A_232 = tpu.vector_load %arg5[%get3A_230, %get3A_231] {strides = array<i32>} : memref<8x4096xf32, #tpu.memory_space<vmem>>, vector<1x16xf32>,
        %get3A_233 = vector.shape_cast %get3A_232 : vector<1x16xf32> to vector<16xf32>
        %get3A_234 = arith.constant 3 : i32
        %get3A_235 = arith.index_cast %get3A_234 : i32 to index
        %get3A_236 = arith.index_cast %add3A_228 : i32 to index
        %get3A_237 = tpu.vector_load %arg6[%get3A_235, %get3A_236] {strides = array<i32>} : memref<8x4096xf32, #tpu.memory_space<vmem>>, vector<1x16xf32>,
        %get3A_238 = vector.shape_cast %get3A_237 : vector<1x16xf32> to vector<16xf32>
        %add3A_239 = arith.addf %get3A_233, %get3A_238 : vector<16xf32>
        %swap3A_240 = arith.constant 3 : i32
        %swap3A_241 = arith.index_cast %swap3A_240 : i32 to index
        %swap3A_242 = arith.index_cast %add3A_228 : i32 to index
        %swap3A_243 = tpu.vector_load %arg5[%swap3A_241, %swap3A_242] {strides = array<i32>} : memref<8x4096xf32, #tpu.memory_space<vmem>>, vector<1x16xf32>,
        %swap3A_244 = vector.shape_cast %swap3A_243 : vector<1x16xf32> to vector<16xf32>
        %swap3A_245 = vector.shape_cast %add3A_239 : vector<16xf32> to vector<1x16xf32>
        tpu.vector_store %arg5[%swap3A_241, %swap3A_242], %swap3A_245 {strides = array<i32>} : memref<8x4096xf32, #tpu.memory_space<vmem>>, vector<1x16xf32>,
        %add3A_246 = arith.constant 144 : i32
        %add3A_247 = arith.addi %mul3A_76, %add3A_246 : i32
        %get3A_248 = arith.constant 3 : i32
        %get3A_249 = arith.index_cast %get3A_248 : i32 to index
        %get3A_250 = arith.index_cast %add3A_247 : i32 to index
        %get3A_251 = tpu.vector_load %arg5[%get3A_249, %get3A_250] {strides = array<i32>} : memref<8x4096xf32, #tpu.memory_space<vmem>>, vector<1x16xf32>,
        %get3A_252 = vector.shape_cast %get3A_251 : vector<1x16xf32> to vector<16xf32>
        %get3A_253 = arith.constant 3 : i32
        %get3A_254 = arith.index_cast %get3A_253 : i32 to index
        %get3A_255 = arith.index_cast %add3A_247 : i32 to index
        %get3A_256 = tpu.vector_load %arg6[%get3A_254, %get3A_255] {strides = array<i32>} : memref<8x4096xf32, #tpu.memory_space<vmem>>, vector<1x16xf32>,
        %get3A_257 = vector.shape_cast %get3A_256 : vector<1x16xf32> to vector<16xf32>
        %add3A_258 = arith.addf %get3A_252, %get3A_257 : vector<16xf32>
        %swap3A_259 = arith.constant 3 : i32
        %swap3A_260 = arith.index_cast %swap3A_259 : i32 to index
        %swap3A_261 = arith.index_cast %add3A_247 : i32 to index
        %swap3A_262 = tpu.vector_load %arg5[%swap3A_260, %swap3A_261] {strides = array<i32>} : memref<8x4096xf32, #tpu.memory_space<vmem>>, vector<1x16xf32>,
        %swap3A_263 = vector.shape_cast %swap3A_262 : vector<1x16xf32> to vector<16xf32>
        %swap3A_264 = vector.shape_cast %add3A_258 : vector<16xf32> to vector<1x16xf32>
        tpu.vector_store %arg5[%swap3A_260, %swap3A_261], %swap3A_264 {strides = array<i32>} : memref<8x4096xf32, #tpu.memory_space<vmem>>, vector<1x16xf32>,
        %add3A_265 = arith.constant 160 : i32
        %add3A_266 = arith.addi %mul3A_76, %add3A_265 : i32
        %get3A_267 = arith.constant 3 : i32
        %get3A_268 = arith.index_cast %get3A_267 : i32 to index
        %get3A_269 = arith.index_cast %add3A_266 : i32 to index
        %get3A_270 = tpu.vector_load %arg5[%get3A_268, %get3A_269] {strides = array<i32>} : memref<8x4096xf32, #tpu.memory_space<vmem>>, vector<1x16xf32>,
        %get3A_271 = vector.shape_cast %get3A_270 : vector<1x16xf32> to vector<16xf32>
        %get3A_272 = arith.constant 3 : i32
        %get3A_273 = arith.index_cast %get3A_272 : i32 to index
        %get3A_274 = arith.index_cast %add3A_266 : i32 to index
        %get3A_275 = tpu.vector_load %arg6[%get3A_273, %get3A_274] {strides = array<i32>} : memref<8x4096xf32, #tpu.memory_space<vmem>>, vector<1x16xf32>,
        %get3A_276 = vector.shape_cast %get3A_275 : vector<1x16xf32> to vector<16xf32>
        %add3A_277 = arith.addf %get3A_271, %get3A_276 : vector<16xf32>
        %swap3A_278 = arith.constant 3 : i32
        %swap3A_279 = arith.index_cast %swap3A_278 : i32 to index
        %swap3A_280 = arith.index_cast %add3A_266 : i32 to index
        %swap3A_281 = tpu.vector_load %arg5[%swap3A_279, %swap3A_280] {strides = array<i32>} : memref<8x4096xf32, #tpu.memory_space<vmem>>, vector<1x16xf32>,
        %swap3A_282 = vector.shape_cast %swap3A_281 : vector<1x16xf32> to vector<16xf32>
        %swap3A_283 = vector.shape_cast %add3A_277 : vector<16xf32> to vector<1x16xf32>
        tpu.vector_store %arg5[%swap3A_279, %swap3A_280], %swap3A_283 {strides = array<i32>} : memref<8x4096xf32, #tpu.memory_space<vmem>>, vector<1x16xf32>,
        %add3A_284 = arith.constant 176 : i32
        %add3A_285 = arith.addi %mul3A_76, %add3A_284 : i32
        %get3A_286 = arith.constant 3 : i32
        %get3A_287 = arith.index_cast %get3A_286 : i32 to index
        %get3A_288 = arith.index_cast %add3A_285 : i32 to index
        %get3A_289 = tpu.vector_load %arg5[%get3A_287, %get3A_288] {strides = array<i32>} : memref<8x4096xf32, #tpu.memory_space<vmem>>, vector<1x16xf32>,
        %get3A_290 = vector.shape_cast %get3A_289 : vector<1x16xf32> to vector<16xf32>
        %get3A_291 = arith.constant 3 : i32
        %get3A_292 = arith.index_cast %get3A_291 : i32 to index
        %get3A_293 = arith.index_cast %add3A_285 : i32 to index
        %get3A_294 = tpu.vector_load %arg6[%get3A_292, %get3A_293] {strides = array<i32>} : memref<8x4096xf32, #tpu.memory_space<vmem>>, vector<1x16xf32>,
        %get3A_295 = vector.shape_cast %get3A_294 : vector<1x16xf32> to vector<16xf32>
        %add3A_296 = arith.addf %get3A_290, %get3A_295 : vector<16xf32>
        %swap3A_297 = arith.constant 3 : i32
        %swap3A_298 = arith.index_cast %swap3A_297 : i32 to index
        %swap3A_299 = arith.index_cast %add3A_285 : i32 to index
        %swap3A_300 = tpu.vector_load %arg5[%swap3A_298, %swap3A_299] {strides = array<i32>} : memref<8x4096xf32, #tpu.memory_space<vmem>>, vector<1x16xf32>,
        %swap3A_301 = vector.shape_cast %swap3A_300 : vector<1x16xf32> to vector<16xf32>
        %swap3A_302 = vector.shape_cast %add3A_296 : vector<16xf32> to vector<1x16xf32>
        tpu.vector_store %arg5[%swap3A_298, %swap3A_299], %swap3A_302 {strides = array<i32>} : memref<8x4096xf32, #tpu.memory_space<vmem>>, vector<1x16xf32>,
        %add3A_303 = arith.constant 192 : i32
        %add3A_304 = arith.addi %mul3A_76, %add3A_303 : i32
        %get3A_305 = arith.constant 3 : i32
        %get3A_306 = arith.index_cast %get3A_305 : i32 to index
        %get3A_307 = arith.index_cast %add3A_304 : i32 to index
        %get3A_308 = tpu.vector_load %arg5[%get3A_306, %get3A_307] {strides = array<i32>} : memref<8x4096xf32, #tpu.memory_space<vmem>>, vector<1x16xf32>,
        %get3A_309 = vector.shape_cast %get3A_308 : vector<1x16xf32> to vector<16xf32>
        %get3A_310 = arith.constant 3 : i32
        %get3A_311 = arith.index_cast %get3A_310 : i32 to index
        %get3A_312 = arith.index_cast %add3A_304 : i32 to index
        %get3A_313 = tpu.vector_load %arg6[%get3A_311, %get3A_312] {strides = array<i32>} : memref<8x4096xf32, #tpu.memory_space<vmem>>, vector<1x16xf32>,
        %get3A_314 = vector.shape_cast %get3A_313 : vector<1x16xf32> to vector<16xf32>
        %add3A_315 = arith.addf %get3A_309, %get3A_314 : vector<16xf32>
        %swap3A_316 = arith.constant 3 : i32
        %swap3A_317 = arith.index_cast %swap3A_316 : i32 to index
        %swap3A_318 = arith.index_cast %add3A_304 : i32 to index
        %swap3A_319 = tpu.vector_load %arg5[%swap3A_317, %swap3A_318] {strides = array<i32>} : memref<8x4096xf32, #tpu.memory_space<vmem>>, vector<1x16xf32>,
        %swap3A_320 = vector.shape_cast %swap3A_319 : vector<1x16xf32> to vector<16xf32>
        %swap3A_321 = vector.shape_cast %add3A_315 : vector<16xf32> to vector<1x16xf32>
        tpu.vector_store %arg5[%swap3A_317, %swap3A_318], %swap3A_321 {strides = array<i32>} : memref<8x4096xf32, #tpu.memory_space<vmem>>, vector<1x16xf32>,
        %add3A_322 = arith.constant 208 : i32
        %add3A_323 = arith.addi %mul3A_76, %add3A_322 : i32
        %get3A_324 = arith.constant 3 : i32
        %get3A_325 = arith.index_cast %get3A_324 : i32 to index
        %get3A_326 = arith.index_cast %add3A_323 : i32 to index
        %get3A_327 = tpu.vector_load %arg5[%get3A_325, %get3A_326] {strides = array<i32>} : memref<8x4096xf32, #tpu.memory_space<vmem>>, vector<1x16xf32>,
        %get3A_328 = vector.shape_cast %get3A_327 : vector<1x16xf32> to vector<16xf32>
        %get3A_329 = arith.constant 3 : i32
        %get3A_330 = arith.index_cast %get3A_329 : i32 to index
        %get3A_331 = arith.index_cast %add3A_323 : i32 to index
        %get3A_332 = tpu.vector_load %arg6[%get3A_330, %get3A_331] {strides = array<i32>} : memref<8x4096xf32, #tpu.memory_space<vmem>>, vector<1x16xf32>,
        %get3A_333 = vector.shape_cast %get3A_332 : vector<1x16xf32> to vector<16xf32>
        %add3A_334 = arith.addf %get3A_328, %get3A_333 : vector<16xf32>
        %swap3A_335 = arith.constant 3 : i32
        %swap3A_336 = arith.index_cast %swap3A_335 : i32 to index
        %swap3A_337 = arith.index_cast %add3A_323 : i32 to index
        %swap3A_338 = tpu.vector_load %arg5[%swap3A_336, %swap3A_337] {strides = array<i32>} : memref<8x4096xf32, #tpu.memory_space<vmem>>, vector<1x16xf32>,
        %swap3A_339 = vector.shape_cast %swap3A_338 : vector<1x16xf32> to vector<16xf32>
        %swap3A_340 = vector.shape_cast %add3A_334 : vector<16xf32> to vector<1x16xf32>
        tpu.vector_store %arg5[%swap3A_336, %swap3A_337], %swap3A_340 {strides = array<i32>} : memref<8x4096xf32, #tpu.memory_space<vmem>>, vector<1x16xf32>,
        %add3A_341 = arith.constant 224 : i32
        %add3A_342 = arith.addi %mul3A_76, %add3A_341 : i32
        %get3A_343 = arith.constant 3 : i32
        %get3A_344 = arith.index_cast %get3A_343 : i32 to index
        %get3A_345 = arith.index_cast %add3A_342 : i32 to index
        %get3A_346 = tpu.vector_load %arg5[%get3A_344, %get3A_345] {strides = array<i32>} : memref<8x4096xf32, #tpu.memory_space<vmem>>, vector<1x16xf32>,
        %get3A_347 = vector.shape_cast %get3A_346 : vector<1x16xf32> to vector<16xf32>
        %get3A_348 = arith.constant 3 : i32
        %get3A_349 = arith.index_cast %get3A_348 : i32 to index
        %get3A_350 = arith.index_cast %add3A_342 : i32 to index
        %get3A_351 = tpu.vector_load %arg6[%get3A_349, %get3A_350] {strides = array<i32>} : memref<8x4096xf32, #tpu.memory_space<vmem>>, vector<1x16xf32>,
        %get3A_352 = vector.shape_cast %get3A_351 : vector<1x16xf32> to vector<16xf32>
        %add3A_353 = arith.addf %get3A_347, %get3A_352 : vector<16xf32>
        %swap3A_354 = arith.constant 3 : i32
        %swap3A_355 = arith.index_cast %swap3A_354 : i32 to index
        %swap3A_356 = arith.index_cast %add3A_342 : i32 to index
        %swap3A_357 = tpu.vector_load %arg5[%swap3A_355, %swap3A_356] {strides = array<i32>} : memref<8x4096xf32, #tpu.memory_space<vmem>>, vector<1x16xf32>,
        %swap3A_358 = vector.shape_cast %swap3A_357 : vector<1x16xf32> to vector<16xf32>
        %swap3A_359 = vector.shape_cast %add3A_353 : vector<16xf32> to vector<1x16xf32>
        tpu.vector_store %arg5[%swap3A_355, %swap3A_356], %swap3A_359 {strides = array<i32>} : memref<8x4096xf32, #tpu.memory_space<vmem>>, vector<1x16xf32>,
        %add3A_360 = arith.constant 240 : i32
        %add3A_361 = arith.addi %mul3A_76, %add3A_360 : i32
        %get3A_362 = arith.constant 3 : i32
        %get3A_363 = arith.index_cast %get3A_362 : i32 to index
        %get3A_364 = arith.index_cast %add3A_361 : i32 to index
        %get3A_365 = tpu.vector_load %arg5[%get3A_363, %get3A_364] {strides = array<i32>} : memref<8x4096xf32, #tpu.memory_space<vmem>>, vector<1x16xf32>,
        %get3A_366 = vector.shape_cast %get3A_365 : vector<1x16xf32> to vector<16xf32>
        %get3A_367 = arith.constant 3 : i32
        %get3A_368 = arith.index_cast %get3A_367 : i32 to index
        %get3A_369 = arith.index_cast %add3A_361 : i32 to index
        %get3A_370 = tpu.vector_load %arg6[%get3A_368, %get3A_369] {strides = array<i32>} : memref<8x4096xf32, #tpu.memory_space<vmem>>, vector<1x16xf32>,
        %get3A_371 = vector.shape_cast %get3A_370 : vector<1x16xf32> to vector<16xf32>
        %add3A_372 = arith.addf %get3A_366, %get3A_371 : vector<16xf32>
        %swap3A_373 = arith.constant 3 : i32
        %swap3A_374 = arith.index_cast %swap3A_373 : i32 to index
        %swap3A_375 = arith.index_cast %add3A_361 : i32 to index
        %swap3A_376 = tpu.vector_load %arg5[%swap3A_374, %swap3A_375] {strides = array<i32>} : memref<8x4096xf32, #tpu.memory_space<vmem>>, vector<1x16xf32>,
        %swap3A_377 = vector.shape_cast %swap3A_376 : vector<1x16xf32> to vector<16xf32>
        %swap3A_378 = vector.shape_cast %add3A_372 : vector<16xf32> to vector<1x16xf32>
        tpu.vector_store %arg5[%swap3A_374, %swap3A_375], %swap3A_378 {strides = array<i32>} : memref<8x4096xf32, #tpu.memory_space<vmem>>, vector<1x16xf32>,
      }
      %scan3A_49 = arith.constant 16 : i32
      %scan3A_50 = arith.constant 0 : i32
      %scan3A_51 = arith.constant 0 : i32
      %scan3A_52 = arith.constant 16 : i32
      %scan3A_53 = arith.addi %scan3A_51, %scan3A_52 : i32
      %scan3A_54 = arith.constant 1 : i32
      scf.for %scan3A_74 = %scan3A_51 to %scan3A_53 step %scan3A_54  : i32 {
        %mul3A_75 = arith.constant 256 : i32
        %mul3A_76 = arith.muli %scan3A_74, %mul3A_75 : i32
        %add3A_77 = arith.constant 0 : i32
        %add3A_78 = arith.addi %mul3A_76, %add3A_77 : i32
        %get3A = arith.constant 4 : i32
        %get3A_79 = arith.index_cast %get3A : i32 to index
        %get3A_80 = arith.index_cast %add3A_78 : i32 to index
        %get3A_81 = tpu.vector_load %arg5[%get3A_79, %get3A_80] {strides = array<i32>} : memref<8x4096xf32, #tpu.memory_space<vmem>>, vector<1x16xf32>,
        %get3A_82 = vector.shape_cast %get3A_81 : vector<1x16xf32> to vector<16xf32>
        %get3A_83 = arith.constant 4 : i32
        %get3A_84 = arith.index_cast %get3A_83 : i32 to index
        %get3A_85 = arith.index_cast %add3A_78 : i32 to index
        %get3A_86 = tpu.vector_load %arg6[%get3A_84, %get3A_85] {strides = array<i32>} : memref<8x4096xf32, #tpu.memory_space<vmem>>, vector<1x16xf32>,
        %get3A_87 = vector.shape_cast %get3A_86 : vector<1x16xf32> to vector<16xf32>
        %add3A_88 = arith.addf %get3A_82, %get3A_87 : vector<16xf32>
        %swap3A = arith.constant 4 : i32
        %swap3A_89 = arith.index_cast %swap3A : i32 to index
        %swap3A_90 = arith.index_cast %add3A_78 : i32 to index
        %swap3A_91 = tpu.vector_load %arg5[%swap3A_89, %swap3A_90] {strides = array<i32>} : memref<8x4096xf32, #tpu.memory_space<vmem>>, vector<1x16xf32>,
        %swap3A_92 = vector.shape_cast %swap3A_91 : vector<1x16xf32> to vector<16xf32>
        %swap3A_93 = vector.shape_cast %add3A_88 : vector<16xf32> to vector<1x16xf32>
        tpu.vector_store %arg5[%swap3A_89, %swap3A_90], %swap3A_93 {strides = array<i32>} : memref<8x4096xf32, #tpu.memory_space<vmem>>, vector<1x16xf32>,
        %add3A_94 = arith.constant 16 : i32
        %add3A_95 = arith.addi %mul3A_76, %add3A_94 : i32
        %get3A_96 = arith.constant 4 : i32
        %get3A_97 = arith.index_cast %get3A_96 : i32 to index
        %get3A_98 = arith.index_cast %add3A_95 : i32 to index
        %get3A_99 = tpu.vector_load %arg5[%get3A_97, %get3A_98] {strides = array<i32>} : memref<8x4096xf32, #tpu.memory_space<vmem>>, vector<1x16xf32>,
        %get3A_100 = vector.shape_cast %get3A_99 : vector<1x16xf32> to vector<16xf32>
        %get3A_101 = arith.constant 4 : i32
        %get3A_102 = arith.index_cast %get3A_101 : i32 to index
        %get3A_103 = arith.index_cast %add3A_95 : i32 to index
        %get3A_104 = tpu.vector_load %arg6[%get3A_102, %get3A_103] {strides = array<i32>} : memref<8x4096xf32, #tpu.memory_space<vmem>>, vector<1x16xf32>,
        %get3A_105 = vector.shape_cast %get3A_104 : vector<1x16xf32> to vector<16xf32>
        %add3A_106 = arith.addf %get3A_100, %get3A_105 : vector<16xf32>
        %swap3A_107 = arith.constant 4 : i32
        %swap3A_108 = arith.index_cast %swap3A_107 : i32 to index
        %swap3A_109 = arith.index_cast %add3A_95 : i32 to index
        %swap3A_110 = tpu.vector_load %arg5[%swap3A_108, %swap3A_109] {strides = array<i32>} : memref<8x4096xf32, #tpu.memory_space<vmem>>, vector<1x16xf32>,
        %swap3A_111 = vector.shape_cast %swap3A_110 : vector<1x16xf32> to vector<16xf32>
        %swap3A_112 = vector.shape_cast %add3A_106 : vector<16xf32> to vector<1x16xf32>
        tpu.vector_store %arg5[%swap3A_108, %swap3A_109], %swap3A_112 {strides = array<i32>} : memref<8x4096xf32, #tpu.memory_space<vmem>>, vector<1x16xf32>,
        %add3A_113 = arith.constant 32 : i32
        %add3A_114 = arith.addi %mul3A_76, %add3A_113 : i32
        %get3A_115 = arith.constant 4 : i32
        %get3A_116 = arith.index_cast %get3A_115 : i32 to index
        %get3A_117 = arith.index_cast %add3A_114 : i32 to index
        %get3A_118 = tpu.vector_load %arg5[%get3A_116, %get3A_117] {strides = array<i32>} : memref<8x4096xf32, #tpu.memory_space<vmem>>, vector<1x16xf32>,
        %get3A_119 = vector.shape_cast %get3A_118 : vector<1x16xf32> to vector<16xf32>
        %get3A_120 = arith.constant 4 : i32
        %get3A_121 = arith.index_cast %get3A_120 : i32 to index
        %get3A_122 = arith.index_cast %add3A_114 : i32 to index
        %get3A_123 = tpu.vector_load %arg6[%get3A_121, %get3A_122] {strides = array<i32>} : memref<8x4096xf32, #tpu.memory_space<vmem>>, vector<1x16xf32>,
        %get3A_124 = vector.shape_cast %get3A_123 : vector<1x16xf32> to vector<16xf32>
        %add3A_125 = arith.addf %get3A_119, %get3A_124 : vector<16xf32>
        %swap3A_126 = arith.constant 4 : i32
        %swap3A_127 = arith.index_cast %swap3A_126 : i32 to index
        %swap3A_128 = arith.index_cast %add3A_114 : i32 to index
        %swap3A_129 = tpu.vector_load %arg5[%swap3A_127, %swap3A_128] {strides = array<i32>} : memref<8x4096xf32, #tpu.memory_space<vmem>>, vector<1x16xf32>,
        %swap3A_130 = vector.shape_cast %swap3A_129 : vector<1x16xf32> to vector<16xf32>
        %swap3A_131 = vector.shape_cast %add3A_125 : vector<16xf32> to vector<1x16xf32>
        tpu.vector_store %arg5[%swap3A_127, %swap3A_128], %swap3A_131 {strides = array<i32>} : memref<8x4096xf32, #tpu.memory_space<vmem>>, vector<1x16xf32>,
        %add3A_132 = arith.constant 48 : i32
        %add3A_133 = arith.addi %mul3A_76, %add3A_132 : i32
        %get3A_134 = arith.constant 4 : i32
        %get3A_135 = arith.index_cast %get3A_134 : i32 to index
        %get3A_136 = arith.index_cast %add3A_133 : i32 to index
        %get3A_137 = tpu.vector_load %arg5[%get3A_135, %get3A_136] {strides = array<i32>} : memref<8x4096xf32, #tpu.memory_space<vmem>>, vector<1x16xf32>,
        %get3A_138 = vector.shape_cast %get3A_137 : vector<1x16xf32> to vector<16xf32>
        %get3A_139 = arith.constant 4 : i32
        %get3A_140 = arith.index_cast %get3A_139 : i32 to index
        %get3A_141 = arith.index_cast %add3A_133 : i32 to index
        %get3A_142 = tpu.vector_load %arg6[%get3A_140, %get3A_141] {strides = array<i32>} : memref<8x4096xf32, #tpu.memory_space<vmem>>, vector<1x16xf32>,
        %get3A_143 = vector.shape_cast %get3A_142 : vector<1x16xf32> to vector<16xf32>
        %add3A_144 = arith.addf %get3A_138, %get3A_143 : vector<16xf32>
        %swap3A_145 = arith.constant 4 : i32
        %swap3A_146 = arith.index_cast %swap3A_145 : i32 to index
        %swap3A_147 = arith.index_cast %add3A_133 : i32 to index
        %swap3A_148 = tpu.vector_load %arg5[%swap3A_146, %swap3A_147] {strides = array<i32>} : memref<8x4096xf32, #tpu.memory_space<vmem>>, vector<1x16xf32>,
        %swap3A_149 = vector.shape_cast %swap3A_148 : vector<1x16xf32> to vector<16xf32>
        %swap3A_150 = vector.shape_cast %add3A_144 : vector<16xf32> to vector<1x16xf32>
        tpu.vector_store %arg5[%swap3A_146, %swap3A_147], %swap3A_150 {strides = array<i32>} : memref<8x4096xf32, #tpu.memory_space<vmem>>, vector<1x16xf32>,
        %add3A_151 = arith.constant 64 : i32
        %add3A_152 = arith.addi %mul3A_76, %add3A_151 : i32
        %get3A_153 = arith.constant 4 : i32
        %get3A_154 = arith.index_cast %get3A_153 : i32 to index
        %get3A_155 = arith.index_cast %add3A_152 : i32 to index
        %get3A_156 = tpu.vector_load %arg5[%get3A_154, %get3A_155] {strides = array<i32>} : memref<8x4096xf32, #tpu.memory_space<vmem>>, vector<1x16xf32>,
        %get3A_157 = vector.shape_cast %get3A_156 : vector<1x16xf32> to vector<16xf32>
        %get3A_158 = arith.constant 4 : i32
        %get3A_159 = arith.index_cast %get3A_158 : i32 to index
        %get3A_160 = arith.index_cast %add3A_152 : i32 to index
        %get3A_161 = tpu.vector_load %arg6[%get3A_159, %get3A_160] {strides = array<i32>} : memref<8x4096xf32, #tpu.memory_space<vmem>>, vector<1x16xf32>,
        %get3A_162 = vector.shape_cast %get3A_161 : vector<1x16xf32> to vector<16xf32>
        %add3A_163 = arith.addf %get3A_157, %get3A_162 : vector<16xf32>
        %swap3A_164 = arith.constant 4 : i32
        %swap3A_165 = arith.index_cast %swap3A_164 : i32 to index
        %swap3A_166 = arith.index_cast %add3A_152 : i32 to index
        %swap3A_167 = tpu.vector_load %arg5[%swap3A_165, %swap3A_166] {strides = array<i32>} : memref<8x4096xf32, #tpu.memory_space<vmem>>, vector<1x16xf32>,
        %swap3A_168 = vector.shape_cast %swap3A_167 : vector<1x16xf32> to vector<16xf32>
        %swap3A_169 = vector.shape_cast %add3A_163 : vector<16xf32> to vector<1x16xf32>
        tpu.vector_store %arg5[%swap3A_165, %swap3A_166], %swap3A_169 {strides = array<i32>} : memref<8x4096xf32, #tpu.memory_space<vmem>>, vector<1x16xf32>,
        %add3A_170 = arith.constant 80 : i32
        %add3A_171 = arith.addi %mul3A_76, %add3A_170 : i32
        %get3A_172 = arith.constant 4 : i32
        %get3A_173 = arith.index_cast %get3A_172 : i32 to index
        %get3A_174 = arith.index_cast %add3A_171 : i32 to index
        %get3A_175 = tpu.vector_load %arg5[%get3A_173, %get3A_174] {strides = array<i32>} : memref<8x4096xf32, #tpu.memory_space<vmem>>, vector<1x16xf32>,
        %get3A_176 = vector.shape_cast %get3A_175 : vector<1x16xf32> to vector<16xf32>
        %get3A_177 = arith.constant 4 : i32
        %get3A_178 = arith.index_cast %get3A_177 : i32 to index
        %get3A_179 = arith.index_cast %add3A_171 : i32 to index
        %get3A_180 = tpu.vector_load %arg6[%get3A_178, %get3A_179] {strides = array<i32>} : memref<8x4096xf32, #tpu.memory_space<vmem>>, vector<1x16xf32>,
        %get3A_181 = vector.shape_cast %get3A_180 : vector<1x16xf32> to vector<16xf32>
        %add3A_182 = arith.addf %get3A_176, %get3A_181 : vector<16xf32>
        %swap3A_183 = arith.constant 4 : i32
        %swap3A_184 = arith.index_cast %swap3A_183 : i32 to index
        %swap3A_185 = arith.index_cast %add3A_171 : i32 to index
        %swap3A_186 = tpu.vector_load %arg5[%swap3A_184, %swap3A_185] {strides = array<i32>} : memref<8x4096xf32, #tpu.memory_space<vmem>>, vector<1x16xf32>,
        %swap3A_187 = vector.shape_cast %swap3A_186 : vector<1x16xf32> to vector<16xf32>
        %swap3A_188 = vector.shape_cast %add3A_182 : vector<16xf32> to vector<1x16xf32>
        tpu.vector_store %arg5[%swap3A_184, %swap3A_185], %swap3A_188 {strides = array<i32>} : memref<8x4096xf32, #tpu.memory_space<vmem>>, vector<1x16xf32>,
        %add3A_189 = arith.constant 96 : i32
        %add3A_190 = arith.addi %mul3A_76, %add3A_189 : i32
        %get3A_191 = arith.constant 4 : i32
        %get3A_192 = arith.index_cast %get3A_191 : i32 to index
        %get3A_193 = arith.index_cast %add3A_190 : i32 to index
        %get3A_194 = tpu.vector_load %arg5[%get3A_192, %get3A_193] {strides = array<i32>} : memref<8x4096xf32, #tpu.memory_space<vmem>>, vector<1x16xf32>,
        %get3A_195 = vector.shape_cast %get3A_194 : vector<1x16xf32> to vector<16xf32>
        %get3A_196 = arith.constant 4 : i32
        %get3A_197 = arith.index_cast %get3A_196 : i32 to index
        %get3A_198 = arith.index_cast %add3A_190 : i32 to index
        %get3A_199 = tpu.vector_load %arg6[%get3A_197, %get3A_198] {strides = array<i32>} : memref<8x4096xf32, #tpu.memory_space<vmem>>, vector<1x16xf32>,
        %get3A_200 = vector.shape_cast %get3A_199 : vector<1x16xf32> to vector<16xf32>
        %add3A_201 = arith.addf %get3A_195, %get3A_200 : vector<16xf32>
        %swap3A_202 = arith.constant 4 : i32
        %swap3A_203 = arith.index_cast %swap3A_202 : i32 to index
        %swap3A_204 = arith.index_cast %add3A_190 : i32 to index
        %swap3A_205 = tpu.vector_load %arg5[%swap3A_203, %swap3A_204] {strides = array<i32>} : memref<8x4096xf32, #tpu.memory_space<vmem>>, vector<1x16xf32>,
        %swap3A_206 = vector.shape_cast %swap3A_205 : vector<1x16xf32> to vector<16xf32>
        %swap3A_207 = vector.shape_cast %add3A_201 : vector<16xf32> to vector<1x16xf32>
        tpu.vector_store %arg5[%swap3A_203, %swap3A_204], %swap3A_207 {strides = array<i32>} : memref<8x4096xf32, #tpu.memory_space<vmem>>, vector<1x16xf32>,
        %add3A_208 = arith.constant 112 : i32
        %add3A_209 = arith.addi %mul3A_76, %add3A_208 : i32
        %get3A_210 = arith.constant 4 : i32
        %get3A_211 = arith.index_cast %get3A_210 : i32 to index
        %get3A_212 = arith.index_cast %add3A_209 : i32 to index
        %get3A_213 = tpu.vector_load %arg5[%get3A_211, %get3A_212] {strides = array<i32>} : memref<8x4096xf32, #tpu.memory_space<vmem>>, vector<1x16xf32>,
        %get3A_214 = vector.shape_cast %get3A_213 : vector<1x16xf32> to vector<16xf32>
        %get3A_215 = arith.constant 4 : i32
        %get3A_216 = arith.index_cast %get3A_215 : i32 to index
        %get3A_217 = arith.index_cast %add3A_209 : i32 to index
        %get3A_218 = tpu.vector_load %arg6[%get3A_216, %get3A_217] {strides = array<i32>} : memref<8x4096xf32, #tpu.memory_space<vmem>>, vector<1x16xf32>,
        %get3A_219 = vector.shape_cast %get3A_218 : vector<1x16xf32> to vector<16xf32>
        %add3A_220 = arith.addf %get3A_214, %get3A_219 : vector<16xf32>
        %swap3A_221 = arith.constant 4 : i32
        %swap3A_222 = arith.index_cast %swap3A_221 : i32 to index
        %swap3A_223 = arith.index_cast %add3A_209 : i32 to index
        %swap3A_224 = tpu.vector_load %arg5[%swap3A_222, %swap3A_223] {strides = array<i32>} : memref<8x4096xf32, #tpu.memory_space<vmem>>, vector<1x16xf32>,
        %swap3A_225 = vector.shape_cast %swap3A_224 : vector<1x16xf32> to vector<16xf32>
        %swap3A_226 = vector.shape_cast %add3A_220 : vector<16xf32> to vector<1x16xf32>
        tpu.vector_store %arg5[%swap3A_222, %swap3A_223], %swap3A_226 {strides = array<i32>} : memref<8x4096xf32, #tpu.memory_space<vmem>>, vector<1x16xf32>,
        %add3A_227 = arith.constant 128 : i32
        %add3A_228 = arith.addi %mul3A_76, %add3A_227 : i32
        %get3A_229 = arith.constant 4 : i32
        %get3A_230 = arith.index_cast %get3A_229 : i32 to index
        %get3A_231 = arith.index_cast %add3A_228 : i32 to index
        %get3A_232 = tpu.vector_load %arg5[%get3A_230, %get3A_231] {strides = array<i32>} : memref<8x4096xf32, #tpu.memory_space<vmem>>, vector<1x16xf32>,
        %get3A_233 = vector.shape_cast %get3A_232 : vector<1x16xf32> to vector<16xf32>
        %get3A_234 = arith.constant 4 : i32
        %get3A_235 = arith.index_cast %get3A_234 : i32 to index
        %get3A_236 = arith.index_cast %add3A_228 : i32 to index
        %get3A_237 = tpu.vector_load %arg6[%get3A_235, %get3A_236] {strides = array<i32>} : memref<8x4096xf32, #tpu.memory_space<vmem>>, vector<1x16xf32>,
        %get3A_238 = vector.shape_cast %get3A_237 : vector<1x16xf32> to vector<16xf32>
        %add3A_239 = arith.addf %get3A_233, %get3A_238 : vector<16xf32>
        %swap3A_240 = arith.constant 4 : i32
        %swap3A_241 = arith.index_cast %swap3A_240 : i32 to index
        %swap3A_242 = arith.index_cast %add3A_228 : i32 to index
        %swap3A_243 = tpu.vector_load %arg5[%swap3A_241, %swap3A_242] {strides = array<i32>} : memref<8x4096xf32, #tpu.memory_space<vmem>>, vector<1x16xf32>,
        %swap3A_244 = vector.shape_cast %swap3A_243 : vector<1x16xf32> to vector<16xf32>
        %swap3A_245 = vector.shape_cast %add3A_239 : vector<16xf32> to vector<1x16xf32>
        tpu.vector_store %arg5[%swap3A_241, %swap3A_242], %swap3A_245 {strides = array<i32>} : memref<8x4096xf32, #tpu.memory_space<vmem>>, vector<1x16xf32>,
        %add3A_246 = arith.constant 144 : i32
        %add3A_247 = arith.addi %mul3A_76, %add3A_246 : i32
        %get3A_248 = arith.constant 4 : i32
        %get3A_249 = arith.index_cast %get3A_248 : i32 to index
        %get3A_250 = arith.index_cast %add3A_247 : i32 to index
        %get3A_251 = tpu.vector_load %arg5[%get3A_249, %get3A_250] {strides = array<i32>} : memref<8x4096xf32, #tpu.memory_space<vmem>>, vector<1x16xf32>,
        %get3A_252 = vector.shape_cast %get3A_251 : vector<1x16xf32> to vector<16xf32>
        %get3A_253 = arith.constant 4 : i32
        %get3A_254 = arith.index_cast %get3A_253 : i32 to index
        %get3A_255 = arith.index_cast %add3A_247 : i32 to index
        %get3A_256 = tpu.vector_load %arg6[%get3A_254, %get3A_255] {strides = array<i32>} : memref<8x4096xf32, #tpu.memory_space<vmem>>, vector<1x16xf32>,
        %get3A_257 = vector.shape_cast %get3A_256 : vector<1x16xf32> to vector<16xf32>
        %add3A_258 = arith.addf %get3A_252, %get3A_257 : vector<16xf32>
        %swap3A_259 = arith.constant 4 : i32
        %swap3A_260 = arith.index_cast %swap3A_259 : i32 to index
        %swap3A_261 = arith.index_cast %add3A_247 : i32 to index
        %swap3A_262 = tpu.vector_load %arg5[%swap3A_260, %swap3A_261] {strides = array<i32>} : memref<8x4096xf32, #tpu.memory_space<vmem>>, vector<1x16xf32>,
        %swap3A_263 = vector.shape_cast %swap3A_262 : vector<1x16xf32> to vector<16xf32>
        %swap3A_264 = vector.shape_cast %add3A_258 : vector<16xf32> to vector<1x16xf32>
        tpu.vector_store %arg5[%swap3A_260, %swap3A_261], %swap3A_264 {strides = array<i32>} : memref<8x4096xf32, #tpu.memory_space<vmem>>, vector<1x16xf32>,
        %add3A_265 = arith.constant 160 : i32
        %add3A_266 = arith.addi %mul3A_76, %add3A_265 : i32
        %get3A_267 = arith.constant 4 : i32
        %get3A_268 = arith.index_cast %get3A_267 : i32 to index
        %get3A_269 = arith.index_cast %add3A_266 : i32 to index
        %get3A_270 = tpu.vector_load %arg5[%get3A_268, %get3A_269] {strides = array<i32>} : memref<8x4096xf32, #tpu.memory_space<vmem>>, vector<1x16xf32>,
        %get3A_271 = vector.shape_cast %get3A_270 : vector<1x16xf32> to vector<16xf32>
        %get3A_272 = arith.constant 4 : i32
        %get3A_273 = arith.index_cast %get3A_272 : i32 to index
        %get3A_274 = arith.index_cast %add3A_266 : i32 to index
        %get3A_275 = tpu.vector_load %arg6[%get3A_273, %get3A_274] {strides = array<i32>} : memref<8x4096xf32, #tpu.memory_space<vmem>>, vector<1x16xf32>,
        %get3A_276 = vector.shape_cast %get3A_275 : vector<1x16xf32> to vector<16xf32>
        %add3A_277 = arith.addf %get3A_271, %get3A_276 : vector<16xf32>
        %swap3A_278 = arith.constant 4 : i32
        %swap3A_279 = arith.index_cast %swap3A_278 : i32 to index
        %swap3A_280 = arith.index_cast %add3A_266 : i32 to index
        %swap3A_281 = tpu.vector_load %arg5[%swap3A_279, %swap3A_280] {strides = array<i32>} : memref<8x4096xf32, #tpu.memory_space<vmem>>, vector<1x16xf32>,
        %swap3A_282 = vector.shape_cast %swap3A_281 : vector<1x16xf32> to vector<16xf32>
        %swap3A_283 = vector.shape_cast %add3A_277 : vector<16xf32> to vector<1x16xf32>
        tpu.vector_store %arg5[%swap3A_279, %swap3A_280], %swap3A_283 {strides = array<i32>} : memref<8x4096xf32, #tpu.memory_space<vmem>>, vector<1x16xf32>,
        %add3A_284 = arith.constant 176 : i32
        %add3A_285 = arith.addi %mul3A_76, %add3A_284 : i32
        %get3A_286 = arith.constant 4 : i32
        %get3A_287 = arith.index_cast %get3A_286 : i32 to index
        %get3A_288 = arith.index_cast %add3A_285 : i32 to index
        %get3A_289 = tpu.vector_load %arg5[%get3A_287, %get3A_288] {strides = array<i32>} : memref<8x4096xf32, #tpu.memory_space<vmem>>, vector<1x16xf32>,
        %get3A_290 = vector.shape_cast %get3A_289 : vector<1x16xf32> to vector<16xf32>
        %get3A_291 = arith.constant 4 : i32
        %get3A_292 = arith.index_cast %get3A_291 : i32 to index
        %get3A_293 = arith.index_cast %add3A_285 : i32 to index
        %get3A_294 = tpu.vector_load %arg6[%get3A_292, %get3A_293] {strides = array<i32>} : memref<8x4096xf32, #tpu.memory_space<vmem>>, vector<1x16xf32>,
        %get3A_295 = vector.shape_cast %get3A_294 : vector<1x16xf32> to vector<16xf32>
        %add3A_296 = arith.addf %get3A_290, %get3A_295 : vector<16xf32>
        %swap3A_297 = arith.constant 4 : i32
        %swap3A_298 = arith.index_cast %swap3A_297 : i32 to index
        %swap3A_299 = arith.index_cast %add3A_285 : i32 to index
        %swap3A_300 = tpu.vector_load %arg5[%swap3A_298, %swap3A_299] {strides = array<i32>} : memref<8x4096xf32, #tpu.memory_space<vmem>>, vector<1x16xf32>,
        %swap3A_301 = vector.shape_cast %swap3A_300 : vector<1x16xf32> to vector<16xf32>
        %swap3A_302 = vector.shape_cast %add3A_296 : vector<16xf32> to vector<1x16xf32>
        tpu.vector_store %arg5[%swap3A_298, %swap3A_299], %swap3A_302 {strides = array<i32>} : memref<8x4096xf32, #tpu.memory_space<vmem>>, vector<1x16xf32>,
        %add3A_303 = arith.constant 192 : i32
        %add3A_304 = arith.addi %mul3A_76, %add3A_303 : i32
        %get3A_305 = arith.constant 4 : i32
        %get3A_306 = arith.index_cast %get3A_305 : i32 to index
        %get3A_307 = arith.index_cast %add3A_304 : i32 to index
        %get3A_308 = tpu.vector_load %arg5[%get3A_306, %get3A_307] {strides = array<i32>} : memref<8x4096xf32, #tpu.memory_space<vmem>>, vector<1x16xf32>,
        %get3A_309 = vector.shape_cast %get3A_308 : vector<1x16xf32> to vector<16xf32>
        %get3A_310 = arith.constant 4 : i32
        %get3A_311 = arith.index_cast %get3A_310 : i32 to index
        %get3A_312 = arith.index_cast %add3A_304 : i32 to index
        %get3A_313 = tpu.vector_load %arg6[%get3A_311, %get3A_312] {strides = array<i32>} : memref<8x4096xf32, #tpu.memory_space<vmem>>, vector<1x16xf32>,
        %get3A_314 = vector.shape_cast %get3A_313 : vector<1x16xf32> to vector<16xf32>
        %add3A_315 = arith.addf %get3A_309, %get3A_314 : vector<16xf32>
        %swap3A_316 = arith.constant 4 : i32
        %swap3A_317 = arith.index_cast %swap3A_316 : i32 to index
        %swap3A_318 = arith.index_cast %add3A_304 : i32 to index
        %swap3A_319 = tpu.vector_load %arg5[%swap3A_317, %swap3A_318] {strides = array<i32>} : memref<8x4096xf32, #tpu.memory_space<vmem>>, vector<1x16xf32>,
        %swap3A_320 = vector.shape_cast %swap3A_319 : vector<1x16xf32> to vector<16xf32>
        %swap3A_321 = vector.shape_cast %add3A_315 : vector<16xf32> to vector<1x16xf32>
        tpu.vector_store %arg5[%swap3A_317, %swap3A_318], %swap3A_321 {strides = array<i32>} : memref<8x4096xf32, #tpu.memory_space<vmem>>, vector<1x16xf32>,
        %add3A_322 = arith.constant 208 : i32
        %add3A_323 = arith.addi %mul3A_76, %add3A_322 : i32
        %get3A_324 = arith.constant 4 : i32
        %get3A_325 = arith.index_cast %get3A_324 : i32 to index
        %get3A_326 = arith.index_cast %add3A_323 : i32 to index
        %get3A_327 = tpu.vector_load %arg5[%get3A_325, %get3A_326] {strides = array<i32>} : memref<8x4096xf32, #tpu.memory_space<vmem>>, vector<1x16xf32>,
        %get3A_328 = vector.shape_cast %get3A_327 : vector<1x16xf32> to vector<16xf32>
        %get3A_329 = arith.constant 4 : i32
        %get3A_330 = arith.index_cast %get3A_329 : i32 to index
        %get3A_331 = arith.index_cast %add3A_323 : i32 to index
        %get3A_332 = tpu.vector_load %arg6[%get3A_330, %get3A_331] {strides = array<i32>} : memref<8x4096xf32, #tpu.memory_space<vmem>>, vector<1x16xf32>,
        %get3A_333 = vector.shape_cast %get3A_332 : vector<1x16xf32> to vector<16xf32>
        %add3A_334 = arith.addf %get3A_328, %get3A_333 : vector<16xf32>
        %swap3A_335 = arith.constant 4 : i32
        %swap3A_336 = arith.index_cast %swap3A_335 : i32 to index
        %swap3A_337 = arith.index_cast %add3A_323 : i32 to index
        %swap3A_338 = tpu.vector_load %arg5[%swap3A_336, %swap3A_337] {strides = array<i32>} : memref<8x4096xf32, #tpu.memory_space<vmem>>, vector<1x16xf32>,
        %swap3A_339 = vector.shape_cast %swap3A_338 : vector<1x16xf32> to vector<16xf32>
        %swap3A_340 = vector.shape_cast %add3A_334 : vector<16xf32> to vector<1x16xf32>
        tpu.vector_store %arg5[%swap3A_336, %swap3A_337], %swap3A_340 {strides = array<i32>} : memref<8x4096xf32, #tpu.memory_space<vmem>>, vector<1x16xf32>,
        %add3A_341 = arith.constant 224 : i32
        %add3A_342 = arith.addi %mul3A_76, %add3A_341 : i32
        %get3A_343 = arith.constant 4 : i32
        %get3A_344 = arith.index_cast %get3A_343 : i32 to index
        %get3A_345 = arith.index_cast %add3A_342 : i32 to index
        %get3A_346 = tpu.vector_load %arg5[%get3A_344, %get3A_345] {strides = array<i32>} : memref<8x4096xf32, #tpu.memory_space<vmem>>, vector<1x16xf32>,
        %get3A_347 = vector.shape_cast %get3A_346 : vector<1x16xf32> to vector<16xf32>
        %get3A_348 = arith.constant 4 : i32
        %get3A_349 = arith.index_cast %get3A_348 : i32 to index
        %get3A_350 = arith.index_cast %add3A_342 : i32 to index
        %get3A_351 = tpu.vector_load %arg6[%get3A_349, %get3A_350] {strides = array<i32>} : memref<8x4096xf32, #tpu.memory_space<vmem>>, vector<1x16xf32>,
        %get3A_352 = vector.shape_cast %get3A_351 : vector<1x16xf32> to vector<16xf32>
        %add3A_353 = arith.addf %get3A_347, %get3A_352 : vector<16xf32>
        %swap3A_354 = arith.constant 4 : i32
        %swap3A_355 = arith.index_cast %swap3A_354 : i32 to index
        %swap3A_356 = arith.index_cast %add3A_342 : i32 to index
        %swap3A_357 = tpu.vector_load %arg5[%swap3A_355, %swap3A_356] {strides = array<i32>} : memref<8x4096xf32, #tpu.memory_space<vmem>>, vector<1x16xf32>,
        %swap3A_358 = vector.shape_cast %swap3A_357 : vector<1x16xf32> to vector<16xf32>
        %swap3A_359 = vector.shape_cast %add3A_353 : vector<16xf32> to vector<1x16xf32>
        tpu.vector_store %arg5[%swap3A_355, %swap3A_356], %swap3A_359 {strides = array<i32>} : memref<8x4096xf32, #tpu.memory_space<vmem>>, vector<1x16xf32>,
        %add3A_360 = arith.constant 240 : i32
        %add3A_361 = arith.addi %mul3A_76, %add3A_360 : i32
        %get3A_362 = arith.constant 4 : i32
        %get3A_363 = arith.index_cast %get3A_362 : i32 to index
        %get3A_364 = arith.index_cast %add3A_361 : i32 to index
        %get3A_365 = tpu.vector_load %arg5[%get3A_363, %get3A_364] {strides = array<i32>} : memref<8x4096xf32, #tpu.memory_space<vmem>>, vector<1x16xf32>,
        %get3A_366 = vector.shape_cast %get3A_365 : vector<1x16xf32> to vector<16xf32>
        %get3A_367 = arith.constant 4 : i32
        %get3A_368 = arith.index_cast %get3A_367 : i32 to index
        %get3A_369 = arith.index_cast %add3A_361 : i32 to index
        %get3A_370 = tpu.vector_load %arg6[%get3A_368, %get3A_369] {strides = array<i32>} : memref<8x4096xf32, #tpu.memory_space<vmem>>, vector<1x16xf32>,
        %get3A_371 = vector.shape_cast %get3A_370 : vector<1x16xf32> to vector<16xf32>
        %add3A_372 = arith.addf %get3A_366, %get3A_371 : vector<16xf32>
        %swap3A_373 = arith.constant 4 : i32
        %swap3A_374 = arith.index_cast %swap3A_373 : i32 to index
        %swap3A_375 = arith.index_cast %add3A_361 : i32 to index
        %swap3A_376 = tpu.vector_load %arg5[%swap3A_374, %swap3A_375] {strides = array<i32>} : memref<8x4096xf32, #tpu.memory_space<vmem>>, vector<1x16xf32>,
        %swap3A_377 = vector.shape_cast %swap3A_376 : vector<1x16xf32> to vector<16xf32>
        %swap3A_378 = vector.shape_cast %add3A_372 : vector<16xf32> to vector<1x16xf32>
        tpu.vector_store %arg5[%swap3A_374, %swap3A_375], %swap3A_378 {strides = array<i32>} : memref<8x4096xf32, #tpu.memory_space<vmem>>, vector<1x16xf32>,
      }
      %scan3A_55 = arith.constant 16 : i32
      %scan3A_56 = arith.constant 0 : i32
      %scan3A_57 = arith.constant 0 : i32
      %scan3A_58 = arith.constant 16 : i32
      %scan3A_59 = arith.addi %scan3A_57, %scan3A_58 : i32
      %scan3A_60 = arith.constant 1 : i32
      scf.for %scan3A_74 = %scan3A_57 to %scan3A_59 step %scan3A_60  : i32 {
        %mul3A_75 = arith.constant 256 : i32
        %mul3A_76 = arith.muli %scan3A_74, %mul3A_75 : i32
        %add3A_77 = arith.constant 0 : i32
        %add3A_78 = arith.addi %mul3A_76, %add3A_77 : i32
        %get3A = arith.constant 5 : i32
        %get3A_79 = arith.index_cast %get3A : i32 to index
        %get3A_80 = arith.index_cast %add3A_78 : i32 to index
        %get3A_81 = tpu.vector_load %arg5[%get3A_79, %get3A_80] {strides = array<i32>} : memref<8x4096xf32, #tpu.memory_space<vmem>>, vector<1x16xf32>,
        %get3A_82 = vector.shape_cast %get3A_81 : vector<1x16xf32> to vector<16xf32>
        %get3A_83 = arith.constant 5 : i32
        %get3A_84 = arith.index_cast %get3A_83 : i32 to index
        %get3A_85 = arith.index_cast %add3A_78 : i32 to index
        %get3A_86 = tpu.vector_load %arg6[%get3A_84, %get3A_85] {strides = array<i32>} : memref<8x4096xf32, #tpu.memory_space<vmem>>, vector<1x16xf32>,
        %get3A_87 = vector.shape_cast %get3A_86 : vector<1x16xf32> to vector<16xf32>
        %add3A_88 = arith.addf %get3A_82, %get3A_87 : vector<16xf32>
        %swap3A = arith.constant 5 : i32
        %swap3A_89 = arith.index_cast %swap3A : i32 to index
        %swap3A_90 = arith.index_cast %add3A_78 : i32 to index
        %swap3A_91 = tpu.vector_load %arg5[%swap3A_89, %swap3A_90] {strides = array<i32>} : memref<8x4096xf32, #tpu.memory_space<vmem>>, vector<1x16xf32>,
        %swap3A_92 = vector.shape_cast %swap3A_91 : vector<1x16xf32> to vector<16xf32>
        %swap3A_93 = vector.shape_cast %add3A_88 : vector<16xf32> to vector<1x16xf32>
        tpu.vector_store %arg5[%swap3A_89, %swap3A_90], %swap3A_93 {strides = array<i32>} : memref<8x4096xf32, #tpu.memory_space<vmem>>, vector<1x16xf32>,
        %add3A_94 = arith.constant 16 : i32
        %add3A_95 = arith.addi %mul3A_76, %add3A_94 : i32
        %get3A_96 = arith.constant 5 : i32
        %get3A_97 = arith.index_cast %get3A_96 : i32 to index
        %get3A_98 = arith.index_cast %add3A_95 : i32 to index
        %get3A_99 = tpu.vector_load %arg5[%get3A_97, %get3A_98] {strides = array<i32>} : memref<8x4096xf32, #tpu.memory_space<vmem>>, vector<1x16xf32>,
        %get3A_100 = vector.shape_cast %get3A_99 : vector<1x16xf32> to vector<16xf32>
        %get3A_101 = arith.constant 5 : i32
        %get3A_102 = arith.index_cast %get3A_101 : i32 to index
        %get3A_103 = arith.index_cast %add3A_95 : i32 to index
        %get3A_104 = tpu.vector_load %arg6[%get3A_102, %get3A_103] {strides = array<i32>} : memref<8x4096xf32, #tpu.memory_space<vmem>>, vector<1x16xf32>,
        %get3A_105 = vector.shape_cast %get3A_104 : vector<1x16xf32> to vector<16xf32>
        %add3A_106 = arith.addf %get3A_100, %get3A_105 : vector<16xf32>
        %swap3A_107 = arith.constant 5 : i32
        %swap3A_108 = arith.index_cast %swap3A_107 : i32 to index
        %swap3A_109 = arith.index_cast %add3A_95 : i32 to index
        %swap3A_110 = tpu.vector_load %arg5[%swap3A_108, %swap3A_109] {strides = array<i32>} : memref<8x4096xf32, #tpu.memory_space<vmem>>, vector<1x16xf32>,
        %swap3A_111 = vector.shape_cast %swap3A_110 : vector<1x16xf32> to vector<16xf32>
        %swap3A_112 = vector.shape_cast %add3A_106 : vector<16xf32> to vector<1x16xf32>
        tpu.vector_store %arg5[%swap3A_108, %swap3A_109], %swap3A_112 {strides = array<i32>} : memref<8x4096xf32, #tpu.memory_space<vmem>>, vector<1x16xf32>,
        %add3A_113 = arith.constant 32 : i32
        %add3A_114 = arith.addi %mul3A_76, %add3A_113 : i32
        %get3A_115 = arith.constant 5 : i32
        %get3A_116 = arith.index_cast %get3A_115 : i32 to index
        %get3A_117 = arith.index_cast %add3A_114 : i32 to index
        %get3A_118 = tpu.vector_load %arg5[%get3A_116, %get3A_117] {strides = array<i32>} : memref<8x4096xf32, #tpu.memory_space<vmem>>, vector<1x16xf32>,
        %get3A_119 = vector.shape_cast %get3A_118 : vector<1x16xf32> to vector<16xf32>
        %get3A_120 = arith.constant 5 : i32
        %get3A_121 = arith.index_cast %get3A_120 : i32 to index
        %get3A_122 = arith.index_cast %add3A_114 : i32 to index
        %get3A_123 = tpu.vector_load %arg6[%get3A_121, %get3A_122] {strides = array<i32>} : memref<8x4096xf32, #tpu.memory_space<vmem>>, vector<1x16xf32>,
        %get3A_124 = vector.shape_cast %get3A_123 : vector<1x16xf32> to vector<16xf32>
        %add3A_125 = arith.addf %get3A_119, %get3A_124 : vector<16xf32>
        %swap3A_126 = arith.constant 5 : i32
        %swap3A_127 = arith.index_cast %swap3A_126 : i32 to index
        %swap3A_128 = arith.index_cast %add3A_114 : i32 to index
        %swap3A_129 = tpu.vector_load %arg5[%swap3A_127, %swap3A_128] {strides = array<i32>} : memref<8x4096xf32, #tpu.memory_space<vmem>>, vector<1x16xf32>,
        %swap3A_130 = vector.shape_cast %swap3A_129 : vector<1x16xf32> to vector<16xf32>
        %swap3A_131 = vector.shape_cast %add3A_125 : vector<16xf32> to vector<1x16xf32>
        tpu.vector_store %arg5[%swap3A_127, %swap3A_128], %swap3A_131 {strides = array<i32>} : memref<8x4096xf32, #tpu.memory_space<vmem>>, vector<1x16xf32>,
        %add3A_132 = arith.constant 48 : i32
        %add3A_133 = arith.addi %mul3A_76, %add3A_132 : i32
        %get3A_134 = arith.constant 5 : i32
        %get3A_135 = arith.index_cast %get3A_134 : i32 to index
        %get3A_136 = arith.index_cast %add3A_133 : i32 to index
        %get3A_137 = tpu.vector_load %arg5[%get3A_135, %get3A_136] {strides = array<i32>} : memref<8x4096xf32, #tpu.memory_space<vmem>>, vector<1x16xf32>,
        %get3A_138 = vector.shape_cast %get3A_137 : vector<1x16xf32> to vector<16xf32>
        %get3A_139 = arith.constant 5 : i32
        %get3A_140 = arith.index_cast %get3A_139 : i32 to index
        %get3A_141 = arith.index_cast %add3A_133 : i32 to index
        %get3A_142 = tpu.vector_load %arg6[%get3A_140, %get3A_141] {strides = array<i32>} : memref<8x4096xf32, #tpu.memory_space<vmem>>, vector<1x16xf32>,
        %get3A_143 = vector.shape_cast %get3A_142 : vector<1x16xf32> to vector<16xf32>
        %add3A_144 = arith.addf %get3A_138, %get3A_143 : vector<16xf32>
        %swap3A_145 = arith.constant 5 : i32
        %swap3A_146 = arith.index_cast %swap3A_145 : i32 to index
        %swap3A_147 = arith.index_cast %add3A_133 : i32 to index
        %swap3A_148 = tpu.vector_load %arg5[%swap3A_146, %swap3A_147] {strides = array<i32>} : memref<8x4096xf32, #tpu.memory_space<vmem>>, vector<1x16xf32>,
        %swap3A_149 = vector.shape_cast %swap3A_148 : vector<1x16xf32> to vector<16xf32>
        %swap3A_150 = vector.shape_cast %add3A_144 : vector<16xf32> to vector<1x16xf32>
        tpu.vector_store %arg5[%swap3A_146, %swap3A_147], %swap3A_150 {strides = array<i32>} : memref<8x4096xf32, #tpu.memory_space<vmem>>, vector<1x16xf32>,
        %add3A_151 = arith.constant 64 : i32
        %add3A_152 = arith.addi %mul3A_76, %add3A_151 : i32
        %get3A_153 = arith.constant 5 : i32
        %get3A_154 = arith.index_cast %get3A_153 : i32 to index
        %get3A_155 = arith.index_cast %add3A_152 : i32 to index
        %get3A_156 = tpu.vector_load %arg5[%get3A_154, %get3A_155] {strides = array<i32>} : memref<8x4096xf32, #tpu.memory_space<vmem>>, vector<1x16xf32>,
        %get3A_157 = vector.shape_cast %get3A_156 : vector<1x16xf32> to vector<16xf32>
        %get3A_158 = arith.constant 5 : i32
        %get3A_159 = arith.index_cast %get3A_158 : i32 to index
        %get3A_160 = arith.index_cast %add3A_152 : i32 to index
        %get3A_161 = tpu.vector_load %arg6[%get3A_159, %get3A_160] {strides = array<i32>} : memref<8x4096xf32, #tpu.memory_space<vmem>>, vector<1x16xf32>,
        %get3A_162 = vector.shape_cast %get3A_161 : vector<1x16xf32> to vector<16xf32>
        %add3A_163 = arith.addf %get3A_157, %get3A_162 : vector<16xf32>
        %swap3A_164 = arith.constant 5 : i32
        %swap3A_165 = arith.index_cast %swap3A_164 : i32 to index
        %swap3A_166 = arith.index_cast %add3A_152 : i32 to index
        %swap3A_167 = tpu.vector_load %arg5[%swap3A_165, %swap3A_166] {strides = array<i32>} : memref<8x4096xf32, #tpu.memory_space<vmem>>, vector<1x16xf32>,
        %swap3A_168 = vector.shape_cast %swap3A_167 : vector<1x16xf32> to vector<16xf32>
        %swap3A_169 = vector.shape_cast %add3A_163 : vector<16xf32> to vector<1x16xf32>
        tpu.vector_store %arg5[%swap3A_165, %swap3A_166], %swap3A_169 {strides = array<i32>} : memref<8x4096xf32, #tpu.memory_space<vmem>>, vector<1x16xf32>,
        %add3A_170 = arith.constant 80 : i32
        %add3A_171 = arith.addi %mul3A_76, %add3A_170 : i32
        %get3A_172 = arith.constant 5 : i32
        %get3A_173 = arith.index_cast %get3A_172 : i32 to index
        %get3A_174 = arith.index_cast %add3A_171 : i32 to index
        %get3A_175 = tpu.vector_load %arg5[%get3A_173, %get3A_174] {strides = array<i32>} : memref<8x4096xf32, #tpu.memory_space<vmem>>, vector<1x16xf32>,
        %get3A_176 = vector.shape_cast %get3A_175 : vector<1x16xf32> to vector<16xf32>
        %get3A_177 = arith.constant 5 : i32
        %get3A_178 = arith.index_cast %get3A_177 : i32 to index
        %get3A_179 = arith.index_cast %add3A_171 : i32 to index
        %get3A_180 = tpu.vector_load %arg6[%get3A_178, %get3A_179] {strides = array<i32>} : memref<8x4096xf32, #tpu.memory_space<vmem>>, vector<1x16xf32>,
        %get3A_181 = vector.shape_cast %get3A_180 : vector<1x16xf32> to vector<16xf32>
        %add3A_182 = arith.addf %get3A_176, %get3A_181 : vector<16xf32>
        %swap3A_183 = arith.constant 5 : i32
        %swap3A_184 = arith.index_cast %swap3A_183 : i32 to index
        %swap3A_185 = arith.index_cast %add3A_171 : i32 to index
        %swap3A_186 = tpu.vector_load %arg5[%swap3A_184, %swap3A_185] {strides = array<i32>} : memref<8x4096xf32, #tpu.memory_space<vmem>>, vector<1x16xf32>,
        %swap3A_187 = vector.shape_cast %swap3A_186 : vector<1x16xf32> to vector<16xf32>
        %swap3A_188 = vector.shape_cast %add3A_182 : vector<16xf32> to vector<1x16xf32>
        tpu.vector_store %arg5[%swap3A_184, %swap3A_185], %swap3A_188 {strides = array<i32>} : memref<8x4096xf32, #tpu.memory_space<vmem>>, vector<1x16xf32>,
        %add3A_189 = arith.constant 96 : i32
        %add3A_190 = arith.addi %mul3A_76, %add3A_189 : i32
        %get3A_191 = arith.constant 5 : i32
        %get3A_192 = arith.index_cast %get3A_191 : i32 to index
        %get3A_193 = arith.index_cast %add3A_190 : i32 to index
        %get3A_194 = tpu.vector_load %arg5[%get3A_192, %get3A_193] {strides = array<i32>} : memref<8x4096xf32, #tpu.memory_space<vmem>>, vector<1x16xf32>,
        %get3A_195 = vector.shape_cast %get3A_194 : vector<1x16xf32> to vector<16xf32>
        %get3A_196 = arith.constant 5 : i32
        %get3A_197 = arith.index_cast %get3A_196 : i32 to index
        %get3A_198 = arith.index_cast %add3A_190 : i32 to index
        %get3A_199 = tpu.vector_load %arg6[%get3A_197, %get3A_198] {strides = array<i32>} : memref<8x4096xf32, #tpu.memory_space<vmem>>, vector<1x16xf32>,
        %get3A_200 = vector.shape_cast %get3A_199 : vector<1x16xf32> to vector<16xf32>
        %add3A_201 = arith.addf %get3A_195, %get3A_200 : vector<16xf32>
        %swap3A_202 = arith.constant 5 : i32
        %swap3A_203 = arith.index_cast %swap3A_202 : i32 to index
        %swap3A_204 = arith.index_cast %add3A_190 : i32 to index
        %swap3A_205 = tpu.vector_load %arg5[%swap3A_203, %swap3A_204] {strides = array<i32>} : memref<8x4096xf32, #tpu.memory_space<vmem>>, vector<1x16xf32>,
        %swap3A_206 = vector.shape_cast %swap3A_205 : vector<1x16xf32> to vector<16xf32>
        %swap3A_207 = vector.shape_cast %add3A_201 : vector<16xf32> to vector<1x16xf32>
        tpu.vector_store %arg5[%swap3A_203, %swap3A_204], %swap3A_207 {strides = array<i32>} : memref<8x4096xf32, #tpu.memory_space<vmem>>, vector<1x16xf32>,
        %add3A_208 = arith.constant 112 : i32
        %add3A_209 = arith.addi %mul3A_76, %add3A_208 : i32
        %get3A_210 = arith.constant 5 : i32
        %get3A_211 = arith.index_cast %get3A_210 : i32 to index
        %get3A_212 = arith.index_cast %add3A_209 : i32 to index
        %get3A_213 = tpu.vector_load %arg5[%get3A_211, %get3A_212] {strides = array<i32>} : memref<8x4096xf32, #tpu.memory_space<vmem>>, vector<1x16xf32>,
        %get3A_214 = vector.shape_cast %get3A_213 : vector<1x16xf32> to vector<16xf32>
        %get3A_215 = arith.constant 5 : i32
        %get3A_216 = arith.index_cast %get3A_215 : i32 to index
        %get3A_217 = arith.index_cast %add3A_209 : i32 to index
        %get3A_218 = tpu.vector_load %arg6[%get3A_216, %get3A_217] {strides = array<i32>} : memref<8x4096xf32, #tpu.memory_space<vmem>>, vector<1x16xf32>,
        %get3A_219 = vector.shape_cast %get3A_218 : vector<1x16xf32> to vector<16xf32>
        %add3A_220 = arith.addf %get3A_214, %get3A_219 : vector<16xf32>
        %swap3A_221 = arith.constant 5 : i32
        %swap3A_222 = arith.index_cast %swap3A_221 : i32 to index
        %swap3A_223 = arith.index_cast %add3A_209 : i32 to index
        %swap3A_224 = tpu.vector_load %arg5[%swap3A_222, %swap3A_223] {strides = array<i32>} : memref<8x4096xf32, #tpu.memory_space<vmem>>, vector<1x16xf32>,
        %swap3A_225 = vector.shape_cast %swap3A_224 : vector<1x16xf32> to vector<16xf32>
        %swap3A_226 = vector.shape_cast %add3A_220 : vector<16xf32> to vector<1x16xf32>
        tpu.vector_store %arg5[%swap3A_222, %swap3A_223], %swap3A_226 {strides = array<i32>} : memref<8x4096xf32, #tpu.memory_space<vmem>>, vector<1x16xf32>,
        %add3A_227 = arith.constant 128 : i32
        %add3A_228 = arith.addi %mul3A_76, %add3A_227 : i32
        %get3A_229 = arith.constant 5 : i32
        %get3A_230 = arith.index_cast %get3A_229 : i32 to index
        %get3A_231 = arith.index_cast %add3A_228 : i32 to index
        %get3A_232 = tpu.vector_load %arg5[%get3A_230, %get3A_231] {strides = array<i32>} : memref<8x4096xf32, #tpu.memory_space<vmem>>, vector<1x16xf32>,
        %get3A_233 = vector.shape_cast %get3A_232 : vector<1x16xf32> to vector<16xf32>
        %get3A_234 = arith.constant 5 : i32
        %get3A_235 = arith.index_cast %get3A_234 : i32 to index
        %get3A_236 = arith.index_cast %add3A_228 : i32 to index
        %get3A_237 = tpu.vector_load %arg6[%get3A_235, %get3A_236] {strides = array<i32>} : memref<8x4096xf32, #tpu.memory_space<vmem>>, vector<1x16xf32>,
        %get3A_238 = vector.shape_cast %get3A_237 : vector<1x16xf32> to vector<16xf32>
        %add3A_239 = arith.addf %get3A_233, %get3A_238 : vector<16xf32>
        %swap3A_240 = arith.constant 5 : i32
        %swap3A_241 = arith.index_cast %swap3A_240 : i32 to index
        %swap3A_242 = arith.index_cast %add3A_228 : i32 to index
        %swap3A_243 = tpu.vector_load %arg5[%swap3A_241, %swap3A_242] {strides = array<i32>} : memref<8x4096xf32, #tpu.memory_space<vmem>>, vector<1x16xf32>,
        %swap3A_244 = vector.shape_cast %swap3A_243 : vector<1x16xf32> to vector<16xf32>
        %swap3A_245 = vector.shape_cast %add3A_239 : vector<16xf32> to vector<1x16xf32>
        tpu.vector_store %arg5[%swap3A_241, %swap3A_242], %swap3A_245 {strides = array<i32>} : memref<8x4096xf32, #tpu.memory_space<vmem>>, vector<1x16xf32>,
        %add3A_246 = arith.constant 144 : i32
        %add3A_247 = arith.addi %mul3A_76, %add3A_246 : i32
        %get3A_248 = arith.constant 5 : i32
        %get3A_249 = arith.index_cast %get3A_248 : i32 to index
        %get3A_250 = arith.index_cast %add3A_247 : i32 to index
        %get3A_251 = tpu.vector_load %arg5[%get3A_249, %get3A_250] {strides = array<i32>} : memref<8x4096xf32, #tpu.memory_space<vmem>>, vector<1x16xf32>,
        %get3A_252 = vector.shape_cast %get3A_251 : vector<1x16xf32> to vector<16xf32>
        %get3A_253 = arith.constant 5 : i32
        %get3A_254 = arith.index_cast %get3A_253 : i32 to index
        %get3A_255 = arith.index_cast %add3A_247 : i32 to index
        %get3A_256 = tpu.vector_load %arg6[%get3A_254, %get3A_255] {strides = array<i32>} : memref<8x4096xf32, #tpu.memory_space<vmem>>, vector<1x16xf32>,
        %get3A_257 = vector.shape_cast %get3A_256 : vector<1x16xf32> to vector<16xf32>
        %add3A_258 = arith.addf %get3A_252, %get3A_257 : vector<16xf32>
        %swap3A_259 = arith.constant 5 : i32
        %swap3A_260 = arith.index_cast %swap3A_259 : i32 to index
        %swap3A_261 = arith.index_cast %add3A_247 : i32 to index
        %swap3A_262 = tpu.vector_load %arg5[%swap3A_260, %swap3A_261] {strides = array<i32>} : memref<8x4096xf32, #tpu.memory_space<vmem>>, vector<1x16xf32>,
        %swap3A_263 = vector.shape_cast %swap3A_262 : vector<1x16xf32> to vector<16xf32>
        %swap3A_264 = vector.shape_cast %add3A_258 : vector<16xf32> to vector<1x16xf32>
        tpu.vector_store %arg5[%swap3A_260, %swap3A_261], %swap3A_264 {strides = array<i32>} : memref<8x4096xf32, #tpu.memory_space<vmem>>, vector<1x16xf32>,
        %add3A_265 = arith.constant 160 : i32
        %add3A_266 = arith.addi %mul3A_76, %add3A_265 : i32
        %get3A_267 = arith.constant 5 : i32
        %get3A_268 = arith.index_cast %get3A_267 : i32 to index
        %get3A_269 = arith.index_cast %add3A_266 : i32 to index
        %get3A_270 = tpu.vector_load %arg5[%get3A_268, %get3A_269] {strides = array<i32>} : memref<8x4096xf32, #tpu.memory_space<vmem>>, vector<1x16xf32>,
        %get3A_271 = vector.shape_cast %get3A_270 : vector<1x16xf32> to vector<16xf32>
        %get3A_272 = arith.constant 5 : i32
        %get3A_273 = arith.index_cast %get3A_272 : i32 to index
        %get3A_274 = arith.index_cast %add3A_266 : i32 to index
        %get3A_275 = tpu.vector_load %arg6[%get3A_273, %get3A_274] {strides = array<i32>} : memref<8x4096xf32, #tpu.memory_space<vmem>>, vector<1x16xf32>,
        %get3A_276 = vector.shape_cast %get3A_275 : vector<1x16xf32> to vector<16xf32>
        %add3A_277 = arith.addf %get3A_271, %get3A_276 : vector<16xf32>
        %swap3A_278 = arith.constant 5 : i32
        %swap3A_279 = arith.index_cast %swap3A_278 : i32 to index
        %swap3A_280 = arith.index_cast %add3A_266 : i32 to index
        %swap3A_281 = tpu.vector_load %arg5[%swap3A_279, %swap3A_280] {strides = array<i32>} : memref<8x4096xf32, #tpu.memory_space<vmem>>, vector<1x16xf32>,
        %swap3A_282 = vector.shape_cast %swap3A_281 : vector<1x16xf32> to vector<16xf32>
        %swap3A_283 = vector.shape_cast %add3A_277 : vector<16xf32> to vector<1x16xf32>
        tpu.vector_store %arg5[%swap3A_279, %swap3A_280], %swap3A_283 {strides = array<i32>} : memref<8x4096xf32, #tpu.memory_space<vmem>>, vector<1x16xf32>,
        %add3A_284 = arith.constant 176 : i32
        %add3A_285 = arith.addi %mul3A_76, %add3A_284 : i32
        %get3A_286 = arith.constant 5 : i32
        %get3A_287 = arith.index_cast %get3A_286 : i32 to index
        %get3A_288 = arith.index_cast %add3A_285 : i32 to index
        %get3A_289 = tpu.vector_load %arg5[%get3A_287, %get3A_288] {strides = array<i32>} : memref<8x4096xf32, #tpu.memory_space<vmem>>, vector<1x16xf32>,
        %get3A_290 = vector.shape_cast %get3A_289 : vector<1x16xf32> to vector<16xf32>
        %get3A_291 = arith.constant 5 : i32
        %get3A_292 = arith.index_cast %get3A_291 : i32 to index
        %get3A_293 = arith.index_cast %add3A_285 : i32 to index
        %get3A_294 = tpu.vector_load %arg6[%get3A_292, %get3A_293] {strides = array<i32>} : memref<8x4096xf32, #tpu.memory_space<vmem>>, vector<1x16xf32>,
        %get3A_295 = vector.shape_cast %get3A_294 : vector<1x16xf32> to vector<16xf32>
        %add3A_296 = arith.addf %get3A_290, %get3A_295 : vector<16xf32>
        %swap3A_297 = arith.constant 5 : i32
        %swap3A_298 = arith.index_cast %swap3A_297 : i32 to index
        %swap3A_299 = arith.index_cast %add3A_285 : i32 to index
        %swap3A_300 = tpu.vector_load %arg5[%swap3A_298, %swap3A_299] {strides = array<i32>} : memref<8x4096xf32, #tpu.memory_space<vmem>>, vector<1x16xf32>,
        %swap3A_301 = vector.shape_cast %swap3A_300 : vector<1x16xf32> to vector<16xf32>
        %swap3A_302 = vector.shape_cast %add3A_296 : vector<16xf32> to vector<1x16xf32>
        tpu.vector_store %arg5[%swap3A_298, %swap3A_299], %swap3A_302 {strides = array<i32>} : memref<8x4096xf32, #tpu.memory_space<vmem>>, vector<1x16xf32>,
        %add3A_303 = arith.constant 192 : i32
        %add3A_304 = arith.addi %mul3A_76, %add3A_303 : i32
        %get3A_305 = arith.constant 5 : i32
        %get3A_306 = arith.index_cast %get3A_305 : i32 to index
        %get3A_307 = arith.index_cast %add3A_304 : i32 to index
        %get3A_308 = tpu.vector_load %arg5[%get3A_306, %get3A_307] {strides = array<i32>} : memref<8x4096xf32, #tpu.memory_space<vmem>>, vector<1x16xf32>,
        %get3A_309 = vector.shape_cast %get3A_308 : vector<1x16xf32> to vector<16xf32>
        %get3A_310 = arith.constant 5 : i32
        %get3A_311 = arith.index_cast %get3A_310 : i32 to index
        %get3A_312 = arith.index_cast %add3A_304 : i32 to index
        %get3A_313 = tpu.vector_load %arg6[%get3A_311, %get3A_312] {strides = array<i32>} : memref<8x4096xf32, #tpu.memory_space<vmem>>, vector<1x16xf32>,
        %get3A_314 = vector.shape_cast %get3A_313 : vector<1x16xf32> to vector<16xf32>
        %add3A_315 = arith.addf %get3A_309, %get3A_314 : vector<16xf32>
        %swap3A_316 = arith.constant 5 : i32
        %swap3A_317 = arith.index_cast %swap3A_316 : i32 to index
        %swap3A_318 = arith.index_cast %add3A_304 : i32 to index
        %swap3A_319 = tpu.vector_load %arg5[%swap3A_317, %swap3A_318] {strides = array<i32>} : memref<8x4096xf32, #tpu.memory_space<vmem>>, vector<1x16xf32>,
        %swap3A_320 = vector.shape_cast %swap3A_319 : vector<1x16xf32> to vector<16xf32>
        %swap3A_321 = vector.shape_cast %add3A_315 : vector<16xf32> to vector<1x16xf32>
        tpu.vector_store %arg5[%swap3A_317, %swap3A_318], %swap3A_321 {strides = array<i32>} : memref<8x4096xf32, #tpu.memory_space<vmem>>, vector<1x16xf32>,
        %add3A_322 = arith.constant 208 : i32
        %add3A_323 = arith.addi %mul3A_76, %add3A_322 : i32
        %get3A_324 = arith.constant 5 : i32
        %get3A_325 = arith.index_cast %get3A_324 : i32 to index
        %get3A_326 = arith.index_cast %add3A_323 : i32 to index
        %get3A_327 = tpu.vector_load %arg5[%get3A_325, %get3A_326] {strides = array<i32>} : memref<8x4096xf32, #tpu.memory_space<vmem>>, vector<1x16xf32>,
        %get3A_328 = vector.shape_cast %get3A_327 : vector<1x16xf32> to vector<16xf32>
        %get3A_329 = arith.constant 5 : i32
        %get3A_330 = arith.index_cast %get3A_329 : i32 to index
        %get3A_331 = arith.index_cast %add3A_323 : i32 to index
        %get3A_332 = tpu.vector_load %arg6[%get3A_330, %get3A_331] {strides = array<i32>} : memref<8x4096xf32, #tpu.memory_space<vmem>>, vector<1x16xf32>,
        %get3A_333 = vector.shape_cast %get3A_332 : vector<1x16xf32> to vector<16xf32>
        %add3A_334 = arith.addf %get3A_328, %get3A_333 : vector<16xf32>
        %swap3A_335 = arith.constant 5 : i32
        %swap3A_336 = arith.index_cast %swap3A_335 : i32 to index
        %swap3A_337 = arith.index_cast %add3A_323 : i32 to index
        %swap3A_338 = tpu.vector_load %arg5[%swap3A_336, %swap3A_337] {strides = array<i32>} : memref<8x4096xf32, #tpu.memory_space<vmem>>, vector<1x16xf32>,
        %swap3A_339 = vector.shape_cast %swap3A_338 : vector<1x16xf32> to vector<16xf32>
        %swap3A_340 = vector.shape_cast %add3A_334 : vector<16xf32> to vector<1x16xf32>
        tpu.vector_store %arg5[%swap3A_336, %swap3A_337], %swap3A_340 {strides = array<i32>} : memref<8x4096xf32, #tpu.memory_space<vmem>>, vector<1x16xf32>,
        %add3A_341 = arith.constant 224 : i32
        %add3A_342 = arith.addi %mul3A_76, %add3A_341 : i32
        %get3A_343 = arith.constant 5 : i32
        %get3A_344 = arith.index_cast %get3A_343 : i32 to index
        %get3A_345 = arith.index_cast %add3A_342 : i32 to index
        %get3A_346 = tpu.vector_load %arg5[%get3A_344, %get3A_345] {strides = array<i32>} : memref<8x4096xf32, #tpu.memory_space<vmem>>, vector<1x16xf32>,
        %get3A_347 = vector.shape_cast %get3A_346 : vector<1x16xf32> to vector<16xf32>
        %get3A_348 = arith.constant 5 : i32
        %get3A_349 = arith.index_cast %get3A_348 : i32 to index
        %get3A_350 = arith.index_cast %add3A_342 : i32 to index
        %get3A_351 = tpu.vector_load %arg6[%get3A_349, %get3A_350] {strides = array<i32>} : memref<8x4096xf32, #tpu.memory_space<vmem>>, vector<1x16xf32>,
        %get3A_352 = vector.shape_cast %get3A_351 : vector<1x16xf32> to vector<16xf32>
        %add3A_353 = arith.addf %get3A_347, %get3A_352 : vector<16xf32>
        %swap3A_354 = arith.constant 5 : i32
        %swap3A_355 = arith.index_cast %swap3A_354 : i32 to index
        %swap3A_356 = arith.index_cast %add3A_342 : i32 to index
        %swap3A_357 = tpu.vector_load %arg5[%swap3A_355, %swap3A_356] {strides = array<i32>} : memref<8x4096xf32, #tpu.memory_space<vmem>>, vector<1x16xf32>,
        %swap3A_358 = vector.shape_cast %swap3A_357 : vector<1x16xf32> to vector<16xf32>
        %swap3A_359 = vector.shape_cast %add3A_353 : vector<16xf32> to vector<1x16xf32>
        tpu.vector_store %arg5[%swap3A_355, %swap3A_356], %swap3A_359 {strides = array<i32>} : memref<8x4096xf32, #tpu.memory_space<vmem>>, vector<1x16xf32>,
        %add3A_360 = arith.constant 240 : i32
        %add3A_361 = arith.addi %mul3A_76, %add3A_360 : i32
        %get3A_362 = arith.constant 5 : i32
        %get3A_363 = arith.index_cast %get3A_362 : i32 to index
        %get3A_364 = arith.index_cast %add3A_361 : i32 to index
        %get3A_365 = tpu.vector_load %arg5[%get3A_363, %get3A_364] {strides = array<i32>} : memref<8x4096xf32, #tpu.memory_space<vmem>>, vector<1x16xf32>,
        %get3A_366 = vector.shape_cast %get3A_365 : vector<1x16xf32> to vector<16xf32>
        %get3A_367 = arith.constant 5 : i32
        %get3A_368 = arith.index_cast %get3A_367 : i32 to index
        %get3A_369 = arith.index_cast %add3A_361 : i32 to index
        %get3A_370 = tpu.vector_load %arg6[%get3A_368, %get3A_369] {strides = array<i32>} : memref<8x4096xf32, #tpu.memory_space<vmem>>, vector<1x16xf32>,
        %get3A_371 = vector.shape_cast %get3A_370 : vector<1x16xf32> to vector<16xf32>
        %add3A_372 = arith.addf %get3A_366, %get3A_371 : vector<16xf32>
        %swap3A_373 = arith.constant 5 : i32
        %swap3A_374 = arith.index_cast %swap3A_373 : i32 to index
        %swap3A_375 = arith.index_cast %add3A_361 : i32 to index
        %swap3A_376 = tpu.vector_load %arg5[%swap3A_374, %swap3A_375] {strides = array<i32>} : memref<8x4096xf32, #tpu.memory_space<vmem>>, vector<1x16xf32>,
        %swap3A_377 = vector.shape_cast %swap3A_376 : vector<1x16xf32> to vector<16xf32>
        %swap3A_378 = vector.shape_cast %add3A_372 : vector<16xf32> to vector<1x16xf32>
        tpu.vector_store %arg5[%swap3A_374, %swap3A_375], %swap3A_378 {strides = array<i32>} : memref<8x4096xf32, #tpu.memory_space<vmem>>, vector<1x16xf32>,
      }
      %scan3A_61 = arith.constant 16 : i32
      %scan3A_62 = arith.constant 0 : i32
      %scan3A_63 = arith.constant 0 : i32
      %scan3A_64 = arith.constant 16 : i32
      %scan3A_65 = arith.addi %scan3A_63, %scan3A_64 : i32
      %scan3A_66 = arith.constant 1 : i32
      scf.for %scan3A_74 = %scan3A_63 to %scan3A_65 step %scan3A_66  : i32 {
        %mul3A_75 = arith.constant 256 : i32
        %mul3A_76 = arith.muli %scan3A_74, %mul3A_75 : i32
        %add3A_77 = arith.constant 0 : i32
        %add3A_78 = arith.addi %mul3A_76, %add3A_77 : i32
        %get3A = arith.constant 6 : i32
        %get3A_79 = arith.index_cast %get3A : i32 to index
        %get3A_80 = arith.index_cast %add3A_78 : i32 to index
        %get3A_81 = tpu.vector_load %arg5[%get3A_79, %get3A_80] {strides = array<i32>} : memref<8x4096xf32, #tpu.memory_space<vmem>>, vector<1x16xf32>,
        %get3A_82 = vector.shape_cast %get3A_81 : vector<1x16xf32> to vector<16xf32>
        %get3A_83 = arith.constant 6 : i32
        %get3A_84 = arith.index_cast %get3A_83 : i32 to index
        %get3A_85 = arith.index_cast %add3A_78 : i32 to index
        %get3A_86 = tpu.vector_load %arg6[%get3A_84, %get3A_85] {strides = array<i32>} : memref<8x4096xf32, #tpu.memory_space<vmem>>, vector<1x16xf32>,
        %get3A_87 = vector.shape_cast %get3A_86 : vector<1x16xf32> to vector<16xf32>
        %add3A_88 = arith.addf %get3A_82, %get3A_87 : vector<16xf32>
        %swap3A = arith.constant 6 : i32
        %swap3A_89 = arith.index_cast %swap3A : i32 to index
        %swap3A_90 = arith.index_cast %add3A_78 : i32 to index
        %swap3A_91 = tpu.vector_load %arg5[%swap3A_89, %swap3A_90] {strides = array<i32>} : memref<8x4096xf32, #tpu.memory_space<vmem>>, vector<1x16xf32>,
        %swap3A_92 = vector.shape_cast %swap3A_91 : vector<1x16xf32> to vector<16xf32>
        %swap3A_93 = vector.shape_cast %add3A_88 : vector<16xf32> to vector<1x16xf32>
        tpu.vector_store %arg5[%swap3A_89, %swap3A_90], %swap3A_93 {strides = array<i32>} : memref<8x4096xf32, #tpu.memory_space<vmem>>, vector<1x16xf32>,
        %add3A_94 = arith.constant 16 : i32
        %add3A_95 = arith.addi %mul3A_76, %add3A_94 : i32
        %get3A_96 = arith.constant 6 : i32
        %get3A_97 = arith.index_cast %get3A_96 : i32 to index
        %get3A_98 = arith.index_cast %add3A_95 : i32 to index
        %get3A_99 = tpu.vector_load %arg5[%get3A_97, %get3A_98] {strides = array<i32>} : memref<8x4096xf32, #tpu.memory_space<vmem>>, vector<1x16xf32>,
        %get3A_100 = vector.shape_cast %get3A_99 : vector<1x16xf32> to vector<16xf32>
        %get3A_101 = arith.constant 6 : i32
        %get3A_102 = arith.index_cast %get3A_101 : i32 to index
        %get3A_103 = arith.index_cast %add3A_95 : i32 to index
        %get3A_104 = tpu.vector_load %arg6[%get3A_102, %get3A_103] {strides = array<i32>} : memref<8x4096xf32, #tpu.memory_space<vmem>>, vector<1x16xf32>,
        %get3A_105 = vector.shape_cast %get3A_104 : vector<1x16xf32> to vector<16xf32>
        %add3A_106 = arith.addf %get3A_100, %get3A_105 : vector<16xf32>
        %swap3A_107 = arith.constant 6 : i32
        %swap3A_108 = arith.index_cast %swap3A_107 : i32 to index
        %swap3A_109 = arith.index_cast %add3A_95 : i32 to index
        %swap3A_110 = tpu.vector_load %arg5[%swap3A_108, %swap3A_109] {strides = array<i32>} : memref<8x4096xf32, #tpu.memory_space<vmem>>, vector<1x16xf32>,
        %swap3A_111 = vector.shape_cast %swap3A_110 : vector<1x16xf32> to vector<16xf32>
        %swap3A_112 = vector.shape_cast %add3A_106 : vector<16xf32> to vector<1x16xf32>
        tpu.vector_store %arg5[%swap3A_108, %swap3A_109], %swap3A_112 {strides = array<i32>} : memref<8x4096xf32, #tpu.memory_space<vmem>>, vector<1x16xf32>,
        %add3A_113 = arith.constant 32 : i32
        %add3A_114 = arith.addi %mul3A_76, %add3A_113 : i32
        %get3A_115 = arith.constant 6 : i32
        %get3A_116 = arith.index_cast %get3A_115 : i32 to index
        %get3A_117 = arith.index_cast %add3A_114 : i32 to index
        %get3A_118 = tpu.vector_load %arg5[%get3A_116, %get3A_117] {strides = array<i32>} : memref<8x4096xf32, #tpu.memory_space<vmem>>, vector<1x16xf32>,
        %get3A_119 = vector.shape_cast %get3A_118 : vector<1x16xf32> to vector<16xf32>
        %get3A_120 = arith.constant 6 : i32
        %get3A_121 = arith.index_cast %get3A_120 : i32 to index
        %get3A_122 = arith.index_cast %add3A_114 : i32 to index
        %get3A_123 = tpu.vector_load %arg6[%get3A_121, %get3A_122] {strides = array<i32>} : memref<8x4096xf32, #tpu.memory_space<vmem>>, vector<1x16xf32>,
        %get3A_124 = vector.shape_cast %get3A_123 : vector<1x16xf32> to vector<16xf32>
        %add3A_125 = arith.addf %get3A_119, %get3A_124 : vector<16xf32>
        %swap3A_126 = arith.constant 6 : i32
        %swap3A_127 = arith.index_cast %swap3A_126 : i32 to index
        %swap3A_128 = arith.index_cast %add3A_114 : i32 to index
        %swap3A_129 = tpu.vector_load %arg5[%swap3A_127, %swap3A_128] {strides = array<i32>} : memref<8x4096xf32, #tpu.memory_space<vmem>>, vector<1x16xf32>,
        %swap3A_130 = vector.shape_cast %swap3A_129 : vector<1x16xf32> to vector<16xf32>
        %swap3A_131 = vector.shape_cast %add3A_125 : vector<16xf32> to vector<1x16xf32>
        tpu.vector_store %arg5[%swap3A_127, %swap3A_128], %swap3A_131 {strides = array<i32>} : memref<8x4096xf32, #tpu.memory_space<vmem>>, vector<1x16xf32>,
        %add3A_132 = arith.constant 48 : i32
        %add3A_133 = arith.addi %mul3A_76, %add3A_132 : i32
        %get3A_134 = arith.constant 6 : i32
        %get3A_135 = arith.index_cast %get3A_134 : i32 to index
        %get3A_136 = arith.index_cast %add3A_133 : i32 to index
        %get3A_137 = tpu.vector_load %arg5[%get3A_135, %get3A_136] {strides = array<i32>} : memref<8x4096xf32, #tpu.memory_space<vmem>>, vector<1x16xf32>,
        %get3A_138 = vector.shape_cast %get3A_137 : vector<1x16xf32> to vector<16xf32>
        %get3A_139 = arith.constant 6 : i32
        %get3A_140 = arith.index_cast %get3A_139 : i32 to index
        %get3A_141 = arith.index_cast %add3A_133 : i32 to index
        %get3A_142 = tpu.vector_load %arg6[%get3A_140, %get3A_141] {strides = array<i32>} : memref<8x4096xf32, #tpu.memory_space<vmem>>, vector<1x16xf32>,
        %get3A_143 = vector.shape_cast %get3A_142 : vector<1x16xf32> to vector<16xf32>
        %add3A_144 = arith.addf %get3A_138, %get3A_143 : vector<16xf32>
        %swap3A_145 = arith.constant 6 : i32
        %swap3A_146 = arith.index_cast %swap3A_145 : i32 to index
        %swap3A_147 = arith.index_cast %add3A_133 : i32 to index
        %swap3A_148 = tpu.vector_load %arg5[%swap3A_146, %swap3A_147] {strides = array<i32>} : memref<8x4096xf32, #tpu.memory_space<vmem>>, vector<1x16xf32>,
        %swap3A_149 = vector.shape_cast %swap3A_148 : vector<1x16xf32> to vector<16xf32>
        %swap3A_150 = vector.shape_cast %add3A_144 : vector<16xf32> to vector<1x16xf32>
        tpu.vector_store %arg5[%swap3A_146, %swap3A_147], %swap3A_150 {strides = array<i32>} : memref<8x4096xf32, #tpu.memory_space<vmem>>, vector<1x16xf32>,
        %add3A_151 = arith.constant 64 : i32
        %add3A_152 = arith.addi %mul3A_76, %add3A_151 : i32
        %get3A_153 = arith.constant 6 : i32
        %get3A_154 = arith.index_cast %get3A_153 : i32 to index
        %get3A_155 = arith.index_cast %add3A_152 : i32 to index
        %get3A_156 = tpu.vector_load %arg5[%get3A_154, %get3A_155] {strides = array<i32>} : memref<8x4096xf32, #tpu.memory_space<vmem>>, vector<1x16xf32>,
        %get3A_157 = vector.shape_cast %get3A_156 : vector<1x16xf32> to vector<16xf32>
        %get3A_158 = arith.constant 6 : i32
        %get3A_159 = arith.index_cast %get3A_158 : i32 to index
        %get3A_160 = arith.index_cast %add3A_152 : i32 to index
        %get3A_161 = tpu.vector_load %arg6[%get3A_159, %get3A_160] {strides = array<i32>} : memref<8x4096xf32, #tpu.memory_space<vmem>>, vector<1x16xf32>,
        %get3A_162 = vector.shape_cast %get3A_161 : vector<1x16xf32> to vector<16xf32>
        %add3A_163 = arith.addf %get3A_157, %get3A_162 : vector<16xf32>
        %swap3A_164 = arith.constant 6 : i32
        %swap3A_165 = arith.index_cast %swap3A_164 : i32 to index
        %swap3A_166 = arith.index_cast %add3A_152 : i32 to index
        %swap3A_167 = tpu.vector_load %arg5[%swap3A_165, %swap3A_166] {strides = array<i32>} : memref<8x4096xf32, #tpu.memory_space<vmem>>, vector<1x16xf32>,
        %swap3A_168 = vector.shape_cast %swap3A_167 : vector<1x16xf32> to vector<16xf32>
        %swap3A_169 = vector.shape_cast %add3A_163 : vector<16xf32> to vector<1x16xf32>
        tpu.vector_store %arg5[%swap3A_165, %swap3A_166], %swap3A_169 {strides = array<i32>} : memref<8x4096xf32, #tpu.memory_space<vmem>>, vector<1x16xf32>,
        %add3A_170 = arith.constant 80 : i32
        %add3A_171 = arith.addi %mul3A_76, %add3A_170 : i32
        %get3A_172 = arith.constant 6 : i32
        %get3A_173 = arith.index_cast %get3A_172 : i32 to index
        %get3A_174 = arith.index_cast %add3A_171 : i32 to index
        %get3A_175 = tpu.vector_load %arg5[%get3A_173, %get3A_174] {strides = array<i32>} : memref<8x4096xf32, #tpu.memory_space<vmem>>, vector<1x16xf32>,
        %get3A_176 = vector.shape_cast %get3A_175 : vector<1x16xf32> to vector<16xf32>
        %get3A_177 = arith.constant 6 : i32
        %get3A_178 = arith.index_cast %get3A_177 : i32 to index
        %get3A_179 = arith.index_cast %add3A_171 : i32 to index
        %get3A_180 = tpu.vector_load %arg6[%get3A_178, %get3A_179] {strides = array<i32>} : memref<8x4096xf32, #tpu.memory_space<vmem>>, vector<1x16xf32>,
        %get3A_181 = vector.shape_cast %get3A_180 : vector<1x16xf32> to vector<16xf32>
        %add3A_182 = arith.addf %get3A_176, %get3A_181 : vector<16xf32>
        %swap3A_183 = arith.constant 6 : i32
        %swap3A_184 = arith.index_cast %swap3A_183 : i32 to index
        %swap3A_185 = arith.index_cast %add3A_171 : i32 to index
        %swap3A_186 = tpu.vector_load %arg5[%swap3A_184, %swap3A_185] {strides = array<i32>} : memref<8x4096xf32, #tpu.memory_space<vmem>>, vector<1x16xf32>,
        %swap3A_187 = vector.shape_cast %swap3A_186 : vector<1x16xf32> to vector<16xf32>
        %swap3A_188 = vector.shape_cast %add3A_182 : vector<16xf32> to vector<1x16xf32>
        tpu.vector_store %arg5[%swap3A_184, %swap3A_185], %swap3A_188 {strides = array<i32>} : memref<8x4096xf32, #tpu.memory_space<vmem>>, vector<1x16xf32>,
        %add3A_189 = arith.constant 96 : i32
        %add3A_190 = arith.addi %mul3A_76, %add3A_189 : i32
        %get3A_191 = arith.constant 6 : i32
        %get3A_192 = arith.index_cast %get3A_191 : i32 to index
        %get3A_193 = arith.index_cast %add3A_190 : i32 to index
        %get3A_194 = tpu.vector_load %arg5[%get3A_192, %get3A_193] {strides = array<i32>} : memref<8x4096xf32, #tpu.memory_space<vmem>>, vector<1x16xf32>,
        %get3A_195 = vector.shape_cast %get3A_194 : vector<1x16xf32> to vector<16xf32>
        %get3A_196 = arith.constant 6 : i32
        %get3A_197 = arith.index_cast %get3A_196 : i32 to index
        %get3A_198 = arith.index_cast %add3A_190 : i32 to index
        %get3A_199 = tpu.vector_load %arg6[%get3A_197, %get3A_198] {strides = array<i32>} : memref<8x4096xf32, #tpu.memory_space<vmem>>, vector<1x16xf32>,
        %get3A_200 = vector.shape_cast %get3A_199 : vector<1x16xf32> to vector<16xf32>
        %add3A_201 = arith.addf %get3A_195, %get3A_200 : vector<16xf32>
        %swap3A_202 = arith.constant 6 : i32
        %swap3A_203 = arith.index_cast %swap3A_202 : i32 to index
        %swap3A_204 = arith.index_cast %add3A_190 : i32 to index
        %swap3A_205 = tpu.vector_load %arg5[%swap3A_203, %swap3A_204] {strides = array<i32>} : memref<8x4096xf32, #tpu.memory_space<vmem>>, vector<1x16xf32>,
        %swap3A_206 = vector.shape_cast %swap3A_205 : vector<1x16xf32> to vector<16xf32>
        %swap3A_207 = vector.shape_cast %add3A_201 : vector<16xf32> to vector<1x16xf32>
        tpu.vector_store %arg5[%swap3A_203, %swap3A_204], %swap3A_207 {strides = array<i32>} : memref<8x4096xf32, #tpu.memory_space<vmem>>, vector<1x16xf32>,
        %add3A_208 = arith.constant 112 : i32
        %add3A_209 = arith.addi %mul3A_76, %add3A_208 : i32
        %get3A_210 = arith.constant 6 : i32
        %get3A_211 = arith.index_cast %get3A_210 : i32 to index
        %get3A_212 = arith.index_cast %add3A_209 : i32 to index
        %get3A_213 = tpu.vector_load %arg5[%get3A_211, %get3A_212] {strides = array<i32>} : memref<8x4096xf32, #tpu.memory_space<vmem>>, vector<1x16xf32>,
        %get3A_214 = vector.shape_cast %get3A_213 : vector<1x16xf32> to vector<16xf32>
        %get3A_215 = arith.constant 6 : i32
        %get3A_216 = arith.index_cast %get3A_215 : i32 to index
        %get3A_217 = arith.index_cast %add3A_209 : i32 to index
        %get3A_218 = tpu.vector_load %arg6[%get3A_216, %get3A_217] {strides = array<i32>} : memref<8x4096xf32, #tpu.memory_space<vmem>>, vector<1x16xf32>,
        %get3A_219 = vector.shape_cast %get3A_218 : vector<1x16xf32> to vector<16xf32>
        %add3A_220 = arith.addf %get3A_214, %get3A_219 : vector<16xf32>
        %swap3A_221 = arith.constant 6 : i32
        %swap3A_222 = arith.index_cast %swap3A_221 : i32 to index
        %swap3A_223 = arith.index_cast %add3A_209 : i32 to index
        %swap3A_224 = tpu.vector_load %arg5[%swap3A_222, %swap3A_223] {strides = array<i32>} : memref<8x4096xf32, #tpu.memory_space<vmem>>, vector<1x16xf32>,
        %swap3A_225 = vector.shape_cast %swap3A_224 : vector<1x16xf32> to vector<16xf32>
        %swap3A_226 = vector.shape_cast %add3A_220 : vector<16xf32> to vector<1x16xf32>
        tpu.vector_store %arg5[%swap3A_222, %swap3A_223], %swap3A_226 {strides = array<i32>} : memref<8x4096xf32, #tpu.memory_space<vmem>>, vector<1x16xf32>,
        %add3A_227 = arith.constant 128 : i32
        %add3A_228 = arith.addi %mul3A_76, %add3A_227 : i32
        %get3A_229 = arith.constant 6 : i32
        %get3A_230 = arith.index_cast %get3A_229 : i32 to index
        %get3A_231 = arith.index_cast %add3A_228 : i32 to index
        %get3A_232 = tpu.vector_load %arg5[%get3A_230, %get3A_231] {strides = array<i32>} : memref<8x4096xf32, #tpu.memory_space<vmem>>, vector<1x16xf32>,
        %get3A_233 = vector.shape_cast %get3A_232 : vector<1x16xf32> to vector<16xf32>
        %get3A_234 = arith.constant 6 : i32
        %get3A_235 = arith.index_cast %get3A_234 : i32 to index
        %get3A_236 = arith.index_cast %add3A_228 : i32 to index
        %get3A_237 = tpu.vector_load %arg6[%get3A_235, %get3A_236] {strides = array<i32>} : memref<8x4096xf32, #tpu.memory_space<vmem>>, vector<1x16xf32>,
        %get3A_238 = vector.shape_cast %get3A_237 : vector<1x16xf32> to vector<16xf32>
        %add3A_239 = arith.addf %get3A_233, %get3A_238 : vector<16xf32>
        %swap3A_240 = arith.constant 6 : i32
        %swap3A_241 = arith.index_cast %swap3A_240 : i32 to index
        %swap3A_242 = arith.index_cast %add3A_228 : i32 to index
        %swap3A_243 = tpu.vector_load %arg5[%swap3A_241, %swap3A_242] {strides = array<i32>} : memref<8x4096xf32, #tpu.memory_space<vmem>>, vector<1x16xf32>,
        %swap3A_244 = vector.shape_cast %swap3A_243 : vector<1x16xf32> to vector<16xf32>
        %swap3A_245 = vector.shape_cast %add3A_239 : vector<16xf32> to vector<1x16xf32>
        tpu.vector_store %arg5[%swap3A_241, %swap3A_242], %swap3A_245 {strides = array<i32>} : memref<8x4096xf32, #tpu.memory_space<vmem>>, vector<1x16xf32>,
        %add3A_246 = arith.constant 144 : i32
        %add3A_247 = arith.addi %mul3A_76, %add3A_246 : i32
        %get3A_248 = arith.constant 6 : i32
        %get3A_249 = arith.index_cast %get3A_248 : i32 to index
        %get3A_250 = arith.index_cast %add3A_247 : i32 to index
        %get3A_251 = tpu.vector_load %arg5[%get3A_249, %get3A_250] {strides = array<i32>} : memref<8x4096xf32, #tpu.memory_space<vmem>>, vector<1x16xf32>,
        %get3A_252 = vector.shape_cast %get3A_251 : vector<1x16xf32> to vector<16xf32>
        %get3A_253 = arith.constant 6 : i32
        %get3A_254 = arith.index_cast %get3A_253 : i32 to index
        %get3A_255 = arith.index_cast %add3A_247 : i32 to index
        %get3A_256 = tpu.vector_load %arg6[%get3A_254, %get3A_255] {strides = array<i32>} : memref<8x4096xf32, #tpu.memory_space<vmem>>, vector<1x16xf32>,
        %get3A_257 = vector.shape_cast %get3A_256 : vector<1x16xf32> to vector<16xf32>
        %add3A_258 = arith.addf %get3A_252, %get3A_257 : vector<16xf32>
        %swap3A_259 = arith.constant 6 : i32
        %swap3A_260 = arith.index_cast %swap3A_259 : i32 to index
        %swap3A_261 = arith.index_cast %add3A_247 : i32 to index
        %swap3A_262 = tpu.vector_load %arg5[%swap3A_260, %swap3A_261] {strides = array<i32>} : memref<8x4096xf32, #tpu.memory_space<vmem>>, vector<1x16xf32>,
        %swap3A_263 = vector.shape_cast %swap3A_262 : vector<1x16xf32> to vector<16xf32>
        %swap3A_264 = vector.shape_cast %add3A_258 : vector<16xf32> to vector<1x16xf32>
        tpu.vector_store %arg5[%swap3A_260, %swap3A_261], %swap3A_264 {strides = array<i32>} : memref<8x4096xf32, #tpu.memory_space<vmem>>, vector<1x16xf32>,
        %add3A_265 = arith.constant 160 : i32
        %add3A_266 = arith.addi %mul3A_76, %add3A_265 : i32
        %get3A_267 = arith.constant 6 : i32
        %get3A_268 = arith.index_cast %get3A_267 : i32 to index
        %get3A_269 = arith.index_cast %add3A_266 : i32 to index
        %get3A_270 = tpu.vector_load %arg5[%get3A_268, %get3A_269] {strides = array<i32>} : memref<8x4096xf32, #tpu.memory_space<vmem>>, vector<1x16xf32>,
        %get3A_271 = vector.shape_cast %get3A_270 : vector<1x16xf32> to vector<16xf32>
        %get3A_272 = arith.constant 6 : i32
        %get3A_273 = arith.index_cast %get3A_272 : i32 to index
        %get3A_274 = arith.index_cast %add3A_266 : i32 to index
        %get3A_275 = tpu.vector_load %arg6[%get3A_273, %get3A_274] {strides = array<i32>} : memref<8x4096xf32, #tpu.memory_space<vmem>>, vector<1x16xf32>,
        %get3A_276 = vector.shape_cast %get3A_275 : vector<1x16xf32> to vector<16xf32>
        %add3A_277 = arith.addf %get3A_271, %get3A_276 : vector<16xf32>
        %swap3A_278 = arith.constant 6 : i32
        %swap3A_279 = arith.index_cast %swap3A_278 : i32 to index
        %swap3A_280 = arith.index_cast %add3A_266 : i32 to index
        %swap3A_281 = tpu.vector_load %arg5[%swap3A_279, %swap3A_280] {strides = array<i32>} : memref<8x4096xf32, #tpu.memory_space<vmem>>, vector<1x16xf32>,
        %swap3A_282 = vector.shape_cast %swap3A_281 : vector<1x16xf32> to vector<16xf32>
        %swap3A_283 = vector.shape_cast %add3A_277 : vector<16xf32> to vector<1x16xf32>
        tpu.vector_store %arg5[%swap3A_279, %swap3A_280], %swap3A_283 {strides = array<i32>} : memref<8x4096xf32, #tpu.memory_space<vmem>>, vector<1x16xf32>,
        %add3A_284 = arith.constant 176 : i32
        %add3A_285 = arith.addi %mul3A_76, %add3A_284 : i32
        %get3A_286 = arith.constant 6 : i32
        %get3A_287 = arith.index_cast %get3A_286 : i32 to index
        %get3A_288 = arith.index_cast %add3A_285 : i32 to index
        %get3A_289 = tpu.vector_load %arg5[%get3A_287, %get3A_288] {strides = array<i32>} : memref<8x4096xf32, #tpu.memory_space<vmem>>, vector<1x16xf32>,
        %get3A_290 = vector.shape_cast %get3A_289 : vector<1x16xf32> to vector<16xf32>
        %get3A_291 = arith.constant 6 : i32
        %get3A_292 = arith.index_cast %get3A_291 : i32 to index
        %get3A_293 = arith.index_cast %add3A_285 : i32 to index
        %get3A_294 = tpu.vector_load %arg6[%get3A_292, %get3A_293] {strides = array<i32>} : memref<8x4096xf32, #tpu.memory_space<vmem>>, vector<1x16xf32>,
        %get3A_295 = vector.shape_cast %get3A_294 : vector<1x16xf32> to vector<16xf32>
        %add3A_296 = arith.addf %get3A_290, %get3A_295 : vector<16xf32>
        %swap3A_297 = arith.constant 6 : i32
        %swap3A_298 = arith.index_cast %swap3A_297 : i32 to index
        %swap3A_299 = arith.index_cast %add3A_285 : i32 to index
        %swap3A_300 = tpu.vector_load %arg5[%swap3A_298, %swap3A_299] {strides = array<i32>} : memref<8x4096xf32, #tpu.memory_space<vmem>>, vector<1x16xf32>,
        %swap3A_301 = vector.shape_cast %swap3A_300 : vector<1x16xf32> to vector<16xf32>
        %swap3A_302 = vector.shape_cast %add3A_296 : vector<16xf32> to vector<1x16xf32>
        tpu.vector_store %arg5[%swap3A_298, %swap3A_299], %swap3A_302 {strides = array<i32>} : memref<8x4096xf32, #tpu.memory_space<vmem>>, vector<1x16xf32>,
        %add3A_303 = arith.constant 192 : i32
        %add3A_304 = arith.addi %mul3A_76, %add3A_303 : i32
        %get3A_305 = arith.constant 6 : i32
        %get3A_306 = arith.index_cast %get3A_305 : i32 to index
        %get3A_307 = arith.index_cast %add3A_304 : i32 to index
        %get3A_308 = tpu.vector_load %arg5[%get3A_306, %get3A_307] {strides = array<i32>} : memref<8x4096xf32, #tpu.memory_space<vmem>>, vector<1x16xf32>,
        %get3A_309 = vector.shape_cast %get3A_308 : vector<1x16xf32> to vector<16xf32>
        %get3A_310 = arith.constant 6 : i32
        %get3A_311 = arith.index_cast %get3A_310 : i32 to index
        %get3A_312 = arith.index_cast %add3A_304 : i32 to index
        %get3A_313 = tpu.vector_load %arg6[%get3A_311, %get3A_312] {strides = array<i32>} : memref<8x4096xf32, #tpu.memory_space<vmem>>, vector<1x16xf32>,
        %get3A_314 = vector.shape_cast %get3A_313 : vector<1x16xf32> to vector<16xf32>
        %add3A_315 = arith.addf %get3A_309, %get3A_314 : vector<16xf32>
        %swap3A_316 = arith.constant 6 : i32
        %swap3A_317 = arith.index_cast %swap3A_316 : i32 to index
        %swap3A_318 = arith.index_cast %add3A_304 : i32 to index
        %swap3A_319 = tpu.vector_load %arg5[%swap3A_317, %swap3A_318] {strides = array<i32>} : memref<8x4096xf32, #tpu.memory_space<vmem>>, vector<1x16xf32>,
        %swap3A_320 = vector.shape_cast %swap3A_319 : vector<1x16xf32> to vector<16xf32>
        %swap3A_321 = vector.shape_cast %add3A_315 : vector<16xf32> to vector<1x16xf32>
        tpu.vector_store %arg5[%swap3A_317, %swap3A_318], %swap3A_321 {strides = array<i32>} : memref<8x4096xf32, #tpu.memory_space<vmem>>, vector<1x16xf32>,
        %add3A_322 = arith.constant 208 : i32
        %add3A_323 = arith.addi %mul3A_76, %add3A_322 : i32
        %get3A_324 = arith.constant 6 : i32
        %get3A_325 = arith.index_cast %get3A_324 : i32 to index
        %get3A_326 = arith.index_cast %add3A_323 : i32 to index
        %get3A_327 = tpu.vector_load %arg5[%get3A_325, %get3A_326] {strides = array<i32>} : memref<8x4096xf32, #tpu.memory_space<vmem>>, vector<1x16xf32>,
        %get3A_328 = vector.shape_cast %get3A_327 : vector<1x16xf32> to vector<16xf32>
        %get3A_329 = arith.constant 6 : i32
        %get3A_330 = arith.index_cast %get3A_329 : i32 to index
        %get3A_331 = arith.index_cast %add3A_323 : i32 to index
        %get3A_332 = tpu.vector_load %arg6[%get3A_330, %get3A_331] {strides = array<i32>} : memref<8x4096xf32, #tpu.memory_space<vmem>>, vector<1x16xf32>,
        %get3A_333 = vector.shape_cast %get3A_332 : vector<1x16xf32> to vector<16xf32>
        %add3A_334 = arith.addf %get3A_328, %get3A_333 : vector<16xf32>
        %swap3A_335 = arith.constant 6 : i32
        %swap3A_336 = arith.index_cast %swap3A_335 : i32 to index
        %swap3A_337 = arith.index_cast %add3A_323 : i32 to index
        %swap3A_338 = tpu.vector_load %arg5[%swap3A_336, %swap3A_337] {strides = array<i32>} : memref<8x4096xf32, #tpu.memory_space<vmem>>, vector<1x16xf32>,
        %swap3A_339 = vector.shape_cast %swap3A_338 : vector<1x16xf32> to vector<16xf32>
        %swap3A_340 = vector.shape_cast %add3A_334 : vector<16xf32> to vector<1x16xf32>
        tpu.vector_store %arg5[%swap3A_336, %swap3A_337], %swap3A_340 {strides = array<i32>} : memref<8x4096xf32, #tpu.memory_space<vmem>>, vector<1x16xf32>,
        %add3A_341 = arith.constant 224 : i32
        %add3A_342 = arith.addi %mul3A_76, %add3A_341 : i32
        %get3A_343 = arith.constant 6 : i32
        %get3A_344 = arith.index_cast %get3A_343 : i32 to index
        %get3A_345 = arith.index_cast %add3A_342 : i32 to index
        %get3A_346 = tpu.vector_load %arg5[%get3A_344, %get3A_345] {strides = array<i32>} : memref<8x4096xf32, #tpu.memory_space<vmem>>, vector<1x16xf32>,
        %get3A_347 = vector.shape_cast %get3A_346 : vector<1x16xf32> to vector<16xf32>
        %get3A_348 = arith.constant 6 : i32
        %get3A_349 = arith.index_cast %get3A_348 : i32 to index
        %get3A_350 = arith.index_cast %add3A_342 : i32 to index
        %get3A_351 = tpu.vector_load %arg6[%get3A_349, %get3A_350] {strides = array<i32>} : memref<8x4096xf32, #tpu.memory_space<vmem>>, vector<1x16xf32>,
        %get3A_352 = vector.shape_cast %get3A_351 : vector<1x16xf32> to vector<16xf32>
        %add3A_353 = arith.addf %get3A_347, %get3A_352 : vector<16xf32>
        %swap3A_354 = arith.constant 6 : i32
        %swap3A_355 = arith.index_cast %swap3A_354 : i32 to index
        %swap3A_356 = arith.index_cast %add3A_342 : i32 to index
        %swap3A_357 = tpu.vector_load %arg5[%swap3A_355, %swap3A_356] {strides = array<i32>} : memref<8x4096xf32, #tpu.memory_space<vmem>>, vector<1x16xf32>,
        %swap3A_358 = vector.shape_cast %swap3A_357 : vector<1x16xf32> to vector<16xf32>
        %swap3A_359 = vector.shape_cast %add3A_353 : vector<16xf32> to vector<1x16xf32>
        tpu.vector_store %arg5[%swap3A_355, %swap3A_356], %swap3A_359 {strides = array<i32>} : memref<8x4096xf32, #tpu.memory_space<vmem>>, vector<1x16xf32>,
        %add3A_360 = arith.constant 240 : i32
        %add3A_361 = arith.addi %mul3A_76, %add3A_360 : i32
        %get3A_362 = arith.constant 6 : i32
        %get3A_363 = arith.index_cast %get3A_362 : i32 to index
        %get3A_364 = arith.index_cast %add3A_361 : i32 to index
        %get3A_365 = tpu.vector_load %arg5[%get3A_363, %get3A_364] {strides = array<i32>} : memref<8x4096xf32, #tpu.memory_space<vmem>>, vector<1x16xf32>,
        %get3A_366 = vector.shape_cast %get3A_365 : vector<1x16xf32> to vector<16xf32>
        %get3A_367 = arith.constant 6 : i32
        %get3A_368 = arith.index_cast %get3A_367 : i32 to index
        %get3A_369 = arith.index_cast %add3A_361 : i32 to index
        %get3A_370 = tpu.vector_load %arg6[%get3A_368, %get3A_369] {strides = array<i32>} : memref<8x4096xf32, #tpu.memory_space<vmem>>, vector<1x16xf32>,
        %get3A_371 = vector.shape_cast %get3A_370 : vector<1x16xf32> to vector<16xf32>
        %add3A_372 = arith.addf %get3A_366, %get3A_371 : vector<16xf32>
        %swap3A_373 = arith.constant 6 : i32
        %swap3A_374 = arith.index_cast %swap3A_373 : i32 to index
        %swap3A_375 = arith.index_cast %add3A_361 : i32 to index
        %swap3A_376 = tpu.vector_load %arg5[%swap3A_374, %swap3A_375] {strides = array<i32>} : memref<8x4096xf32, #tpu.memory_space<vmem>>, vector<1x16xf32>,
        %swap3A_377 = vector.shape_cast %swap3A_376 : vector<1x16xf32> to vector<16xf32>
        %swap3A_378 = vector.shape_cast %add3A_372 : vector<16xf32> to vector<1x16xf32>
        tpu.vector_store %arg5[%swap3A_374, %swap3A_375], %swap3A_378 {strides = array<i32>} : memref<8x4096xf32, #tpu.memory_space<vmem>>, vector<1x16xf32>,
      }
      %scan3A_67 = arith.constant 16 : i32
      %scan3A_68 = arith.constant 0 : i32
      %scan3A_69 = arith.constant 0 : i32
      %scan3A_70 = arith.constant 16 : i32
      %scan3A_71 = arith.addi %scan3A_69, %scan3A_70 : i32
      %scan3A_72 = arith.constant 1 : i32
      scf.for %scan3A_74 = %scan3A_69 to %scan3A_71 step %scan3A_72  : i32 {
        %mul3A_75 = arith.constant 256 : i32
        %mul3A_76 = arith.muli %scan3A_74, %mul3A_75 : i32
        %add3A_77 = arith.constant 0 : i32
        %add3A_78 = arith.addi %mul3A_76, %add3A_77 : i32
        %get3A = arith.constant 7 : i32
        %get3A_79 = arith.index_cast %get3A : i32 to index
        %get3A_80 = arith.index_cast %add3A_78 : i32 to index
        %get3A_81 = tpu.vector_load %arg5[%get3A_79, %get3A_80] {strides = array<i32>} : memref<8x4096xf32, #tpu.memory_space<vmem>>, vector<1x16xf32>,
        %get3A_82 = vector.shape_cast %get3A_81 : vector<1x16xf32> to vector<16xf32>
        %get3A_83 = arith.constant 7 : i32
        %get3A_84 = arith.index_cast %get3A_83 : i32 to index
        %get3A_85 = arith.index_cast %add3A_78 : i32 to index
        %get3A_86 = tpu.vector_load %arg6[%get3A_84, %get3A_85] {strides = array<i32>} : memref<8x4096xf32, #tpu.memory_space<vmem>>, vector<1x16xf32>,
        %get3A_87 = vector.shape_cast %get3A_86 : vector<1x16xf32> to vector<16xf32>
        %add3A_88 = arith.addf %get3A_82, %get3A_87 : vector<16xf32>
        %swap3A = arith.constant 7 : i32
        %swap3A_89 = arith.index_cast %swap3A : i32 to index
        %swap3A_90 = arith.index_cast %add3A_78 : i32 to index
        %swap3A_91 = tpu.vector_load %arg5[%swap3A_89, %swap3A_90] {strides = array<i32>} : memref<8x4096xf32, #tpu.memory_space<vmem>>, vector<1x16xf32>,
        %swap3A_92 = vector.shape_cast %swap3A_91 : vector<1x16xf32> to vector<16xf32>
        %swap3A_93 = vector.shape_cast %add3A_88 : vector<16xf32> to vector<1x16xf32>
        tpu.vector_store %arg5[%swap3A_89, %swap3A_90], %swap3A_93 {strides = array<i32>} : memref<8x4096xf32, #tpu.memory_space<vmem>>, vector<1x16xf32>,
        %add3A_94 = arith.constant 16 : i32
        %add3A_95 = arith.addi %mul3A_76, %add3A_94 : i32
        %get3A_96 = arith.constant 7 : i32
        %get3A_97 = arith.index_cast %get3A_96 : i32 to index
        %get3A_98 = arith.index_cast %add3A_95 : i32 to index
        %get3A_99 = tpu.vector_load %arg5[%get3A_97, %get3A_98] {strides = array<i32>} : memref<8x4096xf32, #tpu.memory_space<vmem>>, vector<1x16xf32>,
        %get3A_100 = vector.shape_cast %get3A_99 : vector<1x16xf32> to vector<16xf32>
        %get3A_101 = arith.constant 7 : i32
        %get3A_102 = arith.index_cast %get3A_101 : i32 to index
        %get3A_103 = arith.index_cast %add3A_95 : i32 to index
        %get3A_104 = tpu.vector_load %arg6[%get3A_102, %get3A_103] {strides = array<i32>} : memref<8x4096xf32, #tpu.memory_space<vmem>>, vector<1x16xf32>,
        %get3A_105 = vector.shape_cast %get3A_104 : vector<1x16xf32> to vector<16xf32>
        %add3A_106 = arith.addf %get3A_100, %get3A_105 : vector<16xf32>
        %swap3A_107 = arith.constant 7 : i32
        %swap3A_108 = arith.index_cast %swap3A_107 : i32 to index
        %swap3A_109 = arith.index_cast %add3A_95 : i32 to index
        %swap3A_110 = tpu.vector_load %arg5[%swap3A_108, %swap3A_109] {strides = array<i32>} : memref<8x4096xf32, #tpu.memory_space<vmem>>, vector<1x16xf32>,
        %swap3A_111 = vector.shape_cast %swap3A_110 : vector<1x16xf32> to vector<16xf32>
        %swap3A_112 = vector.shape_cast %add3A_106 : vector<16xf32> to vector<1x16xf32>
        tpu.vector_store %arg5[%swap3A_108, %swap3A_109], %swap3A_112 {strides = array<i32>} : memref<8x4096xf32, #tpu.memory_space<vmem>>, vector<1x16xf32>,
        %add3A_113 = arith.constant 32 : i32
        %add3A_114 = arith.addi %mul3A_76, %add3A_113 : i32
        %get3A_115 = arith.constant 7 : i32
        %get3A_116 = arith.index_cast %get3A_115 : i32 to index
        %get3A_117 = arith.index_cast %add3A_114 : i32 to index
        %get3A_118 = tpu.vector_load %arg5[%get3A_116, %get3A_117] {strides = array<i32>} : memref<8x4096xf32, #tpu.memory_space<vmem>>, vector<1x16xf32>,
        %get3A_119 = vector.shape_cast %get3A_118 : vector<1x16xf32> to vector<16xf32>
        %get3A_120 = arith.constant 7 : i32
        %get3A_121 = arith.index_cast %get3A_120 : i32 to index
        %get3A_122 = arith.index_cast %add3A_114 : i32 to index
        %get3A_123 = tpu.vector_load %arg6[%get3A_121, %get3A_122] {strides = array<i32>} : memref<8x4096xf32, #tpu.memory_space<vmem>>, vector<1x16xf32>,
        %get3A_124 = vector.shape_cast %get3A_123 : vector<1x16xf32> to vector<16xf32>
        %add3A_125 = arith.addf %get3A_119, %get3A_124 : vector<16xf32>
        %swap3A_126 = arith.constant 7 : i32
        %swap3A_127 = arith.index_cast %swap3A_126 : i32 to index
        %swap3A_128 = arith.index_cast %add3A_114 : i32 to index
        %swap3A_129 = tpu.vector_load %arg5[%swap3A_127, %swap3A_128] {strides = array<i32>} : memref<8x4096xf32, #tpu.memory_space<vmem>>, vector<1x16xf32>,
        %swap3A_130 = vector.shape_cast %swap3A_129 : vector<1x16xf32> to vector<16xf32>
        %swap3A_131 = vector.shape_cast %add3A_125 : vector<16xf32> to vector<1x16xf32>
        tpu.vector_store %arg5[%swap3A_127, %swap3A_128], %swap3A_131 {strides = array<i32>} : memref<8x4096xf32, #tpu.memory_space<vmem>>, vector<1x16xf32>,
        %add3A_132 = arith.constant 48 : i32
        %add3A_133 = arith.addi %mul3A_76, %add3A_132 : i32
        %get3A_134 = arith.constant 7 : i32
        %get3A_135 = arith.index_cast %get3A_134 : i32 to index
        %get3A_136 = arith.index_cast %add3A_133 : i32 to index
        %get3A_137 = tpu.vector_load %arg5[%get3A_135, %get3A_136] {strides = array<i32>} : memref<8x4096xf32, #tpu.memory_space<vmem>>, vector<1x16xf32>,
        %get3A_138 = vector.shape_cast %get3A_137 : vector<1x16xf32> to vector<16xf32>
        %get3A_139 = arith.constant 7 : i32
        %get3A_140 = arith.index_cast %get3A_139 : i32 to index
        %get3A_141 = arith.index_cast %add3A_133 : i32 to index
        %get3A_142 = tpu.vector_load %arg6[%get3A_140, %get3A_141] {strides = array<i32>} : memref<8x4096xf32, #tpu.memory_space<vmem>>, vector<1x16xf32>,
        %get3A_143 = vector.shape_cast %get3A_142 : vector<1x16xf32> to vector<16xf32>
        %add3A_144 = arith.addf %get3A_138, %get3A_143 : vector<16xf32>
        %swap3A_145 = arith.constant 7 : i32
        %swap3A_146 = arith.index_cast %swap3A_145 : i32 to index
        %swap3A_147 = arith.index_cast %add3A_133 : i32 to index
        %swap3A_148 = tpu.vector_load %arg5[%swap3A_146, %swap3A_147] {strides = array<i32>} : memref<8x4096xf32, #tpu.memory_space<vmem>>, vector<1x16xf32>,
        %swap3A_149 = vector.shape_cast %swap3A_148 : vector<1x16xf32> to vector<16xf32>
        %swap3A_150 = vector.shape_cast %add3A_144 : vector<16xf32> to vector<1x16xf32>
        tpu.vector_store %arg5[%swap3A_146, %swap3A_147], %swap3A_150 {strides = array<i32>} : memref<8x4096xf32, #tpu.memory_space<vmem>>, vector<1x16xf32>,
        %add3A_151 = arith.constant 64 : i32
        %add3A_152 = arith.addi %mul3A_76, %add3A_151 : i32
        %get3A_153 = arith.constant 7 : i32
        %get3A_154 = arith.index_cast %get3A_153 : i32 to index
        %get3A_155 = arith.index_cast %add3A_152 : i32 to index
        %get3A_156 = tpu.vector_load %arg5[%get3A_154, %get3A_155] {strides = array<i32>} : memref<8x4096xf32, #tpu.memory_space<vmem>>, vector<1x16xf32>,
        %get3A_157 = vector.shape_cast %get3A_156 : vector<1x16xf32> to vector<16xf32>
        %get3A_158 = arith.constant 7 : i32
        %get3A_159 = arith.index_cast %get3A_158 : i32 to index
        %get3A_160 = arith.index_cast %add3A_152 : i32 to index
        %get3A_161 = tpu.vector_load %arg6[%get3A_159, %get3A_160] {strides = array<i32>} : memref<8x4096xf32, #tpu.memory_space<vmem>>, vector<1x16xf32>,
        %get3A_162 = vector.shape_cast %get3A_161 : vector<1x16xf32> to vector<16xf32>
        %add3A_163 = arith.addf %get3A_157, %get3A_162 : vector<16xf32>
        %swap3A_164 = arith.constant 7 : i32
        %swap3A_165 = arith.index_cast %swap3A_164 : i32 to index
        %swap3A_166 = arith.index_cast %add3A_152 : i32 to index
        %swap3A_167 = tpu.vector_load %arg5[%swap3A_165, %swap3A_166] {strides = array<i32>} : memref<8x4096xf32, #tpu.memory_space<vmem>>, vector<1x16xf32>,
        %swap3A_168 = vector.shape_cast %swap3A_167 : vector<1x16xf32> to vector<16xf32>
        %swap3A_169 = vector.shape_cast %add3A_163 : vector<16xf32> to vector<1x16xf32>
        tpu.vector_store %arg5[%swap3A_165, %swap3A_166], %swap3A_169 {strides = array<i32>} : memref<8x4096xf32, #tpu.memory_space<vmem>>, vector<1x16xf32>,
        %add3A_170 = arith.constant 80 : i32
        %add3A_171 = arith.addi %mul3A_76, %add3A_170 : i32
        %get3A_172 = arith.constant 7 : i32
        %get3A_173 = arith.index_cast %get3A_172 : i32 to index
        %get3A_174 = arith.index_cast %add3A_171 : i32 to index
        %get3A_175 = tpu.vector_load %arg5[%get3A_173, %get3A_174] {strides = array<i32>} : memref<8x4096xf32, #tpu.memory_space<vmem>>, vector<1x16xf32>,
        %get3A_176 = vector.shape_cast %get3A_175 : vector<1x16xf32> to vector<16xf32>
        %get3A_177 = arith.constant 7 : i32
        %get3A_178 = arith.index_cast %get3A_177 : i32 to index
        %get3A_179 = arith.index_cast %add3A_171 : i32 to index
        %get3A_180 = tpu.vector_load %arg6[%get3A_178, %get3A_179] {strides = array<i32>} : memref<8x4096xf32, #tpu.memory_space<vmem>>, vector<1x16xf32>,
        %get3A_181 = vector.shape_cast %get3A_180 : vector<1x16xf32> to vector<16xf32>
        %add3A_182 = arith.addf %get3A_176, %get3A_181 : vector<16xf32>
        %swap3A_183 = arith.constant 7 : i32
        %swap3A_184 = arith.index_cast %swap3A_183 : i32 to index
        %swap3A_185 = arith.index_cast %add3A_171 : i32 to index
        %swap3A_186 = tpu.vector_load %arg5[%swap3A_184, %swap3A_185] {strides = array<i32>} : memref<8x4096xf32, #tpu.memory_space<vmem>>, vector<1x16xf32>,
        %swap3A_187 = vector.shape_cast %swap3A_186 : vector<1x16xf32> to vector<16xf32>
        %swap3A_188 = vector.shape_cast %add3A_182 : vector<16xf32> to vector<1x16xf32>
        tpu.vector_store %arg5[%swap3A_184, %swap3A_185], %swap3A_188 {strides = array<i32>} : memref<8x4096xf32, #tpu.memory_space<vmem>>, vector<1x16xf32>,
        %add3A_189 = arith.constant 96 : i32
        %add3A_190 = arith.addi %mul3A_76, %add3A_189 : i32
        %get3A_191 = arith.constant 7 : i32
        %get3A_192 = arith.index_cast %get3A_191 : i32 to index
        %get3A_193 = arith.index_cast %add3A_190 : i32 to index
        %get3A_194 = tpu.vector_load %arg5[%get3A_192, %get3A_193] {strides = array<i32>} : memref<8x4096xf32, #tpu.memory_space<vmem>>, vector<1x16xf32>,
        %get3A_195 = vector.shape_cast %get3A_194 : vector<1x16xf32> to vector<16xf32>
        %get3A_196 = arith.constant 7 : i32
        %get3A_197 = arith.index_cast %get3A_196 : i32 to index
        %get3A_198 = arith.index_cast %add3A_190 : i32 to index
        %get3A_199 = tpu.vector_load %arg6[%get3A_197, %get3A_198] {strides = array<i32>} : memref<8x4096xf32, #tpu.memory_space<vmem>>, vector<1x16xf32>,
        %get3A_200 = vector.shape_cast %get3A_199 : vector<1x16xf32> to vector<16xf32>
        %add3A_201 = arith.addf %get3A_195, %get3A_200 : vector<16xf32>
        %swap3A_202 = arith.constant 7 : i32
        %swap3A_203 = arith.index_cast %swap3A_202 : i32 to index
        %swap3A_204 = arith.index_cast %add3A_190 : i32 to index
        %swap3A_205 = tpu.vector_load %arg5[%swap3A_203, %swap3A_204] {strides = array<i32>} : memref<8x4096xf32, #tpu.memory_space<vmem>>, vector<1x16xf32>,
        %swap3A_206 = vector.shape_cast %swap3A_205 : vector<1x16xf32> to vector<16xf32>
        %swap3A_207 = vector.shape_cast %add3A_201 : vector<16xf32> to vector<1x16xf32>
        tpu.vector_store %arg5[%swap3A_203, %swap3A_204], %swap3A_207 {strides = array<i32>} : memref<8x4096xf32, #tpu.memory_space<vmem>>, vector<1x16xf32>,
        %add3A_208 = arith.constant 112 : i32
        %add3A_209 = arith.addi %mul3A_76, %add3A_208 : i32
        %get3A_210 = arith.constant 7 : i32
        %get3A_211 = arith.index_cast %get3A_210 : i32 to index
        %get3A_212 = arith.index_cast %add3A_209 : i32 to index
        %get3A_213 = tpu.vector_load %arg5[%get3A_211, %get3A_212] {strides = array<i32>} : memref<8x4096xf32, #tpu.memory_space<vmem>>, vector<1x16xf32>,
        %get3A_214 = vector.shape_cast %get3A_213 : vector<1x16xf32> to vector<16xf32>
        %get3A_215 = arith.constant 7 : i32
        %get3A_216 = arith.index_cast %get3A_215 : i32 to index
        %get3A_217 = arith.index_cast %add3A_209 : i32 to index
        %get3A_218 = tpu.vector_load %arg6[%get3A_216, %get3A_217] {strides = array<i32>} : memref<8x4096xf32, #tpu.memory_space<vmem>>, vector<1x16xf32>,
        %get3A_219 = vector.shape_cast %get3A_218 : vector<1x16xf32> to vector<16xf32>
        %add3A_220 = arith.addf %get3A_214, %get3A_219 : vector<16xf32>
        %swap3A_221 = arith.constant 7 : i32
        %swap3A_222 = arith.index_cast %swap3A_221 : i32 to index
        %swap3A_223 = arith.index_cast %add3A_209 : i32 to index
        %swap3A_224 = tpu.vector_load %arg5[%swap3A_222, %swap3A_223] {strides = array<i32>} : memref<8x4096xf32, #tpu.memory_space<vmem>>, vector<1x16xf32>,
        %swap3A_225 = vector.shape_cast %swap3A_224 : vector<1x16xf32> to vector<16xf32>
        %swap3A_226 = vector.shape_cast %add3A_220 : vector<16xf32> to vector<1x16xf32>
        tpu.vector_store %arg5[%swap3A_222, %swap3A_223], %swap3A_226 {strides = array<i32>} : memref<8x4096xf32, #tpu.memory_space<vmem>>, vector<1x16xf32>,
        %add3A_227 = arith.constant 128 : i32
        %add3A_228 = arith.addi %mul3A_76, %add3A_227 : i32
        %get3A_229 = arith.constant 7 : i32
        %get3A_230 = arith.index_cast %get3A_229 : i32 to index
        %get3A_231 = arith.index_cast %add3A_228 : i32 to index
        %get3A_232 = tpu.vector_load %arg5[%get3A_230, %get3A_231] {strides = array<i32>} : memref<8x4096xf32, #tpu.memory_space<vmem>>, vector<1x16xf32>,
        %get3A_233 = vector.shape_cast %get3A_232 : vector<1x16xf32> to vector<16xf32>
        %get3A_234 = arith.constant 7 : i32
        %get3A_235 = arith.index_cast %get3A_234 : i32 to index
        %get3A_236 = arith.index_cast %add3A_228 : i32 to index
        %get3A_237 = tpu.vector_load %arg6[%get3A_235, %get3A_236] {strides = array<i32>} : memref<8x4096xf32, #tpu.memory_space<vmem>>, vector<1x16xf32>,
        %get3A_238 = vector.shape_cast %get3A_237 : vector<1x16xf32> to vector<16xf32>
        %add3A_239 = arith.addf %get3A_233, %get3A_238 : vector<16xf32>
        %swap3A_240 = arith.constant 7 : i32
        %swap3A_241 = arith.index_cast %swap3A_240 : i32 to index
        %swap3A_242 = arith.index_cast %add3A_228 : i32 to index
        %swap3A_243 = tpu.vector_load %arg5[%swap3A_241, %swap3A_242] {strides = array<i32>} : memref<8x4096xf32, #tpu.memory_space<vmem>>, vector<1x16xf32>,
        %swap3A_244 = vector.shape_cast %swap3A_243 : vector<1x16xf32> to vector<16xf32>
        %swap3A_245 = vector.shape_cast %add3A_239 : vector<16xf32> to vector<1x16xf32>
        tpu.vector_store %arg5[%swap3A_241, %swap3A_242], %swap3A_245 {strides = array<i32>} : memref<8x4096xf32, #tpu.memory_space<vmem>>, vector<1x16xf32>,
        %add3A_246 = arith.constant 144 : i32
        %add3A_247 = arith.addi %mul3A_76, %add3A_246 : i32
        %get3A_248 = arith.constant 7 : i32
        %get3A_249 = arith.index_cast %get3A_248 : i32 to index
        %get3A_250 = arith.index_cast %add3A_247 : i32 to index
        %get3A_251 = tpu.vector_load %arg5[%get3A_249, %get3A_250] {strides = array<i32>} : memref<8x4096xf32, #tpu.memory_space<vmem>>, vector<1x16xf32>,
        %get3A_252 = vector.shape_cast %get3A_251 : vector<1x16xf32> to vector<16xf32>
        %get3A_253 = arith.constant 7 : i32
        %get3A_254 = arith.index_cast %get3A_253 : i32 to index
        %get3A_255 = arith.index_cast %add3A_247 : i32 to index
        %get3A_256 = tpu.vector_load %arg6[%get3A_254, %get3A_255] {strides = array<i32>} : memref<8x4096xf32, #tpu.memory_space<vmem>>, vector<1x16xf32>,
        %get3A_257 = vector.shape_cast %get3A_256 : vector<1x16xf32> to vector<16xf32>
        %add3A_258 = arith.addf %get3A_252, %get3A_257 : vector<16xf32>
        %swap3A_259 = arith.constant 7 : i32
        %swap3A_260 = arith.index_cast %swap3A_259 : i32 to index
        %swap3A_261 = arith.index_cast %add3A_247 : i32 to index
        %swap3A_262 = tpu.vector_load %arg5[%swap3A_260, %swap3A_261] {strides = array<i32>} : memref<8x4096xf32, #tpu.memory_space<vmem>>, vector<1x16xf32>,
        %swap3A_263 = vector.shape_cast %swap3A_262 : vector<1x16xf32> to vector<16xf32>
        %swap3A_264 = vector.shape_cast %add3A_258 : vector<16xf32> to vector<1x16xf32>
        tpu.vector_store %arg5[%swap3A_260, %swap3A_261], %swap3A_264 {strides = array<i32>} : memref<8x4096xf32, #tpu.memory_space<vmem>>, vector<1x16xf32>,
        %add3A_265 = arith.constant 160 : i32
        %add3A_266 = arith.addi %mul3A_76, %add3A_265 : i32
        %get3A_267 = arith.constant 7 : i32
        %get3A_268 = arith.index_cast %get3A_267 : i32 to index
        %get3A_269 = arith.index_cast %add3A_266 : i32 to index
        %get3A_270 = tpu.vector_load %arg5[%get3A_268, %get3A_269] {strides = array<i32>} : memref<8x4096xf32, #tpu.memory_space<vmem>>, vector<1x16xf32>,
        %get3A_271 = vector.shape_cast %get3A_270 : vector<1x16xf32> to vector<16xf32>
        %get3A_272 = arith.constant 7 : i32
        %get3A_273 = arith.index_cast %get3A_272 : i32 to index
        %get3A_274 = arith.index_cast %add3A_266 : i32 to index
        %get3A_275 = tpu.vector_load %arg6[%get3A_273, %get3A_274] {strides = array<i32>} : memref<8x4096xf32, #tpu.memory_space<vmem>>, vector<1x16xf32>,
        %get3A_276 = vector.shape_cast %get3A_275 : vector<1x16xf32> to vector<16xf32>
        %add3A_277 = arith.addf %get3A_271, %get3A_276 : vector<16xf32>
        %swap3A_278 = arith.constant 7 : i32
        %swap3A_279 = arith.index_cast %swap3A_278 : i32 to index
        %swap3A_280 = arith.index_cast %add3A_266 : i32 to index
        %swap3A_281 = tpu.vector_load %arg5[%swap3A_279, %swap3A_280] {strides = array<i32>} : memref<8x4096xf32, #tpu.memory_space<vmem>>, vector<1x16xf32>,
        %swap3A_282 = vector.shape_cast %swap3A_281 : vector<1x16xf32> to vector<16xf32>
        %swap3A_283 = vector.shape_cast %add3A_277 : vector<16xf32> to vector<1x16xf32>
        tpu.vector_store %arg5[%swap3A_279, %swap3A_280], %swap3A_283 {strides = array<i32>} : memref<8x4096xf32, #tpu.memory_space<vmem>>, vector<1x16xf32>,
        %add3A_284 = arith.constant 176 : i32
        %add3A_285 = arith.addi %mul3A_76, %add3A_284 : i32
        %get3A_286 = arith.constant 7 : i32
        %get3A_287 = arith.index_cast %get3A_286 : i32 to index
        %get3A_288 = arith.index_cast %add3A_285 : i32 to index
        %get3A_289 = tpu.vector_load %arg5[%get3A_287, %get3A_288] {strides = array<i32>} : memref<8x4096xf32, #tpu.memory_space<vmem>>, vector<1x16xf32>,
        %get3A_290 = vector.shape_cast %get3A_289 : vector<1x16xf32> to vector<16xf32>
        %get3A_291 = arith.constant 7 : i32
        %get3A_292 = arith.index_cast %get3A_291 : i32 to index
        %get3A_293 = arith.index_cast %add3A_285 : i32 to index
        %get3A_294 = tpu.vector_load %arg6[%get3A_292, %get3A_293] {strides = array<i32>} : memref<8x4096xf32, #tpu.memory_space<vmem>>, vector<1x16xf32>,
        %get3A_295 = vector.shape_cast %get3A_294 : vector<1x16xf32> to vector<16xf32>
        %add3A_296 = arith.addf %get3A_290, %get3A_295 : vector<16xf32>
        %swap3A_297 = arith.constant 7 : i32
        %swap3A_298 = arith.index_cast %swap3A_297 : i32 to index
        %swap3A_299 = arith.index_cast %add3A_285 : i32 to index
        %swap3A_300 = tpu.vector_load %arg5[%swap3A_298, %swap3A_299] {strides = array<i32>} : memref<8x4096xf32, #tpu.memory_space<vmem>>, vector<1x16xf32>,
        %swap3A_301 = vector.shape_cast %swap3A_300 : vector<1x16xf32> to vector<16xf32>
        %swap3A_302 = vector.shape_cast %add3A_296 : vector<16xf32> to vector<1x16xf32>
        tpu.vector_store %arg5[%swap3A_298, %swap3A_299], %swap3A_302 {strides = array<i32>} : memref<8x4096xf32, #tpu.memory_space<vmem>>, vector<1x16xf32>,
        %add3A_303 = arith.constant 192 : i32
        %add3A_304 = arith.addi %mul3A_76, %add3A_303 : i32
        %get3A_305 = arith.constant 7 : i32
        %get3A_306 = arith.index_cast %get3A_305 : i32 to index
        %get3A_307 = arith.index_cast %add3A_304 : i32 to index
        %get3A_308 = tpu.vector_load %arg5[%get3A_306, %get3A_307] {strides = array<i32>} : memref<8x4096xf32, #tpu.memory_space<vmem>>, vector<1x16xf32>,
        %get3A_309 = vector.shape_cast %get3A_308 : vector<1x16xf32> to vector<16xf32>
        %get3A_310 = arith.constant 7 : i32
        %get3A_311 = arith.index_cast %get3A_310 : i32 to index
        %get3A_312 = arith.index_cast %add3A_304 : i32 to index
        %get3A_313 = tpu.vector_load %arg6[%get3A_311, %get3A_312] {strides = array<i32>} : memref<8x4096xf32, #tpu.memory_space<vmem>>, vector<1x16xf32>,
        %get3A_314 = vector.shape_cast %get3A_313 : vector<1x16xf32> to vector<16xf32>
        %add3A_315 = arith.addf %get3A_309, %get3A_314 : vector<16xf32>
        %swap3A_316 = arith.constant 7 : i32
        %swap3A_317 = arith.index_cast %swap3A_316 : i32 to index
        %swap3A_318 = arith.index_cast %add3A_304 : i32 to index
        %swap3A_319 = tpu.vector_load %arg5[%swap3A_317, %swap3A_318] {strides = array<i32>} : memref<8x4096xf32, #tpu.memory_space<vmem>>, vector<1x16xf32>,
        %swap3A_320 = vector.shape_cast %swap3A_319 : vector<1x16xf32> to vector<16xf32>
        %swap3A_321 = vector.shape_cast %add3A_315 : vector<16xf32> to vector<1x16xf32>
        tpu.vector_store %arg5[%swap3A_317, %swap3A_318], %swap3A_321 {strides = array<i32>} : memref<8x4096xf32, #tpu.memory_space<vmem>>, vector<1x16xf32>,
        %add3A_322 = arith.constant 208 : i32
        %add3A_323 = arith.addi %mul3A_76, %add3A_322 : i32
        %get3A_324 = arith.constant 7 : i32
        %get3A_325 = arith.index_cast %get3A_324 : i32 to index
        %get3A_326 = arith.index_cast %add3A_323 : i32 to index
        %get3A_327 = tpu.vector_load %arg5[%get3A_325, %get3A_326] {strides = array<i32>} : memref<8x4096xf32, #tpu.memory_space<vmem>>, vector<1x16xf32>,
        %get3A_328 = vector.shape_cast %get3A_327 : vector<1x16xf32> to vector<16xf32>
        %get3A_329 = arith.constant 7 : i32
        %get3A_330 = arith.index_cast %get3A_329 : i32 to index
        %get3A_331 = arith.index_cast %add3A_323 : i32 to index
        %get3A_332 = tpu.vector_load %arg6[%get3A_330, %get3A_331] {strides = array<i32>} : memref<8x4096xf32, #tpu.memory_space<vmem>>, vector<1x16xf32>,
        %get3A_333 = vector.shape_cast %get3A_332 : vector<1x16xf32> to vector<16xf32>
        %add3A_334 = arith.addf %get3A_328, %get3A_333 : vector<16xf32>
        %swap3A_335 = arith.constant 7 : i32
        %swap3A_336 = arith.index_cast %swap3A_335 : i32 to index
        %swap3A_337 = arith.index_cast %add3A_323 : i32 to index
        %swap3A_338 = tpu.vector_load %arg5[%swap3A_336, %swap3A_337] {strides = array<i32>} : memref<8x4096xf32, #tpu.memory_space<vmem>>, vector<1x16xf32>,
        %swap3A_339 = vector.shape_cast %swap3A_338 : vector<1x16xf32> to vector<16xf32>
        %swap3A_340 = vector.shape_cast %add3A_334 : vector<16xf32> to vector<1x16xf32>
        tpu.vector_store %arg5[%swap3A_336, %swap3A_337], %swap3A_340 {strides = array<i32>} : memref<8x4096xf32, #tpu.memory_space<vmem>>, vector<1x16xf32>,
        %add3A_341 = arith.constant 224 : i32
        %add3A_342 = arith.addi %mul3A_76, %add3A_341 : i32
        %get3A_343 = arith.constant 7 : i32
        %get3A_344 = arith.index_cast %get3A_343 : i32 to index
        %get3A_345 = arith.index_cast %add3A_342 : i32 to index
        %get3A_346 = tpu.vector_load %arg5[%get3A_344, %get3A_345] {strides = array<i32>} : memref<8x4096xf32, #tpu.memory_space<vmem>>, vector<1x16xf32>,
        %get3A_347 = vector.shape_cast %get3A_346 : vector<1x16xf32> to vector<16xf32>
        %get3A_348 = arith.constant 7 : i32
        %get3A_349 = arith.index_cast %get3A_348 : i32 to index
        %get3A_350 = arith.index_cast %add3A_342 : i32 to index
        %get3A_351 = tpu.vector_load %arg6[%get3A_349, %get3A_350] {strides = array<i32>} : memref<8x4096xf32, #tpu.memory_space<vmem>>, vector<1x16xf32>,
        %get3A_352 = vector.shape_cast %get3A_351 : vector<1x16xf32> to vector<16xf32>
        %add3A_353 = arith.addf %get3A_347, %get3A_352 : vector<16xf32>
        %swap3A_354 = arith.constant 7 : i32
        %swap3A_355 = arith.index_cast %swap3A_354 : i32 to index
        %swap3A_356 = arith.index_cast %add3A_342 : i32 to index
        %swap3A_357 = tpu.vector_load %arg5[%swap3A_355, %swap3A_356] {strides = array<i32>} : memref<8x4096xf32, #tpu.memory_space<vmem>>, vector<1x16xf32>,
        %swap3A_358 = vector.shape_cast %swap3A_357 : vector<1x16xf32> to vector<16xf32>
        %swap3A_359 = vector.shape_cast %add3A_353 : vector<16xf32> to vector<1x16xf32>
        tpu.vector_store %arg5[%swap3A_355, %swap3A_356], %swap3A_359 {strides = array<i32>} : memref<8x4096xf32, #tpu.memory_space<vmem>>, vector<1x16xf32>,
        %add3A_360 = arith.constant 240 : i32
        %add3A_361 = arith.addi %mul3A_76, %add3A_360 : i32
        %get3A_362 = arith.constant 7 : i32
        %get3A_363 = arith.index_cast %get3A_362 : i32 to index
        %get3A_364 = arith.index_cast %add3A_361 : i32 to index
        %get3A_365 = tpu.vector_load %arg5[%get3A_363, %get3A_364] {strides = array<i32>} : memref<8x4096xf32, #tpu.memory_space<vmem>>, vector<1x16xf32>,
        %get3A_366 = vector.shape_cast %get3A_365 : vector<1x16xf32> to vector<16xf32>
        %get3A_367 = arith.constant 7 : i32
        %get3A_368 = arith.index_cast %get3A_367 : i32 to index
        %get3A_369 = arith.index_cast %add3A_361 : i32 to index
        %get3A_370 = tpu.vector_load %arg6[%get3A_368, %get3A_369] {strides = array<i32>} : memref<8x4096xf32, #tpu.memory_space<vmem>>, vector<1x16xf32>,
        %get3A_371 = vector.shape_cast %get3A_370 : vector<1x16xf32> to vector<16xf32>
        %add3A_372 = arith.addf %get3A_366, %get3A_371 : vector<16xf32>
        %swap3A_373 = arith.constant 7 : i32
        %swap3A_374 = arith.index_cast %swap3A_373 : i32 to index
        %swap3A_375 = arith.index_cast %add3A_361 : i32 to index
        %swap3A_376 = tpu.vector_load %arg5[%swap3A_374, %swap3A_375] {strides = array<i32>} : memref<8x4096xf32, #tpu.memory_space<vmem>>, vector<1x16xf32>,
        %swap3A_377 = vector.shape_cast %swap3A_376 : vector<1x16xf32> to vector<16xf32>
        %swap3A_378 = vector.shape_cast %add3A_372 : vector<16xf32> to vector<1x16xf32>
        tpu.vector_store %arg5[%swap3A_374, %swap3A_375], %swap3A_378 {strides = array<i32>} : memref<8x4096xf32, #tpu.memory_space<vmem>>, vector<1x16xf32>,
      }
      %scan3A_73 = arith.constant 16 : i32
      "tpu.region"() ({
        %run_scoped3A = tpu.sem_alloc : memref<!tpu.dma_semaphore, #tpu.memory_space<semaphore_mem>>
        %dma_start3A = arith.constant 0 : i32
        %dma_start3A_74 = tpu.memref_slice %arg4[%add3A_22, %dma_start3A] : memref<16384x4096xf32, #tpu.memory_space<hbm>> -> memref<8x4096xf32, #tpu.memory_space<hbm>>
        %dma_start3A_75 = arith.constant 0 : i32
        %dma_start3A_76 = tpu.memref_slice %arg4[%add3A_22, %dma_start3A_75] : memref<16384x4096xf32, #tpu.memory_space<hbm>> -> memref<8x4096xf32, #tpu.memory_space<hbm>>
        tpu.enqueue_dma source(%arg5 : memref<8x4096xf32, #tpu.memory_space<vmem>>) target(%dma_start3A_76 : memref<8x4096xf32, #tpu.memory_space<hbm>>) target_semaphore(%run_scoped3A : memref<!tpu.dma_semaphore, #tpu.memory_space<semaphore_mem>>)
        %dma_wait3A = arith.constant 0 : i32
        %dma_wait3A_77 = tpu.memref_slice %arg4[%add3A_22, %dma_wait3A] : memref<16384x4096xf32, #tpu.memory_space<hbm>> -> memref<8x4096xf32, #tpu.memory_space<hbm>>
        %dma_wait3A_78 = arith.constant 0 : i32
        %dma_wait3A_79 = tpu.memref_slice %arg4[%add3A_22, %dma_wait3A_78] : memref<16384x4096xf32, #tpu.memory_space<hbm>> -> memref<8x4096xf32, #tpu.memory_space<hbm>>
        tpu.wait_dma2 semaphore(%run_scoped3A : memref<!tpu.dma_semaphore, #tpu.memory_space<semaphore_mem>>) src(%arg5 : memref<8x4096xf32, #tpu.memory_space<vmem>>) dst(%dma_wait3A_79 : memref<8x4096xf32, #tpu.memory_space<hbm>>)
        tpu.yield
      }) : () -> ()
    }
    %scan3A_18 = arith.constant 64 : i32
    return
  }
}

</mosaic_0001>

<sc_bundles>
// kernel: _sc_add.3.cloned.1.call-start
scs
__scs_entry_jumppad:
0x0: {  	(pc) =	sbr.rel $0x88, $3  }
0x1: {  	(tag) =	ssettag $0x0;
	lr =	simm.s32 $0x1  }
0x2: {  	[smem:$0x3F9F] =	sst lr;
	_ =	strace $0xD0000000  }
0x3: {  	_ = 	snop  }
0x4: {  	_ = 	snop  }
0x5: {  	_ = 	snop  }
0x6: {  	_ = 	snop  }
0x7: {  	_ = 	snop  }
__scs_overlays_trampoline_lowered:
0x8: {  	[smem:$0x3FAE] =	sst s0  }
0x9: {  	[smem:$0x3FAF] =	sst s1  }
0xa: {  	[smem:$0x3FB0] =	sst s2  }
0xb: {  	[smem:$0x3FB1] =	sst s3  }
0xc: {  	[smem:$0x3FB2] =	sst s4  }
0xd: {  	[smem:$0x3FB3] =	sst s5  }
0xe: {  	[smem:$0x3FB4] =	sst s6  }
0xf: {  	[smem:$0x3FB5] =	sst s7  }
0x10: {  	[smem:$0x3FB6] =	sst s8  }
0x11: {  	[smem:$0x3FB7] =	sst s9;
	s0 =	simm.s32 @!p0 $0x0  }
0x12: {  	s1 =	sld [smem:$0x3F9D];
	s0 =	simm.s32 @p0 $0x1  }
0x13: {  	[smem:$0x3FB8] =	sst s0;
	s0 =	simm.s32 @!p1 $0x0  }
0x14: {  	s2 =	sld [smem:$0x3F9C];
	s0 =	simm.s32 @p1 $0x1  }
0x15: {  	[smem:$0x3FB9] =	sst s0;
	s0 =	simm.s32 @!p2 $0x0  }
0x16: {  	s3 =	sld [smem:$0x3FDB];
	s0 =	simm.s32 @p2 $0x1  }
0x17: {  	s4 =	simm.s32 $0x1BF5;
	[smem:$0x3FBB] =	sst s0  }
0x18: {  	s0 =	sld [smem:$0x3F9E];
	_ =	swait.ge [sflag:s4], $0x0  }
0x19: {  	s7 =	sld [smem:$0x3F9F]  }
0x1a: {  	s8 =	sadd.s32 $0xFFFFE003, lr  }
0x1b: {  	s9 =	sadd.s32 $0xFFFFFEF7, lr;
	s5 =	simm.s32 $0xFFFFFFFF;
	p2 =	slt.u32 s8, $0xFFFFF086  }
0x1c: {  	p1 =	slt.u32 s9, $0xF7A;
	s5 =	simm.s32 @!p2 $0x0  }
0x1d: {  	s5 =	simm.s32 @p1 $0x1;
	p0 =	seq.s32 s7, s2  }
0x1e: {  	s7 =	smul.u32 @!p0 $0xF7A, s2;
	p2 =	seq.s32 @!p0 s5, $0x0  }
0x1f: {  	s9 =	smul.u32 $0xF7A, s1;
	s8 =	simm.s32 @!p0 $0x1BF5;
	p2 =	por !p2, p0  }
0x20: {  	[sflag:s8] =	ssyncset.s32 @!p0 $0xFFFFF086;
	s6 =	sadd.s32 @!p0 s3, s7;
	s7 =	simm.s32 @!p0 $0x108  }
0x21: {  	s3 =	sadd.s32 s3, s9;
	s6 =	sadd.s32 @!p0 $0x88, s6;
	s7 =	simm.s32 @p2 $0x1082  }
0x22: {  	[simem:s7], [sflag:s8] =	dma.local @!p0 [hbm:s6], $0xF7A  }
0x23: {  	s9 =	sor.u32 $0xD0000000, s2;
	s6 =	simm.s32 $0x108;
	_ =	swait.ge @!p0 [sflag:s8], $0x0  }
0x24: {  	s3 =	sadd.s32 $0x88, s3;
	s6 =	simm.s32 @!p1 $0x1082;
	[sflag:s4] =	ssyncset.s32 $0xFFFFF086  }
0x25: {  	[simem:s6], [sflag:s4] =	dma.local [hbm:s3], $0xF7A  }
0x26: {  	[smem:$0x3F9F] =	sst s1;
	(tag) =	ssettag s2;
	_ =	strace s9  }
0x27: {  	s1 =	sld [smem:$0x3FAF]  }
0x28: {  	s2 =	sld [smem:$0x3FB0]  }
0x29: {  	s4 =	sld [smem:$0x3FB2]  }
0x2a: {  	p0 =	seq.s32 s5, $0x0;
	s5 =	sld [smem:$0x3FB3]  }
0x2b: {  	s6 =	sld [smem:$0x3FB4]  }
0x2c: {  	s7 =	sld [smem:$0x3FB5]  }
0x2d: {  	s3 =	simm.s32 $0x108;
	s8 =	sld [smem:$0x3FB6]  }
0x2e: {  	s3 =	simm.s32 @!p0 $0x1082;
	s9 =	sld [smem:$0x3FB7]  }
0x2f: {  	lr =	sadd.s32 s0, s3;
	s0 =	sld [smem:$0x3FAE]  }
0x30: {  	s3 =	sld [smem:$0x3FB1]  }
0x31: {  	[smem:$0x3FBA] =	sst s10  }
0x32: {  	s10 =	sld [smem:$0x3FB8];
	_ =	sdelay $0x3  }
0x33: {  	p0 =	seq.s32 s10, $0x1;
	s10 =	sld [smem:$0x3FBA];
	_ =	sdelay $0x3  }
0x34: {  	[smem:$0x3FBA] =	sst s10  }
0x35: {  	s10 =	sld [smem:$0x3FB9];
	_ =	sdelay $0x3  }
0x36: {  	p1 =	seq.s32 s10, $0x1;
	s10 =	sld [smem:$0x3FBA];
	_ =	sdelay $0x3  }
0x37: {  	[smem:$0x3FBA] =	sst s10  }
0x38: {  	s10 =	sld [smem:$0x3FBB]  }
0x39: {  	_ = 	snop;
	(pc) =	sbr.ind lr, $3  }
0x3a: {  	_ = 	snop  }
0x3b: {  	_ = 	snop  }
0x3c: {  	p2 =	seq.s32 s10, $0x1;
	s10 =	sld [smem:$0x3FBA]  }
0x3d: {  	_ =	shalt  }
0x3e: {  	_ =	shalt  }
0x3f: {  	_ =	shalt  }
0x40: {  	_ =	shalt  }
0x41: {  	_ =	shalt  }
0x42: {  	_ =	shalt  }
0x43: {  	_ =	shalt  }
0x44: {  	_ =	shalt  }
0x45: {  	_ =	shalt  }
0x46: {  	_ =	shalt  }
0x47: {  	_ =	shalt  }
0x48: {  	_ =	shalt  }
0x49: {  	_ =	shalt  }
0x4a: {  	_ =	shalt  }
0x4b: {  	_ =	shalt  }
0x4c: {  	_ =	shalt  }
0x4d: {  	_ =	shalt  }
0x4e: {  	_ =	shalt  }
0x4f: {  	_ =	shalt  }
0x50: {  	_ =	shalt  }
0x51: {  	_ =	shalt  }
0x52: {  	_ =	shalt  }
0x53: {  	_ =	shalt  }
0x54: {  	_ =	shalt  }
0x55: {  	_ =	shalt  }
0x56: {  	_ =	shalt  }
0x57: {  	_ =	shalt  }
0x58: {  	_ =	shalt  }
0x59: {  	_ =	shalt  }
0x5a: {  	_ =	shalt  }
0x5b: {  	_ =	shalt  }
0x5c: {  	_ =	shalt  }
0x5d: {  	_ =	shalt  }
0x5e: {  	_ =	shalt  }
0x5f: {  	_ =	shalt  }
0x60: {  	_ =	shalt  }
0x61: {  	_ =	shalt  }
0x62: {  	_ =	shalt  }
0x63: {  	_ =	shalt  }
0x64: {  	_ =	shalt  }
0x65: {  	_ =	shalt  }
0x66: {  	_ =	shalt  }
0x67: {  	_ =	shalt  }
0x68: {  	_ =	shalt  }
0x69: {  	_ =	shalt  }
0x6a: {  	_ =	shalt  }
0x6b: {  	_ =	shalt  }
0x6c: {  	_ =	shalt  }
0x6d: {  	_ =	shalt  }
0x6e: {  	_ =	shalt  }
0x6f: {  	_ =	shalt  }
0x70: {  	_ =	shalt  }
0x71: {  	_ =	shalt  }
0x72: {  	_ =	shalt  }
0x73: {  	_ =	shalt  }
0x74: {  	_ =	shalt  }
0x75: {  	_ =	shalt  }
0x76: {  	_ =	shalt  }
0x77: {  	_ =	shalt  }
0x78: {  	_ =	shalt  }
0x79: {  	_ =	shalt  }
0x7a: {  	_ =	shalt  }
0x7b: {  	_ =	shalt  }
0x7c: {  	_ =	shalt  }
0x7d: {  	_ =	shalt  }
0x7e: {  	_ =	shalt  }
0x7f: {  	_ =	shalt  }
0x80: {  	_ =	shalt  }
0x81: {  	_ =	shalt  }
0x82: {  	_ =	shalt  }
0x83: {  	_ =	shalt  }
0x84: {  	_ =	shalt  }
0x85: {  	_ =	shalt  }
0x86: {  	_ =	shalt  }
0x87: {  	_ =	shalt  }
.Lfunc_end0:
.L_simem_size_0:
called_computation_lowered:
.L_overlay_start_0:
0x88: {  	s2 =	sld [smem:$0x3FD9]  }
0x89: {  	s3 =	sld [smem:$0x3FFE];
	_ =	sdelay $0x1  }
0x8a: {  	s1 =	srdreg.scid  }
0x8b: {  	s0 =	sand.u32 $0x1, s1  }
0x8c: {  	s18 =	sshll.u32 s0, $0xA;
	s2 =	sadd.s32 s3, s2  }
0x8d: {  	s2 =	sadd.s32 s2, s18  }
0x8e: {  	[smem:$0x3FC6] =	sst s2  }
0x8f: {  	_ = 	snop  }
0x90: {  	s2 =	sld [smem:$0x3FC9]  }
0x91: {  	s19 =	sld [smem:$0x3FC8]  }
0x92: {  	s4 =	sld [smem:$0x3FD0];
	(tm) =	ssettm $0x1  }
0x93: {  	s5 =	sld [smem:$0x3FFB];
	_ =	sdelay $0x3  }
0x94: {  	_ =	strace s5  }
0x95: {  	s5 =	sld [smem:$0x3FFC];
	_ =	sdelay $0x3  }
0x96: {  	_ =	strace s5  }
0x97: {  	s5 =	sld [smem:$0x3FFD];
	_ =	sdelay $0x3  }
0x98: {  	_ =	strace s5  }
0x99: {  	_ =	strace $0x8FFFFFFF  }
0x9a: {  	s20 =	sld [smem:$0x3FDB];
	_ =	sdelay $0x1  }
0x9b: {  	s6 =	simm.s32 $_scs_section_size  }
0x9c: {  	s7 =	simm.s32 $_size__tile_overlayer_lowered;
	s8 =	simm.s32 $_tile_overlayer_lowered  }
0x9d: {  	s23 =	simm.s32 $0x1BFF;
	s22 =	sshll.u32 s8, $0x1;
	s5 =	sadd.s32 s6, s20  }
0x9e: {  	s9 =	simm.s32 $0x0;
	s21 =	sshll.u32 s7, $0x1;
	s7 =	sadd.s32 s22, s5  }
0x9f: {  	[timem:s9], [sflag:s23] =	dma.local [hbm:s7], s21  }
0xa0: {  	_ =	swait.ge [sflag:s23], s21  }
0xa1: {  	s6 =	ssub.s32 $0x0, s21;
	[sflag:s23] =	ssyncset.done $0x0  }
0xa2: {  	[sflag:s23] =	ssyncadd.s32 s6;
	_ =	sdelay $0x1  }
0xa3: {  	s24 =	simm.s32 $0x1B8B  }
0xa4: {  	_ =	swait.ge [sflag:s24], $0x1  }
0xa5: {  	[sflag:s24] =	ssyncset.done $0x0  }
0xa6: {  	s25 =	simm.s32 $0x1B8E;
	[sflag:s24] =	ssyncadd.s32 $0xFFFFFFFF  }
0xa7: {  	s26 =	simm.s32 $execute0_lowered;
	[smem:$0x3FD2] =	sst s25  }
0xa8: {  	s6 =	sshll.u32 s26, $0x1;
	_ =	strace $0x80000046;
	[dreg:$0x1] =	wrdreg $0xFFFFFFFF  }
0xa9: {  	s28 =	simm.s32 $_size_execute0_lowered;
	s5 =	sadd.s32 s5, s6;
	[dreg:$0x0] =	wrdreg $0x0  }
0xaa: {  	s6 =	sshll.u32 s28, $0x1;
	[dreg:$0x2] =	wrdreg s5  }
0xab: {  	[dreg:$0x3] =	wrdreg s6  }
0xac: {  	[dreg:$0x4] =	wrdreg $0xC0  }
0xad: {  	_ =	task [dreg:s9], $0x5FFFF  }
0xae: {  	[dreg:$0x1] =	wrdreg $0xFFFFFFFF  }
0xaf: {  	[dreg:$0x0] =	wrdreg $0x60  }
0xb0: {  	[dreg:$0x2] =	wrdreg s2  }
0xb1: {  	[dreg:$0x3] =	wrdreg s19  }
0xb2: {  	[dreg:$0x4] =	wrdreg s4  }
0xb3: {  	[dreg:$0x5] =	wrdreg $0x9  }
0xb4: {  	_ =	task.clear_ibuf [dreg:s9], $0x6FFFF;
	_ =	strace $0x90000046  }
0xb5: {  	s29 =	simm.s32 $0x9;
	_ =	strace $0x80000048  }
0xb6: {  	_ =	swait.ge [sflag:s29], $0x1  }
0xb7: {  	[sflag:s29] =	ssyncadd.s32 $0xFFFFFFFF  }
0xb8: {  	_ =	strace $0x90000048  }
0xb9: {  	_ =	sfence  }
0xba: {  	s30 =	sld [smem:$0x0];
	_ =	sdelay $0x2  }
0xbb: {  	s31 =	sshll.u32 s1, $0xD;
	s1 =	sshrl.u32 s1, $0x2  }
0xbc: {  	s3 =	sand.u32 $0x4000, s31;
	s1 =	sadd.s32 s1, s30  }
0xbd: {  	s0 =	sor.u32 s3, s0;
	s1 =	sshll.u32 s1, $0x11  }
0xbe: {  	s0 =	sor.u32 s1, s0  }
0xbf: {  	s0 =	sadd.s32 $0x8F2B, s0  }
0xc0: {  	[sflag:s0] =	ssyncadd.remote.s32 $0x1  }
0xc1: {  	_ =	sfence.sel $0xFFFF  }
0xc2: {  	[dreg:$0x0] =	wrdreg $0xFFFFFFFF;
	(pc) =	sbr.abs _section_cstart, $3  }
0xc3: {  	[dreg:$0x1] =	wrdreg $0xFFFFFFFF  }
0xc4: {  	_ =	task.clear_ibuf [dreg:s9], $0x2FFFF;
	_ =	strace $0x9FFFFFFF  }
0xc5: {  	(tm) =	ssettm $0x7FFFFFFF  }
tec
execute0_lowered:
.L_overlay_start_1:
0x0: {  	(tag) =	ssettag $0x1  }
0x1: {  	s1 =	rddreg [dreg:$0x0]  }
0x2: {  	s3 =	rddreg [dreg:$0x1]  }
0x3: {  	s4 =	rddreg [dreg:$0x2];
	s5 =	srdreg.scid  }
0x4: {  	s0 =	rddreg [dreg:$0x3];
	s2 =	stileid.u32;
	s10 =	simm.s32 $0x8000  }
0x5: {  	s11 =	simm.s32 $0x0;
	s6 =	sand.u32 $0x1, s5;
	s5 =	simm.s32 $0x0  }
0x6: {  	s8 =	sshll.u32 s2, $0x1;
	s7 =	ssub.s32 $0x2, s6;
	[smem:$0x7FF] =	sst s5  }
0x7: {  	s6 =	sor.u32 s6, s8;
	s9 =	sshrl.u32 s7, $0x1;
	_ =	strace $0x80000047  }
0x8: {  	s31 =	sshll.u32 s6, $0x6;
	s6 =	sshll.u32 s6, $0x12;
	s30 =	ssub.s32 s7, s9  }
0x9: {  	s7 =	sand.u32 $0x1C0, s31;
	s9 =	simm.s32 $0x1;
	s8 =	smax.u32 s30, $0x1  }
.LBB2_1:
0xa: {  	s12 =	simm.s32 $0x0  }
.LBB2_2:
0xb: {  	s13 =	sshll.u32 s12, $0xC  }
0xc: {  	s13 =	sadd.s32 s6, s13  }
0xd: {  	s15 =	simm.s32 $0x0;
	s14 =	sadd.s32 s1, s13  }
0xe: {  	[tilespmem:s15], [sflag:$0x1] =	stream.linear.gather [hbm4b:s14+s15], $0x8000, $0x38;
	[tilespmem:$0x10000] =	vst v63  }
0xf: {  	s31 =	sadd.s32 s7, s12;
	_ =	swait.ge [sflag:s9], $0x8000  }
0x10: {  	s14 =	sshll.u32 s31, $0xC;
	[sflag:s9] =	ssyncset.done $0x0  }
0x11: {  	s14 =	sadd.s32 s3, s14;
	[sflag:s9] =	ssyncadd.s32 $0xFFFF8000  }
0x12: {  	[tilespmem:s10], [sflag:$0x1] =	stream.linear.gather [hbm4b:s14+s15], $0x8000, $0x38;
	[tilespmem:$0x10000] =	vst v63  }
0x13: {  	_ =	swait.ge [sflag:s9], $0x8000  }
0x14: {  	[sflag:s9] =	ssyncset.done $0x0  }
0x15: {  	s14 =	simm.s32 $0x0;
	[sflag:s9] =	ssyncadd.s32 $0xFFFF8000  }
0x16: {  	v6 =	vld [tilespmem:s14+$0x8000]  }
0x17: {  	v7 =	vld [tilespmem:s14+$0x8010]  }
0x18: {  	v8 =	vld [tilespmem:s14+$0x8020]  }
0x19: {  	v9 =	vld [tilespmem:s14+$0x8030]  }
0x1a: {  	v10 =	vld [tilespmem:s14+$0x8040]  }
0x1b: {  	v11 =	vld [tilespmem:s14+$0x8050]  }
0x1c: {  	v12 =	vld [tilespmem:s14+$0x8060]  }
0x1d: {  	v13 =	vld [tilespmem:s14+$0x8070]  }
0x1e: {  	v14 =	vld [tilespmem:s14+$0x8400]  }
0x1f: {  	v15 =	vld [tilespmem:s14+$0x8410]  }
0x20: {  	v5 =	vld [tilespmem:s14+$0x8420]  }
0x21: {  	v4 =	vld [tilespmem:s14+$0x8430]  }
0x22: {  	v3 =	vld [tilespmem:s14+$0x8440]  }
0x23: {  	v2 =	vld [tilespmem:s14+$0x8450]  }
0x24: {  	v1 =	vld [tilespmem:s14+$0x8460]  }
0x25: {  	v0 =	vld [tilespmem:s14+$0x8470]  }
0x26: {  	v16 =	vld [tilespmem:s14+$0x0]  }
0x27: {  	v17 =	vld [tilespmem:s14+$0x10]  }
0x28: {  	v18 =	vld [tilespmem:s14+$0x20]  }
0x29: {  	v19 =	vld [tilespmem:s14+$0x30]  }
0x2a: {  	v20 =	vld [tilespmem:s14+$0x40]  }
0x2b: {  	v60 =	vld [tilespmem:s14+$0x50];
	v6 =	vadd.f32 v6, v16  }
0x2c: {  	v21 =	vld [tilespmem:s14+$0x60];
	v7 =	vadd.f32 v7, v17  }
0x2d: {  	v61 =	vld [tilespmem:s14+$0x70];
	[tilespmem:s14+$0x0] =	vst v6;
	v6 =	vadd.f32 v8, v18  }
0x2e: {  	v62 =	vld [tilespmem:s14+$0x400];
	[tilespmem:s14+$0x10] =	vst v7;
	v7 =	vadd.f32 v9, v19  }
0x2f: {  	v63 =	vld [tilespmem:s14+$0x410];
	[tilespmem:s14+$0x20] =	vst v6;
	v6 =	vadd.f32 v10, v20  }
0x30: {  	v8 =	vadd.f32 v11, v60;
	[tilespmem:s14+$0x30] =	vst v7;
	v7 =	vld [tilespmem:s14+$0x420]  }
0x31: {  	v9 =	vadd.f32 v12, v21;
	[tilespmem:s14+$0x40] =	vst v6;
	v6 =	vld [tilespmem:s14+$0x430]  }
0x32: {  	[tilespmem:s14+$0x50] =	vst v8;
	v8 =	vld [tilespmem:s14+$0x440];
	v10 =	vadd.f32 v13, v61  }
0x33: {  	v12 =	vadd.f32 v14, v62;
	[tilespmem:s14+$0x60] =	vst v9;
	v9 =	vld [tilespmem:s14+$0x450]  }
0x34: {  	s16 =	simm.s32 $0x2000;
	s15 =	simm.s32 $0x0;
	v11 =	vadd.f32 v15, v63;
	[tilespmem:s14+$0x70] =	vst v10;
	v10 =	vld [tilespmem:s14+$0x460]  }
.LBB2_3:
0x35: {  	s17 =	sshra.s32 s16, $0x2;
	p0 =	sne.s32 s16, $0x1E000;
	[tilespmem:s15+$0x400] =	vst v12;
	v5 =	vadd.f32 v5, v7;
	v7 =	vld [tilespmem:s15+$0x470]  }
0x36: {  	v12 =	vld [tilespmem:s17+$0x8000];
	[tilespmem:s15+$0x410] =	vst v11;
	v4 =	vadd.f32 v4, v6  }
0x37: {  	v6 =	vld [tilespmem:s17+$0x8010];
	[tilespmem:s15+$0x420] =	vst v5;
	v3 =	vadd.f32 v3, v8  }
0x38: {  	v8 =	vld [tilespmem:s17+$0x8020];
	[tilespmem:s15+$0x430] =	vst v4;
	v2 =	vadd.f32 v2, v9  }
0x39: {  	v9 =	vld [tilespmem:s17+$0x8030];
	[tilespmem:s15+$0x440] =	vst v3;
	v1 =	vadd.f32 v1, v10  }
0x3a: {  	v10 =	vld [tilespmem:s17+$0x8040];
	[tilespmem:s15+$0x450] =	vst v2;
	v0 =	vadd.f32 v0, v7  }
0x3b: {  	v7 =	vld [tilespmem:s17+$0x8050];
	[tilespmem:s15+$0x460] =	vst v1  }
0x3c: {  	v11 =	vld [tilespmem:s17+$0x8060];
	[tilespmem:s15+$0x470] =	vst v0;
	s15 =	smov.u32 s17  }
0x3d: {  	v13 =	vld [tilespmem:s15+$0x8070]  }
0x3e: {  	v14 =	vld [tilespmem:s15+$0x8400]  }
0x3f: {  	v15 =	vld [tilespmem:s15+$0x8410]  }
0x40: {  	v5 =	vld [tilespmem:s15+$0x8420]  }
0x41: {  	v4 =	vld [tilespmem:s15+$0x8430]  }
0x42: {  	v3 =	vld [tilespmem:s15+$0x8440]  }
0x43: {  	v2 =	vld [tilespmem:s15+$0x8450]  }
0x44: {  	v1 =	vld [tilespmem:s15+$0x8460]  }
0x45: {  	v0 =	vld [tilespmem:s15+$0x8470]  }
0x46: {  	v16 =	vld [tilespmem:s15+$0x0]  }
0x47: {  	v17 =	vld [tilespmem:s15+$0x10]  }
0x48: {  	v18 =	vld [tilespmem:s15+$0x20]  }
0x49: {  	v19 =	vld [tilespmem:s15+$0x30]  }
0x4a: {  	v20 =	vld [tilespmem:s15+$0x40]  }
0x4b: {  	v12 =	vadd.f32 v12, v16;
	v16 =	vld [tilespmem:s15+$0x50]  }
0x4c: {  	v6 =	vadd.f32 v6, v17;
	v17 =	vld [tilespmem:s15+$0x60]  }
0x4d: {  	[tilespmem:s15+$0x0] =	vst v12;
	v8 =	vadd.f32 v8, v18;
	v12 =	vld [tilespmem:s15+$0x70]  }
0x4e: {  	[tilespmem:s15+$0x10] =	vst v6;
	v6 =	vadd.f32 v9, v19;
	v9 =	vld [tilespmem:s15+$0x400]  }
0x4f: {  	[tilespmem:s15+$0x20] =	vst v8;
	v8 =	vadd.f32 v10, v20;
	v10 =	vld [tilespmem:s15+$0x410]  }
.Ltmp0:
0x50: {  	[tilespmem:s15+$0x30] =	vst v6;
	v16 =	vadd.f32 v7, v16;
	v7 =	vld [tilespmem:s15+$0x420];
	(pc) =	sbr.rel @p0 .LBB2_3-.Ltmp0, $4  }
0x51: {  	[tilespmem:s15+$0x40] =	vst v8;
	v11 =	vadd.f32 v11, v17;
	v6 =	vld [tilespmem:s15+$0x430]  }
0x52: {  	[tilespmem:s15+$0x50] =	vst v16;
	v13 =	vadd.f32 v13, v12;
	v8 =	vld [tilespmem:s15+$0x440]  }
0x53: {  	[tilespmem:s15+$0x60] =	vst v11;
	v12 =	vadd.f32 v14, v9;
	v9 =	vld [tilespmem:s15+$0x450]  }
0x54: {  	s16 =	sadd.s32 $0x2000, s16;
	[tilespmem:s15+$0x70] =	vst v13;
	v11 =	vadd.f32 v15, v10;
	v10 =	vld [tilespmem:s15+$0x460]  }
0x55: {  	[tilespmem:s15+$0x400] =	vst v12;
	v5 =	vadd.f32 v5, v7;
	v7 =	vld [tilespmem:s15+$0x470]  }
0x56: {  	[tilespmem:s15+$0x410] =	vst v11;
	v4 =	vadd.f32 v4, v6  }
0x57: {  	[tilespmem:s15+$0x420] =	vst v5;
	v3 =	vadd.f32 v3, v8  }
0x58: {  	[tilespmem:s15+$0x430] =	vst v4;
	v2 =	vadd.f32 v2, v9  }
0x59: {  	[tilespmem:s15+$0x440] =	vst v3;
	v1 =	vadd.f32 v1, v10  }
0x5a: {  	[tilespmem:s15+$0x450] =	vst v2;
	v0 =	vadd.f32 v0, v7  }
0x5b: {  	[tilespmem:s15+$0x460] =	vst v1  }
0x5c: {  	[tilespmem:s15+$0x470] =	vst v0  }
0x5d: {  	v6 =	vld [tilespmem:s14+$0x8080]  }
0x5e: {  	v7 =	vld [tilespmem:s14+$0x8090]  }
0x5f: {  	v8 =	vld [tilespmem:s14+$0x80A0]  }
0x60: {  	v9 =	vld [tilespmem:s14+$0x80B0]  }
0x61: {  	v10 =	vld [tilespmem:s14+$0x80C0]  }
0x62: {  	v11 =	vld [tilespmem:s14+$0x80D0]  }
0x63: {  	v12 =	vld [tilespmem:s14+$0x80E0]  }
0x64: {  	v13 =	vld [tilespmem:s14+$0x80F0]  }
0x65: {  	v14 =	vld [tilespmem:s14+$0x8480]  }
0x66: {  	v15 =	vld [tilespmem:s14+$0x8490]  }
0x67: {  	v5 =	vld [tilespmem:s14+$0x84A0]  }
0x68: {  	v4 =	vld [tilespmem:s14+$0x84B0]  }
0x69: {  	v3 =	vld [tilespmem:s14+$0x84C0]  }
0x6a: {  	v2 =	vld [tilespmem:s14+$0x84D0]  }
0x6b: {  	v1 =	vld [tilespmem:s14+$0x84E0]  }
0x6c: {  	v0 =	vld [tilespmem:s14+$0x84F0]  }
0x6d: {  	v16 =	vld [tilespmem:s14+$0x80]  }
0x6e: {  	v17 =	vld [tilespmem:s14+$0x90]  }
0x6f: {  	v18 =	vld [tilespmem:s14+$0xA0]  }
0x70: {  	v19 =	vld [tilespmem:s14+$0xB0]  }
0x71: {  	v20 =	vld [tilespmem:s14+$0xC0]  }
0x72: {  	v60 =	vld [tilespmem:s14+$0xD0];
	v6 =	vadd.f32 v6, v16  }
0x73: {  	v21 =	vld [tilespmem:s14+$0xE0];
	v7 =	vadd.f32 v7, v17  }
0x74: {  	v61 =	vld [tilespmem:s14+$0xF0];
	[tilespmem:s14+$0x80] =	vst v6;
	v6 =	vadd.f32 v8, v18  }
0x75: {  	v62 =	vld [tilespmem:s14+$0x480];
	[tilespmem:s14+$0x90] =	vst v7;
	v7 =	vadd.f32 v9, v19  }
0x76: {  	v63 =	vld [tilespmem:s14+$0x490];
	[tilespmem:s14+$0xA0] =	vst v6;
	v6 =	vadd.f32 v10, v20  }
0x77: {  	v8 =	vadd.f32 v11, v60;
	[tilespmem:s14+$0xB0] =	vst v7;
	v7 =	vld [tilespmem:s14+$0x4A0]  }
0x78: {  	v9 =	vadd.f32 v12, v21;
	[tilespmem:s14+$0xC0] =	vst v6;
	v6 =	vld [tilespmem:s14+$0x4B0]  }
0x79: {  	[tilespmem:s14+$0xD0] =	vst v8;
	v8 =	vld [tilespmem:s14+$0x4C0];
	v10 =	vadd.f32 v13, v61  }
0x7a: {  	v12 =	vadd.f32 v14, v62;
	[tilespmem:s14+$0xE0] =	vst v9;
	v9 =	vld [tilespmem:s14+$0x4D0]  }
0x7b: {  	s15 =	simm.s32 $0x2000;
	v11 =	vadd.f32 v15, v63;
	[tilespmem:s14+$0xF0] =	vst v10;
	v10 =	vld [tilespmem:s14+$0x4E0]  }
.LBB2_5:
0x7c: {  	s16 =	sshra.s32 s15, $0x2;
	p0 =	sne.s32 s15, $0x1E000;
	[tilespmem:s14+$0x480] =	vst v12;
	v5 =	vadd.f32 v5, v7;
	v7 =	vld [tilespmem:s14+$0x4F0]  }
0x7d: {  	v12 =	vld [tilespmem:s16+$0x8080];
	[tilespmem:s14+$0x490] =	vst v11;
	v4 =	vadd.f32 v4, v6  }
0x7e: {  	v6 =	vld [tilespmem:s16+$0x8090];
	[tilespmem:s14+$0x4A0] =	vst v5;
	v3 =	vadd.f32 v3, v8  }
0x7f: {  	v8 =	vld [tilespmem:s16+$0x80A0];
	[tilespmem:s14+$0x4B0] =	vst v4;
	v2 =	vadd.f32 v2, v9  }
0x80: {  	v9 =	vld [tilespmem:s16+$0x80B0];
	[tilespmem:s14+$0x4C0] =	vst v3;
	v1 =	vadd.f32 v1, v10  }
0x81: {  	v10 =	vld [tilespmem:s16+$0x80C0];
	[tilespmem:s14+$0x4D0] =	vst v2;
	v0 =	vadd.f32 v0, v7  }
0x82: {  	v7 =	vld [tilespmem:s16+$0x80D0];
	[tilespmem:s14+$0x4E0] =	vst v1  }
0x83: {  	v11 =	vld [tilespmem:s16+$0x80E0];
	[tilespmem:s14+$0x4F0] =	vst v0;
	s14 =	smov.u32 s16  }
0x84: {  	v13 =	vld [tilespmem:s14+$0x80F0]  }
0x85: {  	v14 =	vld [tilespmem:s14+$0x8480]  }
0x86: {  	v15 =	vld [tilespmem:s14+$0x8490]  }
0x87: {  	v5 =	vld [tilespmem:s14+$0x84A0]  }
0x88: {  	v4 =	vld [tilespmem:s14+$0x84B0]  }
0x89: {  	v3 =	vld [tilespmem:s14+$0x84C0]  }
0x8a: {  	v2 =	vld [tilespmem:s14+$0x84D0]  }
0x8b: {  	v1 =	vld [tilespmem:s14+$0x84E0]  }
0x8c: {  	v0 =	vld [tilespmem:s14+$0x84F0]  }
0x8d: {  	v16 =	vld [tilespmem:s14+$0x80]  }
0x8e: {  	v17 =	vld [tilespmem:s14+$0x90]  }
0x8f: {  	v18 =	vld [tilespmem:s14+$0xA0]  }
0x90: {  	v19 =	vld [tilespmem:s14+$0xB0]  }
0x91: {  	v20 =	vld [tilespmem:s14+$0xC0]  }
0x92: {  	v12 =	vadd.f32 v12, v16;
	v16 =	vld [tilespmem:s14+$0xD0]  }
0x93: {  	v6 =	vadd.f32 v6, v17;
	v17 =	vld [tilespmem:s14+$0xE0]  }
0x94: {  	[tilespmem:s14+$0x80] =	vst v12;
	v8 =	vadd.f32 v8, v18;
	v12 =	vld [tilespmem:s14+$0xF0]  }
0x95: {  	[tilespmem:s14+$0x90] =	vst v6;
	v6 =	vadd.f32 v9, v19;
	v9 =	vld [tilespmem:s14+$0x480]  }
0x96: {  	[tilespmem:s14+$0xA0] =	vst v8;
	v8 =	vadd.f32 v10, v20;
	v10 =	vld [tilespmem:s14+$0x490]  }
.Ltmp1:
0x97: {  	[tilespmem:s14+$0xB0] =	vst v6;
	v16 =	vadd.f32 v7, v16;
	v7 =	vld [tilespmem:s14+$0x4A0];
	(pc) =	sbr.rel @p0 .LBB2_5-.Ltmp1, $4  }
0x98: {  	[tilespmem:s14+$0xC0] =	vst v8;
	v11 =	vadd.f32 v11, v17;
	v6 =	vld [tilespmem:s14+$0x4B0]  }
0x99: {  	[tilespmem:s14+$0xD0] =	vst v16;
	v13 =	vadd.f32 v13, v12;
	v8 =	vld [tilespmem:s14+$0x4C0]  }
0x9a: {  	[tilespmem:s14+$0xE0] =	vst v11;
	v12 =	vadd.f32 v14, v9;
	v9 =	vld [tilespmem:s14+$0x4D0]  }
0x9b: {  	s15 =	sadd.s32 $0x2000, s15;
	[tilespmem:s14+$0xF0] =	vst v13;
	v11 =	vadd.f32 v15, v10;
	v10 =	vld [tilespmem:s14+$0x4E0]  }
0x9c: {  	[tilespmem:s14+$0x480] =	vst v12;
	v5 =	vadd.f32 v5, v7;
	v7 =	vld [tilespmem:s14+$0x4F0]  }
0x9d: {  	[tilespmem:s14+$0x490] =	vst v11;
	v4 =	vadd.f32 v4, v6  }
0x9e: {  	[tilespmem:s14+$0x4A0] =	vst v5;
	v3 =	vadd.f32 v3, v8  }
0x9f: {  	[tilespmem:s14+$0x4B0] =	vst v4;
	v2 =	vadd.f32 v2, v9  }
0xa0: {  	[tilespmem:s14+$0x4C0] =	vst v3;
	v1 =	vadd.f32 v1, v10  }
0xa1: {  	[tilespmem:s14+$0x4D0] =	vst v2;
	v0 =	vadd.f32 v0, v7  }
0xa2: {  	[tilespmem:s14+$0x4E0] =	vst v1  }
0xa3: {  	[tilespmem:s14+$0x4F0] =	vst v0;
	s14 =	simm.s32 $0x0  }
0xa4: {  	v6 =	vld [tilespmem:s14+$0x8100]  }
0xa5: {  	v7 =	vld [tilespmem:s14+$0x8110]  }
0xa6: {  	v8 =	vld [tilespmem:s14+$0x8120]  }
0xa7: {  	v9 =	vld [tilespmem:s14+$0x8130]  }
0xa8: {  	v10 =	vld [tilespmem:s14+$0x8140]  }
0xa9: {  	v11 =	vld [tilespmem:s14+$0x8150]  }
0xaa: {  	v12 =	vld [tilespmem:s14+$0x8160]  }
0xab: {  	v13 =	vld [tilespmem:s14+$0x8170]  }
0xac: {  	v14 =	vld [tilespmem:s14+$0x8500]  }
0xad: {  	v15 =	vld [tilespmem:s14+$0x8510]  }
0xae: {  	v5 =	vld [tilespmem:s14+$0x8520]  }
0xaf: {  	v4 =	vld [tilespmem:s14+$0x8530]  }
0xb0: {  	v3 =	vld [tilespmem:s14+$0x8540]  }
0xb1: {  	v2 =	vld [tilespmem:s14+$0x8550]  }
0xb2: {  	v1 =	vld [tilespmem:s14+$0x8560]  }
0xb3: {  	v0 =	vld [tilespmem:s14+$0x8570]  }
0xb4: {  	v16 =	vld [tilespmem:s14+$0x100]  }
0xb5: {  	v17 =	vld [tilespmem:s14+$0x110]  }
0xb6: {  	v18 =	vld [tilespmem:s14+$0x120]  }
0xb7: {  	v19 =	vld [tilespmem:s14+$0x130]  }
0xb8: {  	v20 =	vld [tilespmem:s14+$0x140]  }
0xb9: {  	v60 =	vld [tilespmem:s14+$0x150];
	v6 =	vadd.f32 v6, v16  }
0xba: {  	v21 =	vld [tilespmem:s14+$0x160];
	v7 =	vadd.f32 v7, v17  }
0xbb: {  	v61 =	vld [tilespmem:s14+$0x170];
	[tilespmem:s14+$0x100] =	vst v6;
	v6 =	vadd.f32 v8, v18  }
0xbc: {  	v62 =	vld [tilespmem:s14+$0x500];
	[tilespmem:s14+$0x110] =	vst v7;
	v7 =	vadd.f32 v9, v19  }
0xbd: {  	v63 =	vld [tilespmem:s14+$0x510];
	[tilespmem:s14+$0x120] =	vst v6;
	v6 =	vadd.f32 v10, v20  }
0xbe: {  	v8 =	vadd.f32 v11, v60;
	[tilespmem:s14+$0x130] =	vst v7;
	v7 =	vld [tilespmem:s14+$0x520]  }
0xbf: {  	v9 =	vadd.f32 v12, v21;
	[tilespmem:s14+$0x140] =	vst v6;
	v6 =	vld [tilespmem:s14+$0x530]  }
0xc0: {  	[tilespmem:s14+$0x150] =	vst v8;
	v8 =	vld [tilespmem:s14+$0x540];
	v10 =	vadd.f32 v13, v61  }
0xc1: {  	v12 =	vadd.f32 v14, v62;
	[tilespmem:s14+$0x160] =	vst v9;
	v9 =	vld [tilespmem:s14+$0x550]  }
0xc2: {  	s16 =	simm.s32 $0x2000;
	s15 =	simm.s32 $0x0;
	v11 =	vadd.f32 v15, v63;
	[tilespmem:s14+$0x170] =	vst v10;
	v10 =	vld [tilespmem:s14+$0x560]  }
.LBB2_7:
0xc3: {  	s17 =	sshra.s32 s16, $0x2;
	p0 =	sne.s32 s16, $0x1E000;
	[tilespmem:s15+$0x500] =	vst v12;
	v5 =	vadd.f32 v5, v7;
	v7 =	vld [tilespmem:s15+$0x570]  }
0xc4: {  	v12 =	vld [tilespmem:s17+$0x8100];
	[tilespmem:s15+$0x510] =	vst v11;
	v4 =	vadd.f32 v4, v6  }
0xc5: {  	v6 =	vld [tilespmem:s17+$0x8110];
	[tilespmem:s15+$0x520] =	vst v5;
	v3 =	vadd.f32 v3, v8  }
0xc6: {  	v8 =	vld [tilespmem:s17+$0x8120];
	[tilespmem:s15+$0x530] =	vst v4;
	v2 =	vadd.f32 v2, v9  }
0xc7: {  	v9 =	vld [tilespmem:s17+$0x8130];
	[tilespmem:s15+$0x540] =	vst v3;
	v1 =	vadd.f32 v1, v10  }
0xc8: {  	v10 =	vld [tilespmem:s17+$0x8140];
	[tilespmem:s15+$0x550] =	vst v2;
	v0 =	vadd.f32 v0, v7  }
0xc9: {  	v7 =	vld [tilespmem:s17+$0x8150];
	[tilespmem:s15+$0x560] =	vst v1  }
0xca: {  	v11 =	vld [tilespmem:s17+$0x8160];
	[tilespmem:s15+$0x570] =	vst v0;
	s15 =	smov.u32 s17  }
0xcb: {  	v13 =	vld [tilespmem:s15+$0x8170]  }
0xcc: {  	v14 =	vld [tilespmem:s15+$0x8500]  }
0xcd: {  	v15 =	vld [tilespmem:s15+$0x8510]  }
0xce: {  	v5 =	vld [tilespmem:s15+$0x8520]  }
0xcf: {  	v4 =	vld [tilespmem:s15+$0x8530]  }
0xd0: {  	v3 =	vld [tilespmem:s15+$0x8540]  }
0xd1: {  	v2 =	vld [tilespmem:s15+$0x8550]  }
0xd2: {  	v1 =	vld [tilespmem:s15+$0x8560]  }
0xd3: {  	v0 =	vld [tilespmem:s15+$0x8570]  }
0xd4: {  	v16 =	vld [tilespmem:s15+$0x100]  }
0xd5: {  	v17 =	vld [tilespmem:s15+$0x110]  }
0xd6: {  	v18 =	vld [tilespmem:s15+$0x120]  }
0xd7: {  	v19 =	vld [tilespmem:s15+$0x130]  }
0xd8: {  	v20 =	vld [tilespmem:s15+$0x140]  }
0xd9: {  	v12 =	vadd.f32 v12, v16;
	v16 =	vld [tilespmem:s15+$0x150]  }
0xda: {  	v6 =	vadd.f32 v6, v17;
	v17 =	vld [tilespmem:s15+$0x160]  }
0xdb: {  	[tilespmem:s15+$0x100] =	vst v12;
	v8 =	vadd.f32 v8, v18;
	v12 =	vld [tilespmem:s15+$0x170]  }
0xdc: {  	[tilespmem:s15+$0x110] =	vst v6;
	v6 =	vadd.f32 v9, v19;
	v9 =	vld [tilespmem:s15+$0x500]  }
0xdd: {  	[tilespmem:s15+$0x120] =	vst v8;
	v8 =	vadd.f32 v10, v20;
	v10 =	vld [tilespmem:s15+$0x510]  }
.Ltmp2:
0xde: {  	[tilespmem:s15+$0x130] =	vst v6;
	v16 =	vadd.f32 v7, v16;
	v7 =	vld [tilespmem:s15+$0x520];
	(pc) =	sbr.rel @p0 .LBB2_7-.Ltmp2, $4  }
0xdf: {  	[tilespmem:s15+$0x140] =	vst v8;
	v11 =	vadd.f32 v11, v17;
	v6 =	vld [tilespmem:s15+$0x530]  }
0xe0: {  	[tilespmem:s15+$0x150] =	vst v16;
	v13 =	vadd.f32 v13, v12;
	v8 =	vld [tilespmem:s15+$0x540]  }
0xe1: {  	[tilespmem:s15+$0x160] =	vst v11;
	v12 =	vadd.f32 v14, v9;
	v9 =	vld [tilespmem:s15+$0x550]  }
0xe2: {  	s16 =	sadd.s32 $0x2000, s16;
	[tilespmem:s15+$0x170] =	vst v13;
	v11 =	vadd.f32 v15, v10;
	v10 =	vld [tilespmem:s15+$0x560]  }
0xe3: {  	[tilespmem:s15+$0x500] =	vst v12;
	v5 =	vadd.f32 v5, v7;
	v7 =	vld [tilespmem:s15+$0x570]  }
0xe4: {  	[tilespmem:s15+$0x510] =	vst v11;
	v4 =	vadd.f32 v4, v6  }
0xe5: {  	[tilespmem:s15+$0x520] =	vst v5;
	v3 =	vadd.f32 v3, v8  }
0xe6: {  	[tilespmem:s15+$0x530] =	vst v4;
	v2 =	vadd.f32 v2, v9  }
0xe7: {  	[tilespmem:s15+$0x540] =	vst v3;
	v1 =	vadd.f32 v1, v10  }
0xe8: {  	[tilespmem:s15+$0x550] =	vst v2;
	v0 =	vadd.f32 v0, v7  }
0xe9: {  	[tilespmem:s15+$0x560] =	vst v1  }
0xea: {  	[tilespmem:s15+$0x570] =	vst v0  }
0xeb: {  	v6 =	vld [tilespmem:s14+$0x8180]  }
0xec: {  	v7 =	vld [tilespmem:s14+$0x8190]  }
0xed: {  	v8 =	vld [tilespmem:s14+$0x81A0]  }
0xee: {  	v9 =	vld [tilespmem:s14+$0x81B0]  }
0xef: {  	v10 =	vld [tilespmem:s14+$0x81C0]  }
0xf0: {  	v11 =	vld [tilespmem:s14+$0x81D0]  }
0xf1: {  	v12 =	vld [tilespmem:s14+$0x81E0]  }
0xf2: {  	v13 =	vld [tilespmem:s14+$0x81F0]  }
0xf3: {  	v14 =	vld [tilespmem:s14+$0x8580]  }
0xf4: {  	v15 =	vld [tilespmem:s14+$0x8590]  }
0xf5: {  	v5 =	vld [tilespmem:s14+$0x85A0]  }
0xf6: {  	v4 =	vld [tilespmem:s14+$0x85B0]  }
0xf7: {  	v3 =	vld [tilespmem:s14+$0x85C0]  }
0xf8: {  	v2 =	vld [tilespmem:s14+$0x85D0]  }
0xf9: {  	v1 =	vld [tilespmem:s14+$0x85E0]  }
0xfa: {  	v0 =	vld [tilespmem:s14+$0x85F0]  }
0xfb: {  	v16 =	vld [tilespmem:s14+$0x180]  }
0xfc: {  	v17 =	vld [tilespmem:s14+$0x190]  }
0xfd: {  	v18 =	vld [tilespmem:s14+$0x1A0]  }
0xfe: {  	v19 =	vld [tilespmem:s14+$0x1B0]  }
0xff: {  	v20 =	vld [tilespmem:s14+$0x1C0]  }
0x100: {  	v60 =	vld [tilespmem:s14+$0x1D0];
	v6 =	vadd.f32 v6, v16  }
0x101: {  	v21 =	vld [tilespmem:s14+$0x1E0];
	v7 =	vadd.f32 v7, v17  }
0x102: {  	v61 =	vld [tilespmem:s14+$0x1F0];
	[tilespmem:s14+$0x180] =	vst v6;
	v6 =	vadd.f32 v8, v18  }
0x103: {  	v62 =	vld [tilespmem:s14+$0x580];
	[tilespmem:s14+$0x190] =	vst v7;
	v7 =	vadd.f32 v9, v19  }
0x104: {  	v63 =	vld [tilespmem:s14+$0x590];
	[tilespmem:s14+$0x1A0] =	vst v6;
	v6 =	vadd.f32 v10, v20  }
0x105: {  	v8 =	vadd.f32 v11, v60;
	[tilespmem:s14+$0x1B0] =	vst v7;
	v7 =	vld [tilespmem:s14+$0x5A0]  }
0x106: {  	v9 =	vadd.f32 v12, v21;
	[tilespmem:s14+$0x1C0] =	vst v6;
	v6 =	vld [tilespmem:s14+$0x5B0]  }
0x107: {  	[tilespmem:s14+$0x1D0] =	vst v8;
	v8 =	vld [tilespmem:s14+$0x5C0];
	v10 =	vadd.f32 v13, v61  }
0x108: {  	v12 =	vadd.f32 v14, v62;
	[tilespmem:s14+$0x1E0] =	vst v9;
	v9 =	vld [tilespmem:s14+$0x5D0]  }
0x109: {  	s15 =	simm.s32 $0x2000;
	v11 =	vadd.f32 v15, v63;
	[tilespmem:s14+$0x1F0] =	vst v10;
	v10 =	vld [tilespmem:s14+$0x5E0]  }
.LBB2_9:
0x10a: {  	s16 =	sshra.s32 s15, $0x2;
	p0 =	sne.s32 s15, $0x1E000;
	[tilespmem:s14+$0x580] =	vst v12;
	v5 =	vadd.f32 v5, v7;
	v7 =	vld [tilespmem:s14+$0x5F0]  }
0x10b: {  	v12 =	vld [tilespmem:s16+$0x8180];
	[tilespmem:s14+$0x590] =	vst v11;
	v4 =	vadd.f32 v4, v6  }
0x10c: {  	v6 =	vld [tilespmem:s16+$0x8190];
	[tilespmem:s14+$0x5A0] =	vst v5;
	v3 =	vadd.f32 v3, v8  }
0x10d: {  	v8 =	vld [tilespmem:s16+$0x81A0];
	[tilespmem:s14+$0x5B0] =	vst v4;
	v2 =	vadd.f32 v2, v9  }
0x10e: {  	v9 =	vld [tilespmem:s16+$0x81B0];
	[tilespmem:s14+$0x5C0] =	vst v3;
	v1 =	vadd.f32 v1, v10  }
0x10f: {  	v10 =	vld [tilespmem:s16+$0x81C0];
	[tilespmem:s14+$0x5D0] =	vst v2;
	v0 =	vadd.f32 v0, v7  }
0x110: {  	v7 =	vld [tilespmem:s16+$0x81D0];
	[tilespmem:s14+$0x5E0] =	vst v1  }
0x111: {  	v11 =	vld [tilespmem:s16+$0x81E0];
	[tilespmem:s14+$0x5F0] =	vst v0;
	s14 =	smov.u32 s16  }
0x112: {  	v13 =	vld [tilespmem:s14+$0x81F0]  }
0x113: {  	v14 =	vld [tilespmem:s14+$0x8580]  }
0x114: {  	v15 =	vld [tilespmem:s14+$0x8590]  }
0x115: {  	v5 =	vld [tilespmem:s14+$0x85A0]  }
0x116: {  	v4 =	vld [tilespmem:s14+$0x85B0]  }
0x117: {  	v3 =	vld [tilespmem:s14+$0x85C0]  }
0x118: {  	v2 =	vld [tilespmem:s14+$0x85D0]  }
0x119: {  	v1 =	vld [tilespmem:s14+$0x85E0]  }
0x11a: {  	v0 =	vld [tilespmem:s14+$0x85F0]  }
0x11b: {  	v16 =	vld [tilespmem:s14+$0x180]  }
0x11c: {  	v17 =	vld [tilespmem:s14+$0x190]  }
0x11d: {  	v18 =	vld [tilespmem:s14+$0x1A0]  }
0x11e: {  	v19 =	vld [tilespmem:s14+$0x1B0]  }
0x11f: {  	v20 =	vld [tilespmem:s14+$0x1C0]  }
0x120: {  	v12 =	vadd.f32 v12, v16;
	v16 =	vld [tilespmem:s14+$0x1D0]  }
0x121: {  	v6 =	vadd.f32 v6, v17;
	v17 =	vld [tilespmem:s14+$0x1E0]  }
0x122: {  	[tilespmem:s14+$0x180] =	vst v12;
	v8 =	vadd.f32 v8, v18;
	v12 =	vld [tilespmem:s14+$0x1F0]  }
0x123: {  	[tilespmem:s14+$0x190] =	vst v6;
	v6 =	vadd.f32 v9, v19;
	v9 =	vld [tilespmem:s14+$0x580]  }
0x124: {  	[tilespmem:s14+$0x1A0] =	vst v8;
	v8 =	vadd.f32 v10, v20;
	v10 =	vld [tilespmem:s14+$0x590]  }
.Ltmp3:
0x125: {  	[tilespmem:s14+$0x1B0] =	vst v6;
	v16 =	vadd.f32 v7, v16;
	v7 =	vld [tilespmem:s14+$0x5A0];
	(pc) =	sbr.rel @p0 .LBB2_9-.Ltmp3, $4  }
0x126: {  	[tilespmem:s14+$0x1C0] =	vst v8;
	v11 =	vadd.f32 v11, v17;
	v6 =	vld [tilespmem:s14+$0x5B0]  }
0x127: {  	[tilespmem:s14+$0x1D0] =	vst v16;
	v13 =	vadd.f32 v13, v12;
	v8 =	vld [tilespmem:s14+$0x5C0]  }
0x128: {  	[tilespmem:s14+$0x1E0] =	vst v11;
	v12 =	vadd.f32 v14, v9;
	v9 =	vld [tilespmem:s14+$0x5D0]  }
0x129: {  	s15 =	sadd.s32 $0x2000, s15;
	[tilespmem:s14+$0x1F0] =	vst v13;
	v11 =	vadd.f32 v15, v10;
	v10 =	vld [tilespmem:s14+$0x5E0]  }
0x12a: {  	[tilespmem:s14+$0x580] =	vst v12;
	v5 =	vadd.f32 v5, v7;
	v7 =	vld [tilespmem:s14+$0x5F0]  }
0x12b: {  	[tilespmem:s14+$0x590] =	vst v11;
	v4 =	vadd.f32 v4, v6  }
0x12c: {  	[tilespmem:s14+$0x5A0] =	vst v5;
	v3 =	vadd.f32 v3, v8  }
0x12d: {  	[tilespmem:s14+$0x5B0] =	vst v4;
	v2 =	vadd.f32 v2, v9  }
0x12e: {  	[tilespmem:s14+$0x5C0] =	vst v3;
	v1 =	vadd.f32 v1, v10  }
0x12f: {  	[tilespmem:s14+$0x5D0] =	vst v2;
	v0 =	vadd.f32 v0, v7  }
0x130: {  	[tilespmem:s14+$0x5E0] =	vst v1  }
0x131: {  	[tilespmem:s14+$0x5F0] =	vst v0;
	s14 =	simm.s32 $0x0  }
0x132: {  	v6 =	vld [tilespmem:s14+$0x8200]  }
0x133: {  	v7 =	vld [tilespmem:s14+$0x8210]  }
0x134: {  	v8 =	vld [tilespmem:s14+$0x8220]  }
0x135: {  	v9 =	vld [tilespmem:s14+$0x8230]  }
0x136: {  	v10 =	vld [tilespmem:s14+$0x8240]  }
0x137: {  	v11 =	vld [tilespmem:s14+$0x8250]  }
0x138: {  	v12 =	vld [tilespmem:s14+$0x8260]  }
0x139: {  	v13 =	vld [tilespmem:s14+$0x8270]  }
0x13a: {  	v14 =	vld [tilespmem:s14+$0x8600]  }
0x13b: {  	v15 =	vld [tilespmem:s14+$0x8610]  }
0x13c: {  	v5 =	vld [tilespmem:s14+$0x8620]  }
0x13d: {  	v4 =	vld [tilespmem:s14+$0x8630]  }
0x13e: {  	v3 =	vld [tilespmem:s14+$0x8640]  }
0x13f: {  	v2 =	vld [tilespmem:s14+$0x8650]  }
0x140: {  	v1 =	vld [tilespmem:s14+$0x8660]  }
0x141: {  	v0 =	vld [tilespmem:s14+$0x8670]  }
0x142: {  	v16 =	vld [tilespmem:s14+$0x200]  }
0x143: {  	v17 =	vld [tilespmem:s14+$0x210]  }
0x144: {  	v18 =	vld [tilespmem:s14+$0x220]  }
0x145: {  	v19 =	vld [tilespmem:s14+$0x230]  }
0x146: {  	v20 =	vld [tilespmem:s14+$0x240]  }
0x147: {  	v60 =	vld [tilespmem:s14+$0x250];
	v6 =	vadd.f32 v6, v16  }
0x148: {  	v21 =	vld [tilespmem:s14+$0x260];
	v7 =	vadd.f32 v7, v17  }
0x149: {  	v61 =	vld [tilespmem:s14+$0x270];
	[tilespmem:s14+$0x200] =	vst v6;
	v6 =	vadd.f32 v8, v18  }
0x14a: {  	v62 =	vld [tilespmem:s14+$0x600];
	[tilespmem:s14+$0x210] =	vst v7;
	v7 =	vadd.f32 v9, v19  }
0x14b: {  	v63 =	vld [tilespmem:s14+$0x610];
	[tilespmem:s14+$0x220] =	vst v6;
	v6 =	vadd.f32 v10, v20  }
0x14c: {  	v8 =	vadd.f32 v11, v60;
	[tilespmem:s14+$0x230] =	vst v7;
	v7 =	vld [tilespmem:s14+$0x620]  }
0x14d: {  	v9 =	vadd.f32 v12, v21;
	[tilespmem:s14+$0x240] =	vst v6;
	v6 =	vld [tilespmem:s14+$0x630]  }
0x14e: {  	[tilespmem:s14+$0x250] =	vst v8;
	v8 =	vld [tilespmem:s14+$0x640];
	v10 =	vadd.f32 v13, v61  }
0x14f: {  	v12 =	vadd.f32 v14, v62;
	[tilespmem:s14+$0x260] =	vst v9;
	v9 =	vld [tilespmem:s14+$0x650]  }
0x150: {  	s16 =	simm.s32 $0x2000;
	s15 =	simm.s32 $0x0;
	v11 =	vadd.f32 v15, v63;
	[tilespmem:s14+$0x270] =	vst v10;
	v10 =	vld [tilespmem:s14+$0x660]  }
.LBB2_11:
0x151: {  	s17 =	sshra.s32 s16, $0x2;
	p0 =	sne.s32 s16, $0x1E000;
	[tilespmem:s15+$0x600] =	vst v12;
	v5 =	vadd.f32 v5, v7;
	v7 =	vld [tilespmem:s15+$0x670]  }
0x152: {  	v12 =	vld [tilespmem:s17+$0x8200];
	[tilespmem:s15+$0x610] =	vst v11;
	v4 =	vadd.f32 v4, v6  }
0x153: {  	v6 =	vld [tilespmem:s17+$0x8210];
	[tilespmem:s15+$0x620] =	vst v5;
	v3 =	vadd.f32 v3, v8  }
0x154: {  	v8 =	vld [tilespmem:s17+$0x8220];
	[tilespmem:s15+$0x630] =	vst v4;
	v2 =	vadd.f32 v2, v9  }
0x155: {  	v9 =	vld [tilespmem:s17+$0x8230];
	[tilespmem:s15+$0x640] =	vst v3;
	v1 =	vadd.f32 v1, v10  }
0x156: {  	v10 =	vld [tilespmem:s17+$0x8240];
	[tilespmem:s15+$0x650] =	vst v2;
	v0 =	vadd.f32 v0, v7  }
0x157: {  	v7 =	vld [tilespmem:s17+$0x8250];
	[tilespmem:s15+$0x660] =	vst v1  }
0x158: {  	v11 =	vld [tilespmem:s17+$0x8260];
	[tilespmem:s15+$0x670] =	vst v0;
	s15 =	smov.u32 s17  }
0x159: {  	v13 =	vld [tilespmem:s15+$0x8270]  }
0x15a: {  	v14 =	vld [tilespmem:s15+$0x8600]  }
0x15b: {  	v15 =	vld [tilespmem:s15+$0x8610]  }
0x15c: {  	v5 =	vld [tilespmem:s15+$0x8620]  }
0x15d: {  	v4 =	vld [tilespmem:s15+$0x8630]  }
0x15e: {  	v3 =	vld [tilespmem:s15+$0x8640]  }
0x15f: {  	v2 =	vld [tilespmem:s15+$0x8650]  }
0x160: {  	v1 =	vld [tilespmem:s15+$0x8660]  }
0x161: {  	v0 =	vld [tilespmem:s15+$0x8670]  }
0x162: {  	v16 =	vld [tilespmem:s15+$0x200]  }
0x163: {  	v17 =	vld [tilespmem:s15+$0x210]  }
0x164: {  	v18 =	vld [tilespmem:s15+$0x220]  }
0x165: {  	v19 =	vld [tilespmem:s15+$0x230]  }
0x166: {  	v20 =	vld [tilespmem:s15+$0x240]  }
0x167: {  	v12 =	vadd.f32 v12, v16;
	v16 =	vld [tilespmem:s15+$0x250]  }
0x168: {  	v6 =	vadd.f32 v6, v17;
	v17 =	vld [tilespmem:s15+$0x260]  }
0x169: {  	[tilespmem:s15+$0x200] =	vst v12;
	v8 =	vadd.f32 v8, v18;
	v12 =	vld [tilespmem:s15+$0x270]  }
0x16a: {  	[tilespmem:s15+$0x210] =	vst v6;
	v6 =	vadd.f32 v9, v19;
	v9 =	vld [tilespmem:s15+$0x600]  }
0x16b: {  	[tilespmem:s15+$0x220] =	vst v8;
	v8 =	vadd.f32 v10, v20;
	v10 =	vld [tilespmem:s15+$0x610]  }
.Ltmp4:
0x16c: {  	[tilespmem:s15+$0x230] =	vst v6;
	v16 =	vadd.f32 v7, v16;
	v7 =	vld [tilespmem:s15+$0x620];
	(pc) =	sbr.rel @p0 .LBB2_11-.Ltmp4, $4  }
0x16d: {  	[tilespmem:s15+$0x240] =	vst v8;
	v11 =	vadd.f32 v11, v17;
	v6 =	vld [tilespmem:s15+$0x630]  }
0x16e: {  	[tilespmem:s15+$0x250] =	vst v16;
	v13 =	vadd.f32 v13, v12;
	v8 =	vld [tilespmem:s15+$0x640]  }
0x16f: {  	[tilespmem:s15+$0x260] =	vst v11;
	v12 =	vadd.f32 v14, v9;
	v9 =	vld [tilespmem:s15+$0x650]  }
0x170: {  	s16 =	sadd.s32 $0x2000, s16;
	[tilespmem:s15+$0x270] =	vst v13;
	v11 =	vadd.f32 v15, v10;
	v10 =	vld [tilespmem:s15+$0x660]  }
0x171: {  	[tilespmem:s15+$0x600] =	vst v12;
	v5 =	vadd.f32 v5, v7;
	v7 =	vld [tilespmem:s15+$0x670]  }
0x172: {  	[tilespmem:s15+$0x610] =	vst v11;
	v4 =	vadd.f32 v4, v6  }
0x173: {  	[tilespmem:s15+$0x620] =	vst v5;
	v3 =	vadd.f32 v3, v8  }
0x174: {  	[tilespmem:s15+$0x630] =	vst v4;
	v2 =	vadd.f32 v2, v9  }
0x175: {  	[tilespmem:s15+$0x640] =	vst v3;
	v1 =	vadd.f32 v1, v10  }
0x176: {  	[tilespmem:s15+$0x650] =	vst v2;
	v0 =	vadd.f32 v0, v7  }
0x177: {  	[tilespmem:s15+$0x660] =	vst v1  }
0x178: {  	[tilespmem:s15+$0x670] =	vst v0  }
0x179: {  	v6 =	vld [tilespmem:s14+$0x8280]  }
0x17a: {  	v7 =	vld [tilespmem:s14+$0x8290]  }
0x17b: {  	v8 =	vld [tilespmem:s14+$0x82A0]  }
0x17c: {  	v9 =	vld [tilespmem:s14+$0x82B0]  }
0x17d: {  	v10 =	vld [tilespmem:s14+$0x82C0]  }
0x17e: {  	v11 =	vld [tilespmem:s14+$0x82D0]  }
0x17f: {  	v12 =	vld [tilespmem:s14+$0x82E0]  }
0x180: {  	v13 =	vld [tilespmem:s14+$0x82F0]  }
0x181: {  	v14 =	vld [tilespmem:s14+$0x8680]  }
0x182: {  	v15 =	vld [tilespmem:s14+$0x8690]  }
0x183: {  	v5 =	vld [tilespmem:s14+$0x86A0]  }
0x184: {  	v4 =	vld [tilespmem:s14+$0x86B0]  }
0x185: {  	v3 =	vld [tilespmem:s14+$0x86C0]  }
0x186: {  	v2 =	vld [tilespmem:s14+$0x86D0]  }
0x187: {  	v1 =	vld [tilespmem:s14+$0x86E0]  }
0x188: {  	v0 =	vld [tilespmem:s14+$0x86F0]  }
0x189: {  	v16 =	vld [tilespmem:s14+$0x280]  }
0x18a: {  	v17 =	vld [tilespmem:s14+$0x290]  }
0x18b: {  	v18 =	vld [tilespmem:s14+$0x2A0]  }
0x18c: {  	v19 =	vld [tilespmem:s14+$0x2B0]  }
0x18d: {  	v20 =	vld [tilespmem:s14+$0x2C0]  }
0x18e: {  	v60 =	vld [tilespmem:s14+$0x2D0];
	v6 =	vadd.f32 v6, v16  }
0x18f: {  	v21 =	vld [tilespmem:s14+$0x2E0];
	v7 =	vadd.f32 v7, v17  }
0x190: {  	v61 =	vld [tilespmem:s14+$0x2F0];
	[tilespmem:s14+$0x280] =	vst v6;
	v6 =	vadd.f32 v8, v18  }
0x191: {  	v62 =	vld [tilespmem:s14+$0x680];
	[tilespmem:s14+$0x290] =	vst v7;
	v7 =	vadd.f32 v9, v19  }
0x192: {  	v63 =	vld [tilespmem:s14+$0x690];
	[tilespmem:s14+$0x2A0] =	vst v6;
	v6 =	vadd.f32 v10, v20  }
0x193: {  	v8 =	vadd.f32 v11, v60;
	[tilespmem:s14+$0x2B0] =	vst v7;
	v7 =	vld [tilespmem:s14+$0x6A0]  }
0x194: {  	v9 =	vadd.f32 v12, v21;
	[tilespmem:s14+$0x2C0] =	vst v6;
	v6 =	vld [tilespmem:s14+$0x6B0]  }
0x195: {  	[tilespmem:s14+$0x2D0] =	vst v8;
	v8 =	vld [tilespmem:s14+$0x6C0];
	v10 =	vadd.f32 v13, v61  }
0x196: {  	v12 =	vadd.f32 v14, v62;
	[tilespmem:s14+$0x2E0] =	vst v9;
	v9 =	vld [tilespmem:s14+$0x6D0]  }
0x197: {  	s15 =	simm.s32 $0x2000;
	v11 =	vadd.f32 v15, v63;
	[tilespmem:s14+$0x2F0] =	vst v10;
	v10 =	vld [tilespmem:s14+$0x6E0]  }
.LBB2_13:
0x198: {  	s16 =	sshra.s32 s15, $0x2;
	p0 =	sne.s32 s15, $0x1E000;
	[tilespmem:s14+$0x680] =	vst v12;
	v5 =	vadd.f32 v5, v7;
	v7 =	vld [tilespmem:s14+$0x6F0]  }
0x199: {  	v12 =	vld [tilespmem:s16+$0x8280];
	[tilespmem:s14+$0x690] =	vst v11;
	v4 =	vadd.f32 v4, v6  }
0x19a: {  	v6 =	vld [tilespmem:s16+$0x8290];
	[tilespmem:s14+$0x6A0] =	vst v5;
	v3 =	vadd.f32 v3, v8  }
0x19b: {  	v8 =	vld [tilespmem:s16+$0x82A0];
	[tilespmem:s14+$0x6B0] =	vst v4;
	v2 =	vadd.f32 v2, v9  }
0x19c: {  	v9 =	vld [tilespmem:s16+$0x82B0];
	[tilespmem:s14+$0x6C0] =	vst v3;
	v1 =	vadd.f32 v1, v10  }
0x19d: {  	v10 =	vld [tilespmem:s16+$0x82C0];
	[tilespmem:s14+$0x6D0] =	vst v2;
	v0 =	vadd.f32 v0, v7  }
0x19e: {  	v7 =	vld [tilespmem:s16+$0x82D0];
	[tilespmem:s14+$0x6E0] =	vst v1  }
0x19f: {  	v11 =	vld [tilespmem:s16+$0x82E0];
	[tilespmem:s14+$0x6F0] =	vst v0;
	s14 =	smov.u32 s16  }
0x1a0: {  	v13 =	vld [tilespmem:s14+$0x82F0]  }
0x1a1: {  	v14 =	vld [tilespmem:s14+$0x8680]  }
0x1a2: {  	v15 =	vld [tilespmem:s14+$0x8690]  }
0x1a3: {  	v5 =	vld [tilespmem:s14+$0x86A0]  }
0x1a4: {  	v4 =	vld [tilespmem:s14+$0x86B0]  }
0x1a5: {  	v3 =	vld [tilespmem:s14+$0x86C0]  }
0x1a6: {  	v2 =	vld [tilespmem:s14+$0x86D0]  }
0x1a7: {  	v1 =	vld [tilespmem:s14+$0x86E0]  }
0x1a8: {  	v0 =	vld [tilespmem:s14+$0x86F0]  }
0x1a9: {  	v16 =	vld [tilespmem:s14+$0x280]  }
0x1aa: {  	v17 =	vld [tilespmem:s14+$0x290]  }
0x1ab: {  	v18 =	vld [tilespmem:s14+$0x2A0]  }
0x1ac: {  	v19 =	vld [tilespmem:s14+$0x2B0]  }
0x1ad: {  	v20 =	vld [tilespmem:s14+$0x2C0]  }
0x1ae: {  	v12 =	vadd.f32 v12, v16;
	v16 =	vld [tilespmem:s14+$0x2D0]  }
0x1af: {  	v6 =	vadd.f32 v6, v17;
	v17 =	vld [tilespmem:s14+$0x2E0]  }
0x1b0: {  	[tilespmem:s14+$0x280] =	vst v12;
	v8 =	vadd.f32 v8, v18;
	v12 =	vld [tilespmem:s14+$0x2F0]  }
0x1b1: {  	[tilespmem:s14+$0x290] =	vst v6;
	v6 =	vadd.f32 v9, v19;
	v9 =	vld [tilespmem:s14+$0x680]  }
0x1b2: {  	[tilespmem:s14+$0x2A0] =	vst v8;
	v8 =	vadd.f32 v10, v20;
	v10 =	vld [tilespmem:s14+$0x690]  }
.Ltmp5:
0x1b3: {  	[tilespmem:s14+$0x2B0] =	vst v6;
	v16 =	vadd.f32 v7, v16;
	v7 =	vld [tilespmem:s14+$0x6A0];
	(pc) =	sbr.rel @p0 .LBB2_13-.Ltmp5, $4  }
0x1b4: {  	[tilespmem:s14+$0x2C0] =	vst v8;
	v11 =	vadd.f32 v11, v17;
	v6 =	vld [tilespmem:s14+$0x6B0]  }
0x1b5: {  	[tilespmem:s14+$0x2D0] =	vst v16;
	v13 =	vadd.f32 v13, v12;
	v8 =	vld [tilespmem:s14+$0x6C0]  }
0x1b6: {  	[tilespmem:s14+$0x2E0] =	vst v11;
	v12 =	vadd.f32 v14, v9;
	v9 =	vld [tilespmem:s14+$0x6D0]  }
0x1b7: {  	s15 =	sadd.s32 $0x2000, s15;
	[tilespmem:s14+$0x2F0] =	vst v13;
	v11 =	vadd.f32 v15, v10;
	v10 =	vld [tilespmem:s14+$0x6E0]  }
0x1b8: {  	[tilespmem:s14+$0x680] =	vst v12;
	v5 =	vadd.f32 v5, v7;
	v7 =	vld [tilespmem:s14+$0x6F0]  }
0x1b9: {  	[tilespmem:s14+$0x690] =	vst v11;
	v4 =	vadd.f32 v4, v6  }
0x1ba: {  	[tilespmem:s14+$0x6A0] =	vst v5;
	v3 =	vadd.f32 v3, v8  }
0x1bb: {  	[tilespmem:s14+$0x6B0] =	vst v4;
	v2 =	vadd.f32 v2, v9  }
0x1bc: {  	[tilespmem:s14+$0x6C0] =	vst v3;
	v1 =	vadd.f32 v1, v10  }
0x1bd: {  	[tilespmem:s14+$0x6D0] =	vst v2;
	v0 =	vadd.f32 v0, v7  }
0x1be: {  	[tilespmem:s14+$0x6E0] =	vst v1  }
0x1bf: {  	[tilespmem:s14+$0x6F0] =	vst v0;
	s14 =	simm.s32 $0x0  }
0x1c0: {  	v6 =	vld [tilespmem:s14+$0x8300]  }
0x1c1: {  	v7 =	vld [tilespmem:s14+$0x8310]  }
0x1c2: {  	v8 =	vld [tilespmem:s14+$0x8320]  }
0x1c3: {  	v9 =	vld [tilespmem:s14+$0x8330]  }
0x1c4: {  	v10 =	vld [tilespmem:s14+$0x8340]  }
0x1c5: {  	v11 =	vld [tilespmem:s14+$0x8350]  }
0x1c6: {  	v12 =	vld [tilespmem:s14+$0x8360]  }
0x1c7: {  	v13 =	vld [tilespmem:s14+$0x8370]  }
0x1c8: {  	v14 =	vld [tilespmem:s14+$0x8700]  }
0x1c9: {  	v15 =	vld [tilespmem:s14+$0x8710]  }
0x1ca: {  	v5 =	vld [tilespmem:s14+$0x8720]  }
0x1cb: {  	v4 =	vld [tilespmem:s14+$0x8730]  }
0x1cc: {  	v3 =	vld [tilespmem:s14+$0x8740]  }
0x1cd: {  	v2 =	vld [tilespmem:s14+$0x8750]  }
0x1ce: {  	v1 =	vld [tilespmem:s14+$0x8760]  }
0x1cf: {  	v0 =	vld [tilespmem:s14+$0x8770]  }
0x1d0: {  	v16 =	vld [tilespmem:s14+$0x300]  }
0x1d1: {  	v17 =	vld [tilespmem:s14+$0x310]  }
0x1d2: {  	v18 =	vld [tilespmem:s14+$0x320]  }
0x1d3: {  	v19 =	vld [tilespmem:s14+$0x330]  }
0x1d4: {  	v20 =	vld [tilespmem:s14+$0x340]  }
0x1d5: {  	v60 =	vld [tilespmem:s14+$0x350];
	v6 =	vadd.f32 v6, v16  }
0x1d6: {  	v21 =	vld [tilespmem:s14+$0x360];
	v7 =	vadd.f32 v7, v17  }
0x1d7: {  	v61 =	vld [tilespmem:s14+$0x370];
	[tilespmem:s14+$0x300] =	vst v6;
	v6 =	vadd.f32 v8, v18  }
0x1d8: {  	v62 =	vld [tilespmem:s14+$0x700];
	[tilespmem:s14+$0x310] =	vst v7;
	v7 =	vadd.f32 v9, v19  }
0x1d9: {  	v63 =	vld [tilespmem:s14+$0x710];
	[tilespmem:s14+$0x320] =	vst v6;
	v6 =	vadd.f32 v10, v20  }
0x1da: {  	v8 =	vadd.f32 v11, v60;
	[tilespmem:s14+$0x330] =	vst v7;
	v7 =	vld [tilespmem:s14+$0x720]  }
0x1db: {  	v9 =	vadd.f32 v12, v21;
	[tilespmem:s14+$0x340] =	vst v6;
	v6 =	vld [tilespmem:s14+$0x730]  }
0x1dc: {  	[tilespmem:s14+$0x350] =	vst v8;
	v8 =	vld [tilespmem:s14+$0x740];
	v10 =	vadd.f32 v13, v61  }
0x1dd: {  	v12 =	vadd.f32 v14, v62;
	[tilespmem:s14+$0x360] =	vst v9;
	v9 =	vld [tilespmem:s14+$0x750]  }
0x1de: {  	s16 =	simm.s32 $0x2000;
	s15 =	simm.s32 $0x0;
	v11 =	vadd.f32 v15, v63;
	[tilespmem:s14+$0x370] =	vst v10;
	v10 =	vld [tilespmem:s14+$0x760]  }
.LBB2_15:
0x1df: {  	s17 =	sshra.s32 s16, $0x2;
	p0 =	sne.s32 s16, $0x1E000;
	[tilespmem:s15+$0x700] =	vst v12;
	v5 =	vadd.f32 v5, v7;
	v7 =	vld [tilespmem:s15+$0x770]  }
0x1e0: {  	v12 =	vld [tilespmem:s17+$0x8300];
	[tilespmem:s15+$0x710] =	vst v11;
	v4 =	vadd.f32 v4, v6  }
0x1e1: {  	v6 =	vld [tilespmem:s17+$0x8310];
	[tilespmem:s15+$0x720] =	vst v5;
	v3 =	vadd.f32 v3, v8  }
0x1e2: {  	v8 =	vld [tilespmem:s17+$0x8320];
	[tilespmem:s15+$0x730] =	vst v4;
	v2 =	vadd.f32 v2, v9  }
0x1e3: {  	v9 =	vld [tilespmem:s17+$0x8330];
	[tilespmem:s15+$0x740] =	vst v3;
	v1 =	vadd.f32 v1, v10  }
0x1e4: {  	v10 =	vld [tilespmem:s17+$0x8340];
	[tilespmem:s15+$0x750] =	vst v2;
	v0 =	vadd.f32 v0, v7  }
0x1e5: {  	v7 =	vld [tilespmem:s17+$0x8350];
	[tilespmem:s15+$0x760] =	vst v1  }
0x1e6: {  	v11 =	vld [tilespmem:s17+$0x8360];
	[tilespmem:s15+$0x770] =	vst v0;
	s15 =	smov.u32 s17  }
0x1e7: {  	v13 =	vld [tilespmem:s15+$0x8370]  }
0x1e8: {  	v14 =	vld [tilespmem:s15+$0x8700]  }
0x1e9: {  	v15 =	vld [tilespmem:s15+$0x8710]  }
0x1ea: {  	v5 =	vld [tilespmem:s15+$0x8720]  }
0x1eb: {  	v4 =	vld [tilespmem:s15+$0x8730]  }
0x1ec: {  	v3 =	vld [tilespmem:s15+$0x8740]  }
0x1ed: {  	v2 =	vld [tilespmem:s15+$0x8750]  }
0x1ee: {  	v1 =	vld [tilespmem:s15+$0x8760]  }
0x1ef: {  	v0 =	vld [tilespmem:s15+$0x8770]  }
0x1f0: {  	v16 =	vld [tilespmem:s15+$0x300]  }
0x1f1: {  	v17 =	vld [tilespmem:s15+$0x310]  }
0x1f2: {  	v18 =	vld [tilespmem:s15+$0x320]  }
0x1f3: {  	v19 =	vld [tilespmem:s15+$0x330]  }
0x1f4: {  	v20 =	vld [tilespmem:s15+$0x340]  }
0x1f5: {  	v12 =	vadd.f32 v12, v16;
	v16 =	vld [tilespmem:s15+$0x350]  }
0x1f6: {  	v6 =	vadd.f32 v6, v17;
	v17 =	vld [tilespmem:s15+$0x360]  }
0x1f7: {  	[tilespmem:s15+$0x300] =	vst v12;
	v8 =	vadd.f32 v8, v18;
	v12 =	vld [tilespmem:s15+$0x370]  }
0x1f8: {  	[tilespmem:s15+$0x310] =	vst v6;
	v6 =	vadd.f32 v9, v19;
	v9 =	vld [tilespmem:s15+$0x700]  }
0x1f9: {  	[tilespmem:s15+$0x320] =	vst v8;
	v8 =	vadd.f32 v10, v20;
	v10 =	vld [tilespmem:s15+$0x710]  }
.Ltmp6:
0x1fa: {  	[tilespmem:s15+$0x330] =	vst v6;
	v16 =	vadd.f32 v7, v16;
	v7 =	vld [tilespmem:s15+$0x720];
	(pc) =	sbr.rel @p0 .LBB2_15-.Ltmp6, $4  }
0x1fb: {  	[tilespmem:s15+$0x340] =	vst v8;
	v11 =	vadd.f32 v11, v17;
	v6 =	vld [tilespmem:s15+$0x730]  }
0x1fc: {  	[tilespmem:s15+$0x350] =	vst v16;
	v13 =	vadd.f32 v13, v12;
	v8 =	vld [tilespmem:s15+$0x740]  }
0x1fd: {  	[tilespmem:s15+$0x360] =	vst v11;
	v12 =	vadd.f32 v14, v9;
	v9 =	vld [tilespmem:s15+$0x750]  }
0x1fe: {  	s16 =	sadd.s32 $0x2000, s16;
	[tilespmem:s15+$0x370] =	vst v13;
	v11 =	vadd.f32 v15, v10;
	v10 =	vld [tilespmem:s15+$0x760]  }
0x1ff: {  	[tilespmem:s15+$0x700] =	vst v12;
	v5 =	vadd.f32 v5, v7;
	v7 =	vld [tilespmem:s15+$0x770]  }
0x200: {  	[tilespmem:s15+$0x710] =	vst v11;
	v4 =	vadd.f32 v4, v6  }
0x201: {  	[tilespmem:s15+$0x720] =	vst v5;
	v3 =	vadd.f32 v3, v8  }
0x202: {  	[tilespmem:s15+$0x730] =	vst v4;
	v2 =	vadd.f32 v2, v9  }
0x203: {  	[tilespmem:s15+$0x740] =	vst v3;
	v1 =	vadd.f32 v1, v10  }
0x204: {  	[tilespmem:s15+$0x750] =	vst v2;
	v0 =	vadd.f32 v0, v7  }
0x205: {  	[tilespmem:s15+$0x760] =	vst v1  }
0x206: {  	[tilespmem:s15+$0x770] =	vst v0  }
0x207: {  	v6 =	vld [tilespmem:s14+$0x8380]  }
0x208: {  	v7 =	vld [tilespmem:s14+$0x8390]  }
0x209: {  	v8 =	vld [tilespmem:s14+$0x83A0]  }
0x20a: {  	v9 =	vld [tilespmem:s14+$0x83B0]  }
0x20b: {  	v10 =	vld [tilespmem:s14+$0x83C0]  }
0x20c: {  	v11 =	vld [tilespmem:s14+$0x83D0]  }
0x20d: {  	v12 =	vld [tilespmem:s14+$0x83E0]  }
0x20e: {  	v13 =	vld [tilespmem:s14+$0x83F0]  }
0x20f: {  	v14 =	vld [tilespmem:s14+$0x8780]  }
0x210: {  	v15 =	vld [tilespmem:s14+$0x8790]  }
0x211: {  	v5 =	vld [tilespmem:s14+$0x87A0]  }
0x212: {  	v4 =	vld [tilespmem:s14+$0x87B0]  }
0x213: {  	v3 =	vld [tilespmem:s14+$0x87C0]  }
0x214: {  	v2 =	vld [tilespmem:s14+$0x87D0]  }
0x215: {  	v1 =	vld [tilespmem:s14+$0x87E0]  }
0x216: {  	v0 =	vld [tilespmem:s14+$0x87F0]  }
0x217: {  	v16 =	vld [tilespmem:s14+$0x380]  }
0x218: {  	v17 =	vld [tilespmem:s14+$0x390]  }
0x219: {  	v18 =	vld [tilespmem:s14+$0x3A0]  }
0x21a: {  	v19 =	vld [tilespmem:s14+$0x3B0]  }
0x21b: {  	v20 =	vld [tilespmem:s14+$0x3C0]  }
0x21c: {  	v60 =	vld [tilespmem:s14+$0x3D0];
	v6 =	vadd.f32 v6, v16  }
0x21d: {  	v21 =	vld [tilespmem:s14+$0x3E0];
	v7 =	vadd.f32 v7, v17  }
0x21e: {  	v61 =	vld [tilespmem:s14+$0x3F0];
	[tilespmem:s14+$0x380] =	vst v6;
	v6 =	vadd.f32 v8, v18  }
0x21f: {  	v62 =	vld [tilespmem:s14+$0x780];
	[tilespmem:s14+$0x390] =	vst v7;
	v7 =	vadd.f32 v9, v19  }
0x220: {  	v63 =	vld [tilespmem:s14+$0x790];
	[tilespmem:s14+$0x3A0] =	vst v6;
	v6 =	vadd.f32 v10, v20  }
0x221: {  	v8 =	vadd.f32 v11, v60;
	[tilespmem:s14+$0x3B0] =	vst v7;
	v7 =	vld [tilespmem:s14+$0x7A0]  }
0x222: {  	v9 =	vadd.f32 v12, v21;
	[tilespmem:s14+$0x3C0] =	vst v6;
	v6 =	vld [tilespmem:s14+$0x7B0]  }
0x223: {  	[tilespmem:s14+$0x3D0] =	vst v8;
	v8 =	vld [tilespmem:s14+$0x7C0];
	v10 =	vadd.f32 v13, v61  }
0x224: {  	v12 =	vadd.f32 v14, v62;
	[tilespmem:s14+$0x3E0] =	vst v9;
	v9 =	vld [tilespmem:s14+$0x7D0]  }
0x225: {  	s15 =	simm.s32 $0x2000;
	v11 =	vadd.f32 v15, v63;
	[tilespmem:s14+$0x3F0] =	vst v10;
	v10 =	vld [tilespmem:s14+$0x7E0]  }
.LBB2_17:
0x226: {  	s16 =	sshra.s32 s15, $0x2;
	p0 =	sne.s32 s15, $0x1E000;
	[tilespmem:s14+$0x780] =	vst v12;
	v5 =	vadd.f32 v5, v7;
	v7 =	vld [tilespmem:s14+$0x7F0]  }
0x227: {  	v12 =	vld [tilespmem:s16+$0x8380];
	[tilespmem:s14+$0x790] =	vst v11;
	v4 =	vadd.f32 v4, v6  }
0x228: {  	v6 =	vld [tilespmem:s16+$0x8390];
	[tilespmem:s14+$0x7A0] =	vst v5;
	v3 =	vadd.f32 v3, v8  }
0x229: {  	v8 =	vld [tilespmem:s16+$0x83A0];
	[tilespmem:s14+$0x7B0] =	vst v4;
	v2 =	vadd.f32 v2, v9  }
0x22a: {  	v9 =	vld [tilespmem:s16+$0x83B0];
	[tilespmem:s14+$0x7C0] =	vst v3;
	v1 =	vadd.f32 v1, v10  }
0x22b: {  	v10 =	vld [tilespmem:s16+$0x83C0];
	[tilespmem:s14+$0x7D0] =	vst v2;
	v0 =	vadd.f32 v0, v7  }
0x22c: {  	v7 =	vld [tilespmem:s16+$0x83D0];
	[tilespmem:s14+$0x7E0] =	vst v1  }
0x22d: {  	v11 =	vld [tilespmem:s16+$0x83E0];
	[tilespmem:s14+$0x7F0] =	vst v0;
	s14 =	smov.u32 s16  }
0x22e: {  	v13 =	vld [tilespmem:s14+$0x83F0]  }
0x22f: {  	v14 =	vld [tilespmem:s14+$0x8780]  }
0x230: {  	v15 =	vld [tilespmem:s14+$0x8790]  }
0x231: {  	v5 =	vld [tilespmem:s14+$0x87A0]  }
0x232: {  	v4 =	vld [tilespmem:s14+$0x87B0]  }
0x233: {  	v3 =	vld [tilespmem:s14+$0x87C0]  }
0x234: {  	v2 =	vld [tilespmem:s14+$0x87D0]  }
0x235: {  	v1 =	vld [tilespmem:s14+$0x87E0]  }
0x236: {  	v0 =	vld [tilespmem:s14+$0x87F0]  }
0x237: {  	v16 =	vld [tilespmem:s14+$0x380]  }
0x238: {  	v17 =	vld [tilespmem:s14+$0x390]  }
0x239: {  	v18 =	vld [tilespmem:s14+$0x3A0]  }
0x23a: {  	v19 =	vld [tilespmem:s14+$0x3B0]  }
0x23b: {  	v20 =	vld [tilespmem:s14+$0x3C0]  }
0x23c: {  	v12 =	vadd.f32 v12, v16;
	v16 =	vld [tilespmem:s14+$0x3D0]  }
0x23d: {  	v6 =	vadd.f32 v6, v17;
	v17 =	vld [tilespmem:s14+$0x3E0]  }
0x23e: {  	[tilespmem:s14+$0x380] =	vst v12;
	v8 =	vadd.f32 v8, v18;
	v12 =	vld [tilespmem:s14+$0x3F0]  }
0x23f: {  	[tilespmem:s14+$0x390] =	vst v6;
	v6 =	vadd.f32 v9, v19;
	v9 =	vld [tilespmem:s14+$0x780]  }
0x240: {  	[tilespmem:s14+$0x3A0] =	vst v8;
	v8 =	vadd.f32 v10, v20;
	v10 =	vld [tilespmem:s14+$0x790]  }
.Ltmp7:
0x241: {  	[tilespmem:s14+$0x3B0] =	vst v6;
	v16 =	vadd.f32 v7, v16;
	v7 =	vld [tilespmem:s14+$0x7A0];
	(pc) =	sbr.rel @p0 .LBB2_17-.Ltmp7, $4  }
0x242: {  	[tilespmem:s14+$0x3C0] =	vst v8;
	v11 =	vadd.f32 v11, v17;
	v6 =	vld [tilespmem:s14+$0x7B0]  }
0x243: {  	[tilespmem:s14+$0x3D0] =	vst v16;
	v13 =	vadd.f32 v13, v12;
	v8 =	vld [tilespmem:s14+$0x7C0]  }
0x244: {  	[tilespmem:s14+$0x3E0] =	vst v11;
	v12 =	vadd.f32 v14, v9;
	v9 =	vld [tilespmem:s14+$0x7D0]  }
0x245: {  	s15 =	sadd.s32 $0x2000, s15;
	[tilespmem:s14+$0x3F0] =	vst v13;
	v11 =	vadd.f32 v15, v10;
	v10 =	vld [tilespmem:s14+$0x7E0]  }
0x246: {  	[tilespmem:s14+$0x780] =	vst v12;
	v5 =	vadd.f32 v5, v7;
	v63 =	vld [tilespmem:s14+$0x7F0]  }
0x247: {  	[tilespmem:s14+$0x790] =	vst v11;
	v4 =	vadd.f32 v4, v6  }
0x248: {  	[tilespmem:s14+$0x7A0] =	vst v5;
	v3 =	vadd.f32 v3, v8  }
0x249: {  	[tilespmem:s14+$0x7B0] =	vst v4;
	v2 =	vadd.f32 v2, v9  }
0x24a: {  	[tilespmem:s14+$0x7C0] =	vst v3;
	v1 =	vadd.f32 v1, v10  }
0x24b: {  	s12 =	sadd.s32 $0x1, s12;
	[tilespmem:s14+$0x7D0] =	vst v2;
	v0 =	vadd.f32 v0, v63  }
0x24c: {  	p0 =	sne.s32 s12, $0x40;
	[tilespmem:s14+$0x7E0] =	vst v1  }
.Ltmp8:
0x24d: {  	s13 =	sadd.s32 s4, s13;
	[tilespmem:s14+$0x7F0] =	vst v0;
	(pc) =	sbr.rel @p0 .LBB2_2-.Ltmp8, $4  }
0x24e: {  	[hbm4b:s13+s5] =	stream.linear.scatter [tilespmem:s5], [sflag:$0x1], $0x8000, $0x38;
	[tilespmem:$0x10000] =	vst v63  }
0x24f: {  	_ =	swait.ge [sflag:s9], $0x8000  }
0x250: {  	[sflag:s9] =	ssyncset.done $0x0  }
0x251: {  	[sflag:s9] =	ssyncadd.s32 $0xFFFF8000  }
0x252: {  	s11 =	sadd.s32 $0x1, s11  }
0x253: {  	p0 =	sne.s32 s11, s8  }
.Ltmp9:
0x254: {  	_ = 	snop;
	(pc) =	sbr.rel @p0 .LBB2_1-.Ltmp9, $1  }
0x255: {  	_ =	sdelay $0x3  }
0x256: {  	_ =	sfence.sel $0x180000  }
0x257: {  	[bflag:$0x0] =	sbarrier.arrive $0xFFFF  }
0x258: {  	p0 =	sne.s32 s2, $0x0;
	_ =	strace $0x90000047  }
0x259: {  	s0 =	sadd.s32 @!p0 $0x100000, s0;
	[bflag:$0x2] =	sbarrier.arrive $0xFFFF  }
0x25a: {  	[sflag:s0] =	ssyncadd.tile.s32 @!p0 $0x1;
	_ =	shalt  }
.Lfunc_end2:
_tile_overlayer_lowered:
.L_overlay_start_2:
0x25b: {  	(tag) =	ssettag $0x2  }
0x25c: {  	s0 =	rddreg [dreg:$0x0];
	s2 =	stileid.u32  }
0x25d: {  	s1 =	rddreg [dreg:$0x1];
	p0 =	sne.s32 s2, $0x0  }
0x25e: {  	s3 =	rddreg [dreg:$0x2];
	[bflag:$0x3] =	sbarrier.arrive $0xFFFF;
	s2 =	simm.s32 @!p0 $0x1C01  }
0x25f: {  	[timem:s3], [sflag:s2] =	dma.local @!p0 [hbm:s0], s1  }
0x260: {  	s0 =	simm.s32 @!p0 $0x1  }
0x261: {  	_ =	swait.ge @!p0 [sflag:s0], s1  }
0x262: {  	s1 =	ssub.s32 @!p0 $0x0, s1;
	[sflag:s0] =	ssyncset.done @!p0 $0x0  }
0x263: {  	[sflag:s0] =	ssyncadd.s32 @!p0 s1  }
0x264: {  	[bflag:$0x3] =	sbarrier.arrive $0xFFFF  }
0x265: {  	_ =	shalt  }

</sc_bundles>
